<compile_context>
chip_gen: v7x
topology: tpu7x:2x2x1
jax: 0.10.2.dev20260603
libtpu: 0.0.44.dev20260713+nightly
codegen_flags: <defaults>
</compile_context>

<pallas_src>
import jax
import jax.numpy as jnp
from jax import lax
from jax.experimental import pallas as pl
from jax.experimental.pallas import tpu as pltpu
from jax.experimental.pallas import tpu_sc as plsc

V, D, B, L = 100000, 128, 4096, 50
NC, NS, LANES = 2, 16, 16
NW = NC * NS
BPW = B // NW
C = 4
ROWS = C * L
NCH = BPW // C
NBUF = 4
KD = D // LANES
PAD = 17
GROUPS = (0, 16, 32)


def _body(center_hbm, ctx_hbm, in_hbm, out_hbm, score_hbm,
          cidx_all, ctx_idx_all, vrows, urows, score_v, sems, osems):
    wid = lax.axis_index("s") * NC + lax.axis_index("c")
    iota = lax.iota(jnp.int32, LANES)
    SCP = ROWS + LANES

    pltpu.sync_copy(center_hbm.at[pl.ds(wid * BPW, BPW)], cidx_all)
    pltpu.sync_copy(ctx_hbm.at[pl.ds(wid * BPW * L, BPW * L)], ctx_idx_all)
    pltpu.async_copy(in_hbm.at[cidx_all], vrows, sems.at[0]).wait()

    def issue(ch, buf):
        pltpu.async_copy(out_hbm.at[ctx_idx_all.at[pl.ds(ch * ROWS, ROWS)]],
                         urows.at[pl.ds(buf * ROWS, ROWS)], sems.at[buf])

    def wait(buf):
        pltpu.make_async_copy(out_hbm.at[pl.ds(0, ROWS)],
                              urows.at[pl.ds(buf * ROWS, ROWS)],
                              sems.at[buf]).wait()

    for p in range(NBUF - 1):
        issue(p, p)

    @pl.loop(0, NCH)
    def _outer(ch):
        buf = lax.rem(ch, NBUF)

        @pl.when(ch + NBUF - 1 < NCH)
        def _prefetch():
            issue(ch + NBUF - 1, lax.rem(ch + NBUF - 1, NBUF))

        wait(buf)
        ub = buf * ROWS
        sb = buf * SCP

        @pl.when(ch >= NBUF)
        def _reclaim():
            pltpu.make_async_copy(score_v.at[pl.ds(sb, ROWS)],
                                  score_hbm.at[pl.ds(0, ROWS)],
                                  osems.at[buf]).wait()

        @pl.loop(0, C)
        def _b(b):
            vvecs = [vrows[ch * C + b, pl.ds(k * LANES, LANES)]
                     for k in range(KD)]
            for s in GROUPS:
                score_vec = jnp.zeros((LANES,), jnp.float32)
                for r in range(LANES):
                    row = ub + b * L + s + r
                    prods = [vvecs[k] * urows[row, pl.ds(k * LANES, LANES)]
                             for k in range(KD)]
                    while len(prods) > 1:
                        prods = [prods[i] + prods[i + 1]
                                 for i in range(0, len(prods), 2)]
                    score_vec = jnp.where(iota == r, jnp.sum(prods[0]),
                                          score_vec)
                score_v[pl.ds(sb + b * L + s, LANES)] = score_vec
            tail = jnp.zeros((LANES,), jnp.float32)
            for r in range(2):
                row = ub + b * L + 48 + r
                prods = [vvecs[k] * urows[row, pl.ds(k * LANES, LANES)]
                         for k in range(KD)]
                while len(prods) > 1:
                    prods = [prods[i] + prods[i + 1]
                             for i in range(0, len(prods), 2)]
                tail = jnp.where(iota == r, jnp.sum(prods[0]), tail)
            score_v[pl.ds(sb + b * L + 48, LANES)] = tail

        pltpu.async_copy(score_v.at[pl.ds(sb, ROWS)],
                         score_hbm.at[pl.ds((wid * BPW + ch * C) * L, ROWS)],
                         osems.at[buf])

    for p in range(NBUF):
        pltpu.make_async_copy(score_v.at[pl.ds(p * (ROWS + LANES), ROWS)],
                              score_hbm.at[pl.ds(0, ROWS)],
                              osems.at[p]).wait()


def kernel(center, context, in_em, out_em):
    ctx_flat = context.reshape(B * L).astype(jnp.int32)
    center32 = center.astype(jnp.int32)
    mesh = plsc.VectorSubcoreMesh(core_axis_name="c", subcore_axis_name="s")
    score = pl.kernel(
        _body,
        out_type=jax.ShapeDtypeStruct((B * L,), jnp.float32),
        mesh=mesh,
        compiler_params=pltpu.CompilerParams(needs_layout_passes=False),
        scratch_types=[
            pltpu.VMEM((BPW,), jnp.int32),
            pltpu.VMEM((BPW * L,), jnp.int32),
            pltpu.VMEM((BPW, D), jnp.float32),
            pltpu.VMEM((NBUF * ROWS, D), jnp.float32),
            pltpu.VMEM((NBUF * (ROWS + LANES),), jnp.float32),
            pltpu.SemaphoreType.DMA((NBUF,)),
            pltpu.SemaphoreType.DMA((NBUF,)),
        ],
    )(center32, ctx_flat, in_em, out_em)
    return score.reshape(B, L)

# --- scband reference (transcript-rebuilt; emitter-appended) ---
"""Pipeline reference for scband-word2-vec-5832565588438 (READ-ONLY COPY).

The authoritative reference and input builder live on the scoring server;
editing this copy changes nothing except your own understanding.
"""

import jax, jax.numpy as jnp
import numpy as np

V, D, B, L = 100000, 128, 4096, 50

def setup_inputs(seed: int = 0) -> dict:
    key = jax.random.key(seed)
    k1, k2, k3, k4 = jax.random.split(key, 4)
    center = jax.random.randint(k1, (B,), 0, V, dtype=jnp.int64) if jax.config.jax_enable_x64 else jax.random.randint(k1, (B,), 0, V).astype(jnp.int32)
    context = jax.random.randint(k2, (B, L), 0, V, dtype=jnp.int64) if jax.config.jax_enable_x64 else jax.random.randint(k2, (B, L), 0, V).astype(jnp.int32)
    init_range = 0.5 / D
    in_em = jax.random.uniform(k3, (V, D), minval=-init_range, maxval=init_range, dtype=jnp.float32)
    out_em = jax.random.uniform(k4, (V, D), minval=-init_range, maxval=init_range, dtype=jnp.float32)
    return {"center": center, "context": context, "in_em": in_em, "out_em": out_em}

def reference(center, context, in_em, out_em):
    # v = self.in_em(center) -> [B, D]
    v = jnp.take(in_em, center, axis=0)
    # u = self.out_em(context) -> [B, L, D]
    u = jnp.take(out_em, context, axis=0)
    # score = bmm(u, v.unsqueeze(2)).squeeze(2) -> [B, L]
    score = jnp.einsum('bld,bd->bl', u, v)
    return score

if __name__ == "__main__":
    import jax
    _d = setup_inputs()
    print(jax.jit(kernel)(*tuple(_d.values())))

</pallas_src>

<mosaic_0001>
#map = affine_map<(d0, d1) -> (0)>
#map1 = affine_map<(d0, d1) -> (0, 0)>
module attributes {stable_mosaic.version = 14 : i64} {
  func.func @_body(%arg0: i32, %arg1: i32, %arg2: memref<4096xi32, #tpu.memory_space<hbm>>, %arg3: memref<204800xi32, #tpu.memory_space<hbm>>, %arg4: memref<100000x128xf32, #tpu.memory_space<hbm>>, %arg5: memref<100000x128xf32, #tpu.memory_space<hbm>>, %arg6: memref<204800xf32, #tpu.memory_space<hbm>>, %arg7: memref<128xi32, #tpu.memory_space<vmem>>, %arg8: memref<6400xi32, #tpu.memory_space<vmem>>, %arg9: memref<128x128xf32, #tpu.memory_space<vmem>>, %arg10: memref<800x128xf32, #tpu.memory_space<vmem>>, %arg11: memref<864xf32, #tpu.memory_space<vmem>>, %arg12: memref<4x!tpu.dma_semaphore, #tpu.memory_space<semaphore_mem>>, %arg13: memref<4x!tpu.dma_semaphore, #tpu.memory_space<semaphore_mem>>) attributes {dimension_semantics = [#tpu.dimension_semantics<core_parallel>, #tpu.dimension_semantics<subcore_parallel>], iteration_bounds = array<i64: 2, 16>, scalar_prefetch = 0 : i64, scratch_operands = 7 : i64, tpu.core_type = #tpu.core_type<sc_vector_subcore>, window_params = [{transform_indices = #map}, {transform_indices = #map}, {transform_indices = #map1}, {transform_indices = #map1}, {transform_indices = #map}]} {
    %mul3A = arith.constant 2 : i32
    %mul3A_0 = arith.muli %arg1, %mul3A : i32
    %add3A = arith.addi %mul3A_0, %arg0 : i32
    %iota3A = tpu.iota {dimensions = array<i32: 0>} : vector<16xi32>
    %mul3A_1 = arith.constant 128 : i32
    %mul3A_2 = arith.muli %add3A, %mul3A_1 : i32
    "tpu.region"() ({
      %run_scoped3A = tpu.sem_alloc : memref<!tpu.dma_semaphore, #tpu.memory_space<semaphore_mem>>
      %dma_start3A_98 = tpu.memref_slice %arg2[%mul3A_2] : memref<4096xi32, #tpu.memory_space<hbm>> -> memref<128xi32, #tpu.memory_space<hbm>>
      %dma_start3A_99 = tpu.memref_slice %arg2[%mul3A_2] : memref<4096xi32, #tpu.memory_space<hbm>> -> memref<128xi32, #tpu.memory_space<hbm>>
      tpu.enqueue_dma source(%dma_start3A_99 : memref<128xi32, #tpu.memory_space<hbm>>) target(%arg7 : memref<128xi32, #tpu.memory_space<vmem>>) target_semaphore(%run_scoped3A : memref<!tpu.dma_semaphore, #tpu.memory_space<semaphore_mem>>)
      %dma_wait3A_100 = tpu.memref_slice %arg2[%mul3A_2] : memref<4096xi32, #tpu.memory_space<hbm>> -> memref<128xi32, #tpu.memory_space<hbm>>
      %dma_wait3A_101 = tpu.memref_slice %arg2[%mul3A_2] : memref<4096xi32, #tpu.memory_space<hbm>> -> memref<128xi32, #tpu.memory_space<hbm>>
      tpu.wait_dma2 semaphore(%run_scoped3A : memref<!tpu.dma_semaphore, #tpu.memory_space<semaphore_mem>>) src(%dma_wait3A_101 : memref<128xi32, #tpu.memory_space<hbm>>) dst(%arg7 : memref<128xi32, #tpu.memory_space<vmem>>)
      tpu.yield
    }) : () -> ()
    %mul3A_3 = arith.constant 128 : i32
    %mul3A_4 = arith.muli %add3A, %mul3A_3 : i32
    %mul3A_5 = arith.constant 50 : i32
    %mul3A_6 = arith.muli %mul3A_4, %mul3A_5 : i32
    "tpu.region"() ({
      %run_scoped3A = tpu.sem_alloc : memref<!tpu.dma_semaphore, #tpu.memory_space<semaphore_mem>>
      %dma_start3A_98 = tpu.memref_slice %arg3[%mul3A_6] : memref<204800xi32, #tpu.memory_space<hbm>> -> memref<6400xi32, #tpu.memory_space<hbm>>
      %dma_start3A_99 = tpu.memref_slice %arg3[%mul3A_6] : memref<204800xi32, #tpu.memory_space<hbm>> -> memref<6400xi32, #tpu.memory_space<hbm>>
      tpu.enqueue_dma source(%dma_start3A_99 : memref<6400xi32, #tpu.memory_space<hbm>>) target(%arg8 : memref<6400xi32, #tpu.memory_space<vmem>>) target_semaphore(%run_scoped3A : memref<!tpu.dma_semaphore, #tpu.memory_space<semaphore_mem>>)
      %dma_wait3A_100 = tpu.memref_slice %arg3[%mul3A_6] : memref<204800xi32, #tpu.memory_space<hbm>> -> memref<6400xi32, #tpu.memory_space<hbm>>
      %dma_wait3A_101 = tpu.memref_slice %arg3[%mul3A_6] : memref<204800xi32, #tpu.memory_space<hbm>> -> memref<6400xi32, #tpu.memory_space<hbm>>
      tpu.wait_dma2 semaphore(%run_scoped3A : memref<!tpu.dma_semaphore, #tpu.memory_space<semaphore_mem>>) src(%dma_wait3A_101 : memref<6400xi32, #tpu.memory_space<hbm>>) dst(%arg8 : memref<6400xi32, #tpu.memory_space<vmem>>)
      tpu.yield
    }) : () -> ()
    %dma_start3A = arith.constant 0 : i32
    %dma_start3A_7 = arith.constant 0 : i32
    %dma_start3A_8 = arith.constant 0 : i32
    %dma_start3A_9 = tpu.memref_slice %arg4[%dma_start3A_7, %dma_start3A_8] : memref<100000x128xf32, #tpu.memory_space<hbm>> -> memref<100000x128xf32, #tpu.memory_space<hbm>>
    %dma_start3A_10 = tpu.memref_slice %arg12[%dma_start3A] : memref<4x!tpu.dma_semaphore, #tpu.memory_space<semaphore_mem>> -> memref<1x!tpu.dma_semaphore, #tpu.memory_space<semaphore_mem>>
    %dma_start3A_11 = tpu.memref_squeeze %dma_start3A_10 : memref<1x!tpu.dma_semaphore, #tpu.memory_space<semaphore_mem>> -> memref<!tpu.dma_semaphore, #tpu.memory_space<semaphore_mem>>
    tpu.enqueue_indirect_dma source(%dma_start3A_9 : memref<100000x128xf32, #tpu.memory_space<hbm>>) target(%arg9 : memref<128x128xf32, #tpu.memory_space<vmem>>) offsets(%arg7 : memref<128xi32, #tpu.memory_space<vmem>>) semaphore(%dma_start3A_11 : memref<!tpu.dma_semaphore, #tpu.memory_space<semaphore_mem>>)
    %dma_wait3A = arith.constant 0 : i32
    %dma_wait3A_12 = arith.constant 0 : i32
    %dma_wait3A_13 = arith.constant 0 : i32
    %dma_wait3A_14 = tpu.memref_slice %arg4[%dma_wait3A_12, %dma_wait3A_13] : memref<100000x128xf32, #tpu.memory_space<hbm>> -> memref<100000x128xf32, #tpu.memory_space<hbm>>
    %dma_wait3A_15 = tpu.memref_slice %arg12[%dma_wait3A] : memref<4x!tpu.dma_semaphore, #tpu.memory_space<semaphore_mem>> -> memref<1x!tpu.dma_semaphore, #tpu.memory_space<semaphore_mem>>
    %dma_wait3A_16 = tpu.memref_squeeze %dma_wait3A_15 : memref<1x!tpu.dma_semaphore, #tpu.memory_space<semaphore_mem>> -> memref<!tpu.dma_semaphore, #tpu.memory_space<semaphore_mem>>
    tpu.wait_indirect_dma semaphore(%dma_wait3A_16 : memref<!tpu.dma_semaphore, #tpu.memory_space<semaphore_mem>>) src(%dma_wait3A_14 : memref<100000x128xf32, #tpu.memory_space<hbm>>) dst(%arg9 : memref<128x128xf32, #tpu.memory_space<vmem>>)
    %dma_start3A_17 = arith.constant 0 : i32
    %dma_start3A_18 = arith.constant 0 : i32
    %dma_start3A_19 = arith.constant 0 : i32
    %dma_start3A_20 = tpu.memref_slice %arg10[%dma_start3A_18, %dma_start3A_19] : memref<800x128xf32, #tpu.memory_space<vmem>> -> memref<200x128xf32, #tpu.memory_space<vmem>>
    %dma_start3A_21 = arith.constant 0 : i32
    %dma_start3A_22 = tpu.memref_slice %arg8[%dma_start3A_21] : memref<6400xi32, #tpu.memory_space<vmem>> -> memref<200xi32, #tpu.memory_space<vmem>>
    %dma_start3A_23 = arith.constant 0 : i32
    %dma_start3A_24 = arith.constant 0 : i32
    %dma_start3A_25 = tpu.memref_slice %arg5[%dma_start3A_23, %dma_start3A_24] : memref<100000x128xf32, #tpu.memory_space<hbm>> -> memref<100000x128xf32, #tpu.memory_space<hbm>>
    %dma_start3A_26 = tpu.memref_slice %arg12[%dma_start3A_17] : memref<4x!tpu.dma_semaphore, #tpu.memory_space<semaphore_mem>> -> memref<1x!tpu.dma_semaphore, #tpu.memory_space<semaphore_mem>>
    %dma_start3A_27 = tpu.memref_squeeze %dma_start3A_26 : memref<1x!tpu.dma_semaphore, #tpu.memory_space<semaphore_mem>> -> memref<!tpu.dma_semaphore, #tpu.memory_space<semaphore_mem>>
    tpu.enqueue_indirect_dma source(%dma_start3A_25 : memref<100000x128xf32, #tpu.memory_space<hbm>>) target(%dma_start3A_20 : memref<200x128xf32, #tpu.memory_space<vmem>>) offsets(%dma_start3A_22 : memref<200xi32, #tpu.memory_space<vmem>>) semaphore(%dma_start3A_27 : memref<!tpu.dma_semaphore, #tpu.memory_space<semaphore_mem>>)
    %dma_start3A_28 = arith.constant 1 : i32
    %dma_start3A_29 = arith.constant 200 : i32
    %dma_start3A_30 = arith.constant 0 : i32
    %dma_start3A_31 = tpu.memref_slice %arg10[%dma_start3A_29, %dma_start3A_30] : memref<800x128xf32, #tpu.memory_space<vmem>> -> memref<200x128xf32, #tpu.memory_space<vmem>>
    %dma_start3A_32 = arith.constant 200 : i32
    %dma_start3A_33 = tpu.memref_slice %arg8[%dma_start3A_32] : memref<6400xi32, #tpu.memory_space<vmem>> -> memref<200xi32, #tpu.memory_space<vmem>>
    %dma_start3A_34 = arith.constant 0 : i32
    %dma_start3A_35 = arith.constant 0 : i32
    %dma_start3A_36 = tpu.memref_slice %arg5[%dma_start3A_34, %dma_start3A_35] : memref<100000x128xf32, #tpu.memory_space<hbm>> -> memref<100000x128xf32, #tpu.memory_space<hbm>>
    %dma_start3A_37 = tpu.memref_slice %arg12[%dma_start3A_28] : memref<4x!tpu.dma_semaphore, #tpu.memory_space<semaphore_mem>> -> memref<1x!tpu.dma_semaphore, #tpu.memory_space<semaphore_mem>>
    %dma_start3A_38 = tpu.memref_squeeze %dma_start3A_37 : memref<1x!tpu.dma_semaphore, #tpu.memory_space<semaphore_mem>> -> memref<!tpu.dma_semaphore, #tpu.memory_space<semaphore_mem>>
    tpu.enqueue_indirect_dma source(%dma_start3A_36 : memref<100000x128xf32, #tpu.memory_space<hbm>>) target(%dma_start3A_31 : memref<200x128xf32, #tpu.memory_space<vmem>>) offsets(%dma_start3A_33 : memref<200xi32, #tpu.memory_space<vmem>>) semaphore(%dma_start3A_38 : memref<!tpu.dma_semaphore, #tpu.memory_space<semaphore_mem>>)
    %dma_start3A_39 = arith.constant 2 : i32
    %dma_start3A_40 = arith.constant 400 : i32
    %dma_start3A_41 = arith.constant 0 : i32
    %dma_start3A_42 = tpu.memref_slice %arg10[%dma_start3A_40, %dma_start3A_41] : memref<800x128xf32, #tpu.memory_space<vmem>> -> memref<200x128xf32, #tpu.memory_space<vmem>>
    %dma_start3A_43 = arith.constant 400 : i32
    %dma_start3A_44 = tpu.memref_slice %arg8[%dma_start3A_43] : memref<6400xi32, #tpu.memory_space<vmem>> -> memref<200xi32, #tpu.memory_space<vmem>>
    %dma_start3A_45 = arith.constant 0 : i32
    %dma_start3A_46 = arith.constant 0 : i32
    %dma_start3A_47 = tpu.memref_slice %arg5[%dma_start3A_45, %dma_start3A_46] : memref<100000x128xf32, #tpu.memory_space<hbm>> -> memref<100000x128xf32, #tpu.memory_space<hbm>>
    %dma_start3A_48 = tpu.memref_slice %arg12[%dma_start3A_39] : memref<4x!tpu.dma_semaphore, #tpu.memory_space<semaphore_mem>> -> memref<1x!tpu.dma_semaphore, #tpu.memory_space<semaphore_mem>>
    %dma_start3A_49 = tpu.memref_squeeze %dma_start3A_48 : memref<1x!tpu.dma_semaphore, #tpu.memory_space<semaphore_mem>> -> memref<!tpu.dma_semaphore, #tpu.memory_space<semaphore_mem>>
    tpu.enqueue_indirect_dma source(%dma_start3A_47 : memref<100000x128xf32, #tpu.memory_space<hbm>>) target(%dma_start3A_42 : memref<200x128xf32, #tpu.memory_space<vmem>>) offsets(%dma_start3A_44 : memref<200xi32, #tpu.memory_space<vmem>>) semaphore(%dma_start3A_49 : memref<!tpu.dma_semaphore, #tpu.memory_space<semaphore_mem>>)
    %scan3A = arith.constant 0 : i32
    %scan3A_50 = arith.constant 32 : i32
    %scan3A_51 = arith.addi %scan3A, %scan3A_50 : i32
    %scan3A_52 = arith.constant 1 : i32
    scf.for %scan3A_98 = %scan3A to %scan3A_51 step %scan3A_52  : i32 {
      %mul3A_99 = arith.constant 1 : i32
      %mul3A_100 = arith.muli %scan3A_98, %mul3A_99 : i32
      %add3A_101 = arith.constant 0 : i32
      %add3A_102 = arith.addi %add3A_101, %mul3A_100 : i32
      %rem3A = arith.constant 4 : i32
      %rem3A_103 = arith.remsi %add3A_102, %rem3A : i32
      %add3A_104 = arith.constant 4 : i32
      %add3A_105 = arith.addi %add3A_102, %add3A_104 : i32
      %sub3A = arith.constant 1 : i32
      %sub3A_106 = arith.subi %add3A_105, %sub3A : i32
      %lt3A = arith.constant 32 : i32
      %lt3A_107 = arith.cmpi slt, %sub3A_106, %lt3A : i32
      %convert_element_type3A = arith.extui %lt3A_107 : i1 to i32
      %cond3A = arith.constant 0 : i32
      %cond3A_108 = arith.cmpi ne, %convert_element_type3A, %cond3A : i32
      scf.if %cond3A_108 {
        %add3A_149 = arith.constant 4 : i32
        %add3A_150 = arith.addi %add3A_102, %add3A_149 : i32
        %sub3A_151 = arith.constant 1 : i32
        %sub3A_152 = arith.subi %add3A_150, %sub3A_151 : i32
        %add3A_153 = arith.constant 4 : i32
        %add3A_154 = arith.addi %add3A_102, %add3A_153 : i32
        %sub3A_155 = arith.constant 1 : i32
        %sub3A_156 = arith.subi %add3A_154, %sub3A_155 : i32
        %rem3A_157 = arith.constant 4 : i32
        %rem3A_158 = arith.remsi %sub3A_156, %rem3A_157 : i32
        %mul3A_159 = arith.constant 200 : i32
        %mul3A_160 = arith.muli %sub3A_152, %mul3A_159 : i32
        %mul3A_161 = arith.constant 200 : i32
        %mul3A_162 = arith.muli %rem3A_158, %mul3A_161 : i32
        %dma_start3A_163 = arith.constant 0 : i32
        %dma_start3A_164 = tpu.memref_slice %arg10[%mul3A_162, %dma_start3A_163] : memref<800x128xf32, #tpu.memory_space<vmem>> -> memref<200x128xf32, #tpu.memory_space<vmem>>
        %dma_start3A_165 = tpu.memref_slice %arg8[%mul3A_160] : memref<6400xi32, #tpu.memory_space<vmem>> -> memref<200xi32, #tpu.memory_space<vmem>>
        %dma_start3A_166 = arith.constant 0 : i32
        %dma_start3A_167 = arith.constant 0 : i32
        %dma_start3A_168 = tpu.memref_slice %arg5[%dma_start3A_166, %dma_start3A_167] : memref<100000x128xf32, #tpu.memory_space<hbm>> -> memref<100000x128xf32, #tpu.memory_space<hbm>>
        %dma_start3A_169 = tpu.memref_slice %arg12[%rem3A_158] : memref<4x!tpu.dma_semaphore, #tpu.memory_space<semaphore_mem>> -> memref<1x!tpu.dma_semaphore, #tpu.memory_space<semaphore_mem>>
        %dma_start3A_170 = tpu.memref_squeeze %dma_start3A_169 : memref<1x!tpu.dma_semaphore, #tpu.memory_space<semaphore_mem>> -> memref<!tpu.dma_semaphore, #tpu.memory_space<semaphore_mem>>
        tpu.enqueue_indirect_dma source(%dma_start3A_168 : memref<100000x128xf32, #tpu.memory_space<hbm>>) target(%dma_start3A_164 : memref<200x128xf32, #tpu.memory_space<vmem>>) offsets(%dma_start3A_165 : memref<200xi32, #tpu.memory_space<vmem>>) semaphore(%dma_start3A_170 : memref<!tpu.dma_semaphore, #tpu.memory_space<semaphore_mem>>)
      } else {
      }
      %mul3A_109 = arith.constant 200 : i32
      %mul3A_110 = arith.muli %rem3A_103, %mul3A_109 : i32
      %dma_wait3A_111 = arith.constant 0 : i32
      %dma_wait3A_112 = tpu.memref_slice %arg10[%mul3A_110, %dma_wait3A_111] : memref<800x128xf32, #tpu.memory_space<vmem>> -> memref<200x128xf32, #tpu.memory_space<vmem>>
      %dma_wait3A_113 = arith.constant 0 : i32
      %dma_wait3A_114 = arith.constant 0 : i32
      %dma_wait3A_115 = tpu.memref_slice %arg5[%dma_wait3A_113, %dma_wait3A_114] : memref<100000x128xf32, #tpu.memory_space<hbm>> -> memref<200x128xf32, #tpu.memory_space<hbm>>
      %dma_wait3A_116 = tpu.memref_slice %arg12[%rem3A_103] : memref<4x!tpu.dma_semaphore, #tpu.memory_space<semaphore_mem>> -> memref<1x!tpu.dma_semaphore, #tpu.memory_space<semaphore_mem>>
      %dma_wait3A_117 = tpu.memref_squeeze %dma_wait3A_116 : memref<1x!tpu.dma_semaphore, #tpu.memory_space<semaphore_mem>> -> memref<!tpu.dma_semaphore, #tpu.memory_space<semaphore_mem>>
      %dma_wait3A_118 = arith.constant 0 : i32
      %dma_wait3A_119 = tpu.memref_slice %arg10[%mul3A_110, %dma_wait3A_118] : memref<800x128xf32, #tpu.memory_space<vmem>> -> memref<200x128xf32, #tpu.memory_space<vmem>>
      %dma_wait3A_120 = arith.constant 0 : i32
      %dma_wait3A_121 = arith.constant 0 : i32
      %dma_wait3A_122 = tpu.memref_slice %arg5[%dma_wait3A_120, %dma_wait3A_121] : memref<100000x128xf32, #tpu.memory_space<hbm>> -> memref<200x128xf32, #tpu.memory_space<hbm>>
      tpu.wait_dma2 semaphore(%dma_wait3A_117 : memref<!tpu.dma_semaphore, #tpu.memory_space<semaphore_mem>>) src(%dma_wait3A_122 : memref<200x128xf32, #tpu.memory_space<hbm>>) dst(%dma_wait3A_119 : memref<200x128xf32, #tpu.memory_space<vmem>>)
      %mul3A_123 = arith.constant 200 : i32
      %mul3A_124 = arith.muli %rem3A_103, %mul3A_123 : i32
      %mul3A_125 = arith.constant 216 : i32
      %mul3A_126 = arith.muli %rem3A_103, %mul3A_125 : i32
      %ge3A = arith.constant 4 : i32
      %ge3A_127 = arith.cmpi sge, %add3A_102, %ge3A : i32
      %convert_element_type3A_128 = arith.extui %ge3A_127 : i1 to i32
      %cond3A_129 = arith.constant 0 : i32
      %cond3A_130 = arith.cmpi ne, %convert_element_type3A_128, %cond3A_129 : i32
      scf.if %cond3A_130 {
        %dma_wait3A_149 = tpu.memref_slice %arg11[%mul3A_126] : memref<864xf32, #tpu.memory_space<vmem>> -> memref<200xf32, #tpu.memory_space<vmem>>
        %dma_wait3A_150 = arith.constant 0 : i32
        %dma_wait3A_151 = tpu.memref_slice %arg6[%dma_wait3A_150] : memref<204800xf32, #tpu.memory_space<hbm>> -> memref<200xf32, #tpu.memory_space<hbm>>
        %dma_wait3A_152 = tpu.memref_slice %arg13[%rem3A_103] : memref<4x!tpu.dma_semaphore, #tpu.memory_space<semaphore_mem>> -> memref<1x!tpu.dma_semaphore, #tpu.memory_space<semaphore_mem>>
        %dma_wait3A_153 = tpu.memref_squeeze %dma_wait3A_152 : memref<1x!tpu.dma_semaphore, #tpu.memory_space<semaphore_mem>> -> memref<!tpu.dma_semaphore, #tpu.memory_space<semaphore_mem>>
        %dma_wait3A_154 = arith.constant 0 : i32
        %dma_wait3A_155 = tpu.memref_slice %arg6[%dma_wait3A_154] : memref<204800xf32, #tpu.memory_space<hbm>> -> memref<200xf32, #tpu.memory_space<hbm>>
        %dma_wait3A_156 = tpu.memref_slice %arg11[%mul3A_126] : memref<864xf32, #tpu.memory_space<vmem>> -> memref<200xf32, #tpu.memory_space<vmem>>
        tpu.wait_dma2 semaphore(%dma_wait3A_153 : memref<!tpu.dma_semaphore, #tpu.memory_space<semaphore_mem>>) src(%dma_wait3A_156 : memref<200xf32, #tpu.memory_space<vmem>>) dst(%dma_wait3A_155 : memref<200xf32, #tpu.memory_space<hbm>>)
      } else {
      }
      %scan3A_131 = arith.constant 0 : i32
      %scan3A_132 = arith.constant 4 : i32
      %scan3A_133 = arith.addi %scan3A_131, %scan3A_132 : i32
      %scan3A_134 = arith.constant 1 : i32
      scf.for %scan3A_149 = %scan3A_131 to %scan3A_133 step %scan3A_134  : i32 {
        %mul3A_150 = arith.constant 1 : i32
        %mul3A_151 = arith.muli %scan3A_149, %mul3A_150 : i32
        %add3A_152 = arith.constant 0 : i32
        %add3A_153 = arith.addi %add3A_152, %mul3A_151 : i32
        %mul3A_154 = arith.constant 4 : i32
        %mul3A_155 = arith.muli %add3A_102, %mul3A_154 : i32
        %add3A_156 = arith.addi %mul3A_155, %add3A_153 : i32
        %get3A = arith.index_cast %add3A_156 : i32 to index
        %get3A_157 = arith.constant 0 : index
        %get3A_158 = tpu.vector_load %arg9[%get3A, %get3A_157] {strides = array<i32>} : memref<128x128xf32, #tpu.memory_space<vmem>>, vector<16xf32>,
        %mul3A_159 = arith.constant 4 : i32
        %mul3A_160 = arith.muli %add3A_102, %mul3A_159 : i32
        %add3A_161 = arith.addi %mul3A_160, %add3A_153 : i32
        %get3A_162 = arith.index_cast %add3A_161 : i32 to index
        %get3A_163 = arith.constant 16 : index
        %get3A_164 = tpu.vector_load %arg9[%get3A_162, %get3A_163] {strides = array<i32>} : memref<128x128xf32, #tpu.memory_space<vmem>>, vector<16xf32>,
        %mul3A_165 = arith.constant 4 : i32
        %mul3A_166 = arith.muli %add3A_102, %mul3A_165 : i32
        %add3A_167 = arith.addi %mul3A_166, %add3A_153 : i32
        %get3A_168 = arith.index_cast %add3A_167 : i32 to index
        %get3A_169 = arith.constant 32 : index
        %get3A_170 = tpu.vector_load %arg9[%get3A_168, %get3A_169] {strides = array<i32>} : memref<128x128xf32, #tpu.memory_space<vmem>>, vector<16xf32>,
        %mul3A_171 = arith.constant 4 : i32
        %mul3A_172 = arith.muli %add3A_102, %mul3A_171 : i32
        %add3A_173 = arith.addi %mul3A_172, %add3A_153 : i32
        %get3A_174 = arith.index_cast %add3A_173 : i32 to index
        %get3A_175 = arith.constant 48 : index
        %get3A_176 = tpu.vector_load %arg9[%get3A_174, %get3A_175] {strides = array<i32>} : memref<128x128xf32, #tpu.memory_space<vmem>>, vector<16xf32>,
        %mul3A_177 = arith.constant 4 : i32
        %mul3A_178 = arith.muli %add3A_102, %mul3A_177 : i32
        %add3A_179 = arith.addi %mul3A_178, %add3A_153 : i32
        %get3A_180 = arith.index_cast %add3A_179 : i32 to index
        %get3A_181 = arith.constant 64 : index
        %get3A_182 = tpu.vector_load %arg9[%get3A_180, %get3A_181] {strides = array<i32>} : memref<128x128xf32, #tpu.memory_space<vmem>>, vector<16xf32>,
        %mul3A_183 = arith.constant 4 : i32
        %mul3A_184 = arith.muli %add3A_102, %mul3A_183 : i32
        %add3A_185 = arith.addi %mul3A_184, %add3A_153 : i32
        %get3A_186 = arith.index_cast %add3A_185 : i32 to index
        %get3A_187 = arith.constant 80 : index
        %get3A_188 = tpu.vector_load %arg9[%get3A_186, %get3A_187] {strides = array<i32>} : memref<128x128xf32, #tpu.memory_space<vmem>>, vector<16xf32>,
        %mul3A_189 = arith.constant 4 : i32
        %mul3A_190 = arith.muli %add3A_102, %mul3A_189 : i32
        %add3A_191 = arith.addi %mul3A_190, %add3A_153 : i32
        %get3A_192 = arith.index_cast %add3A_191 : i32 to index
        %get3A_193 = arith.constant 96 : index
        %get3A_194 = tpu.vector_load %arg9[%get3A_192, %get3A_193] {strides = array<i32>} : memref<128x128xf32, #tpu.memory_space<vmem>>, vector<16xf32>,
        %mul3A_195 = arith.constant 4 : i32
        %mul3A_196 = arith.muli %add3A_102, %mul3A_195 : i32
        %add3A_197 = arith.addi %mul3A_196, %add3A_153 : i32
        %get3A_198 = arith.index_cast %add3A_197 : i32 to index
        %get3A_199 = arith.constant 112 : index
        %get3A_200 = tpu.vector_load %arg9[%get3A_198, %get3A_199] {strides = array<i32>} : memref<128x128xf32, #tpu.memory_space<vmem>>, vector<16xf32>,
        %broadcast_in_dim3A = arith.constant 0.000000e+00 : f32
        %broadcast_in_dim3A_201 = vector.broadcast %broadcast_in_dim3A : f32 to vector<16xf32>
        %mul3A_202 = arith.constant 50 : i32
        %mul3A_203 = arith.muli %add3A_153, %mul3A_202 : i32
        %add3A_204 = arith.addi %mul3A_124, %mul3A_203 : i32
        %add3A_205 = arith.constant 0 : i32
        %add3A_206 = arith.addi %add3A_204, %add3A_205 : i32
        %add3A_207 = arith.constant 0 : i32
        %add3A_208 = arith.addi %add3A_206, %add3A_207 : i32
        %get3A_209 = arith.index_cast %add3A_208 : i32 to index
        %get3A_210 = arith.constant 0 : index
        %get3A_211 = tpu.vector_load %arg10[%get3A_209, %get3A_210] {strides = array<i32>} : memref<800x128xf32, #tpu.memory_space<vmem>>, vector<16xf32>,
        %mul3A_212 = arith.mulf %get3A_158, %get3A_211 : vector<16xf32>
        %get3A_213 = arith.index_cast %add3A_208 : i32 to index
        %get3A_214 = arith.constant 16 : index
        %get3A_215 = tpu.vector_load %arg10[%get3A_213, %get3A_214] {strides = array<i32>} : memref<800x128xf32, #tpu.memory_space<vmem>>, vector<16xf32>,
        %mul3A_216 = arith.mulf %get3A_164, %get3A_215 : vector<16xf32>
        %get3A_217 = arith.index_cast %add3A_208 : i32 to index
        %get3A_218 = arith.constant 32 : index
        %get3A_219 = tpu.vector_load %arg10[%get3A_217, %get3A_218] {strides = array<i32>} : memref<800x128xf32, #tpu.memory_space<vmem>>, vector<16xf32>,
        %mul3A_220 = arith.mulf %get3A_170, %get3A_219 : vector<16xf32>
        %get3A_221 = arith.index_cast %add3A_208 : i32 to index
        %get3A_222 = arith.constant 48 : index
        %get3A_223 = tpu.vector_load %arg10[%get3A_221, %get3A_222] {strides = array<i32>} : memref<800x128xf32, #tpu.memory_space<vmem>>, vector<16xf32>,
        %mul3A_224 = arith.mulf %get3A_176, %get3A_223 : vector<16xf32>
        %get3A_225 = arith.index_cast %add3A_208 : i32 to index
        %get3A_226 = arith.constant 64 : index
        %get3A_227 = tpu.vector_load %arg10[%get3A_225, %get3A_226] {strides = array<i32>} : memref<800x128xf32, #tpu.memory_space<vmem>>, vector<16xf32>,
        %mul3A_228 = arith.mulf %get3A_182, %get3A_227 : vector<16xf32>
        %get3A_229 = arith.index_cast %add3A_208 : i32 to index
        %get3A_230 = arith.constant 80 : index
        %get3A_231 = tpu.vector_load %arg10[%get3A_229, %get3A_230] {strides = array<i32>} : memref<800x128xf32, #tpu.memory_space<vmem>>, vector<16xf32>,
        %mul3A_232 = arith.mulf %get3A_188, %get3A_231 : vector<16xf32>
        %get3A_233 = arith.index_cast %add3A_208 : i32 to index
        %get3A_234 = arith.constant 96 : index
        %get3A_235 = tpu.vector_load %arg10[%get3A_233, %get3A_234] {strides = array<i32>} : memref<800x128xf32, #tpu.memory_space<vmem>>, vector<16xf32>,
        %mul3A_236 = arith.mulf %get3A_194, %get3A_235 : vector<16xf32>
        %get3A_237 = arith.index_cast %add3A_208 : i32 to index
        %get3A_238 = arith.constant 112 : index
        %get3A_239 = tpu.vector_load %arg10[%get3A_237, %get3A_238] {strides = array<i32>} : memref<800x128xf32, #tpu.memory_space<vmem>>, vector<16xf32>,
        %mul3A_240 = arith.mulf %get3A_200, %get3A_239 : vector<16xf32>
        %add3A_241 = arith.addf %mul3A_212, %mul3A_216 : vector<16xf32>
        %add3A_242 = arith.addf %mul3A_220, %mul3A_224 : vector<16xf32>
        %add3A_243 = arith.addf %mul3A_228, %mul3A_232 : vector<16xf32>
        %add3A_244 = arith.addf %mul3A_236, %mul3A_240 : vector<16xf32>
        %add3A_245 = arith.addf %add3A_241, %add3A_242 : vector<16xf32>
        %add3A_246 = arith.addf %add3A_243, %add3A_244 : vector<16xf32>
        %add3A_247 = arith.addf %add3A_245, %add3A_246 : vector<16xf32>
        %eq3A = arith.constant 0 : i32
        %eq3A_248 = vector.broadcast %eq3A : i32 to vector<16xi32>
        %eq3A_249 = arith.cmpi eq, %iota3A, %eq3A_248 : vector<16xi32>
        %reduce_sum3A = arith.constant true
        %reduce_sum3A_250 = vector.broadcast %reduce_sum3A : i1 to vector<16xi1>
        %reduce_sum3A_251 = tpu.scan <sum>, %add3A_247 masked %reduce_sum3A_250 : vector<16xf32>, vector<16xi1> -> vector<16xf32>
        %reduce_sum3A_252 = vector.extract %reduce_sum3A_251[15] : f32 from vector<16xf32>
        %broadcast_in_dim3A_253 = vector.broadcast %reduce_sum3A_252 : f32 to vector<16xf32>
        %select_n3A = arith.select %eq3A_249, %broadcast_in_dim3A_253, %broadcast_in_dim3A_201 : vector<16xi1>, vector<16xf32>
        %mul3A_254 = arith.constant 50 : i32
        %mul3A_255 = arith.muli %add3A_153, %mul3A_254 : i32
        %add3A_256 = arith.addi %mul3A_124, %mul3A_255 : i32
        %add3A_257 = arith.constant 0 : i32
        %add3A_258 = arith.addi %add3A_256, %add3A_257 : i32
        %add3A_259 = arith.constant 1 : i32
        %add3A_260 = arith.addi %add3A_258, %add3A_259 : i32
        %get3A_261 = arith.index_cast %add3A_260 : i32 to index
        %get3A_262 = arith.constant 0 : index
        %get3A_263 = tpu.vector_load %arg10[%get3A_261, %get3A_262] {strides = array<i32>} : memref<800x128xf32, #tpu.memory_space<vmem>>, vector<16xf32>,
        %mul3A_264 = arith.mulf %get3A_158, %get3A_263 : vector<16xf32>
        %get3A_265 = arith.index_cast %add3A_260 : i32 to index
        %get3A_266 = arith.constant 16 : index
        %get3A_267 = tpu.vector_load %arg10[%get3A_265, %get3A_266] {strides = array<i32>} : memref<800x128xf32, #tpu.memory_space<vmem>>, vector<16xf32>,
        %mul3A_268 = arith.mulf %get3A_164, %get3A_267 : vector<16xf32>
        %get3A_269 = arith.index_cast %add3A_260 : i32 to index
        %get3A_270 = arith.constant 32 : index
        %get3A_271 = tpu.vector_load %arg10[%get3A_269, %get3A_270] {strides = array<i32>} : memref<800x128xf32, #tpu.memory_space<vmem>>, vector<16xf32>,
        %mul3A_272 = arith.mulf %get3A_170, %get3A_271 : vector<16xf32>
        %get3A_273 = arith.index_cast %add3A_260 : i32 to index
        %get3A_274 = arith.constant 48 : index
        %get3A_275 = tpu.vector_load %arg10[%get3A_273, %get3A_274] {strides = array<i32>} : memref<800x128xf32, #tpu.memory_space<vmem>>, vector<16xf32>,
        %mul3A_276 = arith.mulf %get3A_176, %get3A_275 : vector<16xf32>
        %get3A_277 = arith.index_cast %add3A_260 : i32 to index
        %get3A_278 = arith.constant 64 : index
        %get3A_279 = tpu.vector_load %arg10[%get3A_277, %get3A_278] {strides = array<i32>} : memref<800x128xf32, #tpu.memory_space<vmem>>, vector<16xf32>,
        %mul3A_280 = arith.mulf %get3A_182, %get3A_279 : vector<16xf32>
        %get3A_281 = arith.index_cast %add3A_260 : i32 to index
        %get3A_282 = arith.constant 80 : index
        %get3A_283 = tpu.vector_load %arg10[%get3A_281, %get3A_282] {strides = array<i32>} : memref<800x128xf32, #tpu.memory_space<vmem>>, vector<16xf32>,
        %mul3A_284 = arith.mulf %get3A_188, %get3A_283 : vector<16xf32>
        %get3A_285 = arith.index_cast %add3A_260 : i32 to index
        %get3A_286 = arith.constant 96 : index
        %get3A_287 = tpu.vector_load %arg10[%get3A_285, %get3A_286] {strides = array<i32>} : memref<800x128xf32, #tpu.memory_space<vmem>>, vector<16xf32>,
        %mul3A_288 = arith.mulf %get3A_194, %get3A_287 : vector<16xf32>
        %get3A_289 = arith.index_cast %add3A_260 : i32 to index
        %get3A_290 = arith.constant 112 : index
        %get3A_291 = tpu.vector_load %arg10[%get3A_289, %get3A_290] {strides = array<i32>} : memref<800x128xf32, #tpu.memory_space<vmem>>, vector<16xf32>,
        %mul3A_292 = arith.mulf %get3A_200, %get3A_291 : vector<16xf32>
        %add3A_293 = arith.addf %mul3A_264, %mul3A_268 : vector<16xf32>
        %add3A_294 = arith.addf %mul3A_272, %mul3A_276 : vector<16xf32>
        %add3A_295 = arith.addf %mul3A_280, %mul3A_284 : vector<16xf32>
        %add3A_296 = arith.addf %mul3A_288, %mul3A_292 : vector<16xf32>
        %add3A_297 = arith.addf %add3A_293, %add3A_294 : vector<16xf32>
        %add3A_298 = arith.addf %add3A_295, %add3A_296 : vector<16xf32>
        %add3A_299 = arith.addf %add3A_297, %add3A_298 : vector<16xf32>
        %eq3A_300 = arith.constant 1 : i32
        %eq3A_301 = vector.broadcast %eq3A_300 : i32 to vector<16xi32>
        %eq3A_302 = arith.cmpi eq, %iota3A, %eq3A_301 : vector<16xi32>
        %reduce_sum3A_303 = arith.constant true
        %reduce_sum3A_304 = vector.broadcast %reduce_sum3A_303 : i1 to vector<16xi1>
        %reduce_sum3A_305 = tpu.scan <sum>, %add3A_299 masked %reduce_sum3A_304 : vector<16xf32>, vector<16xi1> -> vector<16xf32>
        %reduce_sum3A_306 = vector.extract %reduce_sum3A_305[15] : f32 from vector<16xf32>
        %broadcast_in_dim3A_307 = vector.broadcast %reduce_sum3A_306 : f32 to vector<16xf32>
        %select_n3A_308 = arith.select %eq3A_302, %broadcast_in_dim3A_307, %select_n3A : vector<16xi1>, vector<16xf32>
        %mul3A_309 = arith.constant 50 : i32
        %mul3A_310 = arith.muli %add3A_153, %mul3A_309 : i32
        %add3A_311 = arith.addi %mul3A_124, %mul3A_310 : i32
        %add3A_312 = arith.constant 0 : i32
        %add3A_313 = arith.addi %add3A_311, %add3A_312 : i32
        %add3A_314 = arith.constant 2 : i32
        %add3A_315 = arith.addi %add3A_313, %add3A_314 : i32
        %get3A_316 = arith.index_cast %add3A_315 : i32 to index
        %get3A_317 = arith.constant 0 : index
        %get3A_318 = tpu.vector_load %arg10[%get3A_316, %get3A_317] {strides = array<i32>} : memref<800x128xf32, #tpu.memory_space<vmem>>, vector<16xf32>,
        %mul3A_319 = arith.mulf %get3A_158, %get3A_318 : vector<16xf32>
        %get3A_320 = arith.index_cast %add3A_315 : i32 to index
        %get3A_321 = arith.constant 16 : index
        %get3A_322 = tpu.vector_load %arg10[%get3A_320, %get3A_321] {strides = array<i32>} : memref<800x128xf32, #tpu.memory_space<vmem>>, vector<16xf32>,
        %mul3A_323 = arith.mulf %get3A_164, %get3A_322 : vector<16xf32>
        %get3A_324 = arith.index_cast %add3A_315 : i32 to index
        %get3A_325 = arith.constant 32 : index
        %get3A_326 = tpu.vector_load %arg10[%get3A_324, %get3A_325] {strides = array<i32>} : memref<800x128xf32, #tpu.memory_space<vmem>>, vector<16xf32>,
        %mul3A_327 = arith.mulf %get3A_170, %get3A_326 : vector<16xf32>
        %get3A_328 = arith.index_cast %add3A_315 : i32 to index
        %get3A_329 = arith.constant 48 : index
        %get3A_330 = tpu.vector_load %arg10[%get3A_328, %get3A_329] {strides = array<i32>} : memref<800x128xf32, #tpu.memory_space<vmem>>, vector<16xf32>,
        %mul3A_331 = arith.mulf %get3A_176, %get3A_330 : vector<16xf32>
        %get3A_332 = arith.index_cast %add3A_315 : i32 to index
        %get3A_333 = arith.constant 64 : index
        %get3A_334 = tpu.vector_load %arg10[%get3A_332, %get3A_333] {strides = array<i32>} : memref<800x128xf32, #tpu.memory_space<vmem>>, vector<16xf32>,
        %mul3A_335 = arith.mulf %get3A_182, %get3A_334 : vector<16xf32>
        %get3A_336 = arith.index_cast %add3A_315 : i32 to index
        %get3A_337 = arith.constant 80 : index
        %get3A_338 = tpu.vector_load %arg10[%get3A_336, %get3A_337] {strides = array<i32>} : memref<800x128xf32, #tpu.memory_space<vmem>>, vector<16xf32>,
        %mul3A_339 = arith.mulf %get3A_188, %get3A_338 : vector<16xf32>
        %get3A_340 = arith.index_cast %add3A_315 : i32 to index
        %get3A_341 = arith.constant 96 : index
        %get3A_342 = tpu.vector_load %arg10[%get3A_340, %get3A_341] {strides = array<i32>} : memref<800x128xf32, #tpu.memory_space<vmem>>, vector<16xf32>,
        %mul3A_343 = arith.mulf %get3A_194, %get3A_342 : vector<16xf32>
        %get3A_344 = arith.index_cast %add3A_315 : i32 to index
        %get3A_345 = arith.constant 112 : index
        %get3A_346 = tpu.vector_load %arg10[%get3A_344, %get3A_345] {strides = array<i32>} : memref<800x128xf32, #tpu.memory_space<vmem>>, vector<16xf32>,
        %mul3A_347 = arith.mulf %get3A_200, %get3A_346 : vector<16xf32>
        %add3A_348 = arith.addf %mul3A_319, %mul3A_323 : vector<16xf32>
        %add3A_349 = arith.addf %mul3A_327, %mul3A_331 : vector<16xf32>
        %add3A_350 = arith.addf %mul3A_335, %mul3A_339 : vector<16xf32>
        %add3A_351 = arith.addf %mul3A_343, %mul3A_347 : vector<16xf32>
        %add3A_352 = arith.addf %add3A_348, %add3A_349 : vector<16xf32>
        %add3A_353 = arith.addf %add3A_350, %add3A_351 : vector<16xf32>
        %add3A_354 = arith.addf %add3A_352, %add3A_353 : vector<16xf32>
        %eq3A_355 = arith.constant 2 : i32
        %eq3A_356 = vector.broadcast %eq3A_355 : i32 to vector<16xi32>
        %eq3A_357 = arith.cmpi eq, %iota3A, %eq3A_356 : vector<16xi32>
        %reduce_sum3A_358 = arith.constant true
        %reduce_sum3A_359 = vector.broadcast %reduce_sum3A_358 : i1 to vector<16xi1>
        %reduce_sum3A_360 = tpu.scan <sum>, %add3A_354 masked %reduce_sum3A_359 : vector<16xf32>, vector<16xi1> -> vector<16xf32>
        %reduce_sum3A_361 = vector.extract %reduce_sum3A_360[15] : f32 from vector<16xf32>
        %broadcast_in_dim3A_362 = vector.broadcast %reduce_sum3A_361 : f32 to vector<16xf32>
        %select_n3A_363 = arith.select %eq3A_357, %broadcast_in_dim3A_362, %select_n3A_308 : vector<16xi1>, vector<16xf32>
        %mul3A_364 = arith.constant 50 : i32
        %mul3A_365 = arith.muli %add3A_153, %mul3A_364 : i32
        %add3A_366 = arith.addi %mul3A_124, %mul3A_365 : i32
        %add3A_367 = arith.constant 0 : i32
        %add3A_368 = arith.addi %add3A_366, %add3A_367 : i32
        %add3A_369 = arith.constant 3 : i32
        %add3A_370 = arith.addi %add3A_368, %add3A_369 : i32
        %get3A_371 = arith.index_cast %add3A_370 : i32 to index
        %get3A_372 = arith.constant 0 : index
        %get3A_373 = tpu.vector_load %arg10[%get3A_371, %get3A_372] {strides = array<i32>} : memref<800x128xf32, #tpu.memory_space<vmem>>, vector<16xf32>,
        %mul3A_374 = arith.mulf %get3A_158, %get3A_373 : vector<16xf32>
        %get3A_375 = arith.index_cast %add3A_370 : i32 to index
        %get3A_376 = arith.constant 16 : index
        %get3A_377 = tpu.vector_load %arg10[%get3A_375, %get3A_376] {strides = array<i32>} : memref<800x128xf32, #tpu.memory_space<vmem>>, vector<16xf32>,
        %mul3A_378 = arith.mulf %get3A_164, %get3A_377 : vector<16xf32>
        %get3A_379 = arith.index_cast %add3A_370 : i32 to index
        %get3A_380 = arith.constant 32 : index
        %get3A_381 = tpu.vector_load %arg10[%get3A_379, %get3A_380] {strides = array<i32>} : memref<800x128xf32, #tpu.memory_space<vmem>>, vector<16xf32>,
        %mul3A_382 = arith.mulf %get3A_170, %get3A_381 : vector<16xf32>
        %get3A_383 = arith.index_cast %add3A_370 : i32 to index
        %get3A_384 = arith.constant 48 : index
        %get3A_385 = tpu.vector_load %arg10[%get3A_383, %get3A_384] {strides = array<i32>} : memref<800x128xf32, #tpu.memory_space<vmem>>, vector<16xf32>,
        %mul3A_386 = arith.mulf %get3A_176, %get3A_385 : vector<16xf32>
        %get3A_387 = arith.index_cast %add3A_370 : i32 to index
        %get3A_388 = arith.constant 64 : index
        %get3A_389 = tpu.vector_load %arg10[%get3A_387, %get3A_388] {strides = array<i32>} : memref<800x128xf32, #tpu.memory_space<vmem>>, vector<16xf32>,
        %mul3A_390 = arith.mulf %get3A_182, %get3A_389 : vector<16xf32>
        %get3A_391 = arith.index_cast %add3A_370 : i32 to index
        %get3A_392 = arith.constant 80 : index
        %get3A_393 = tpu.vector_load %arg10[%get3A_391, %get3A_392] {strides = array<i32>} : memref<800x128xf32, #tpu.memory_space<vmem>>, vector<16xf32>,
        %mul3A_394 = arith.mulf %get3A_188, %get3A_393 : vector<16xf32>
        %get3A_395 = arith.index_cast %add3A_370 : i32 to index
        %get3A_396 = arith.constant 96 : index
        %get3A_397 = tpu.vector_load %arg10[%get3A_395, %get3A_396] {strides = array<i32>} : memref<800x128xf32, #tpu.memory_space<vmem>>, vector<16xf32>,
        %mul3A_398 = arith.mulf %get3A_194, %get3A_397 : vector<16xf32>
        %get3A_399 = arith.index_cast %add3A_370 : i32 to index
        %get3A_400 = arith.constant 112 : index
        %get3A_401 = tpu.vector_load %arg10[%get3A_399, %get3A_400] {strides = array<i32>} : memref<800x128xf32, #tpu.memory_space<vmem>>, vector<16xf32>,
        %mul3A_402 = arith.mulf %get3A_200, %get3A_401 : vector<16xf32>
        %add3A_403 = arith.addf %mul3A_374, %mul3A_378 : vector<16xf32>
        %add3A_404 = arith.addf %mul3A_382, %mul3A_386 : vector<16xf32>
        %add3A_405 = arith.addf %mul3A_390, %mul3A_394 : vector<16xf32>
        %add3A_406 = arith.addf %mul3A_398, %mul3A_402 : vector<16xf32>
        %add3A_407 = arith.addf %add3A_403, %add3A_404 : vector<16xf32>
        %add3A_408 = arith.addf %add3A_405, %add3A_406 : vector<16xf32>
        %add3A_409 = arith.addf %add3A_407, %add3A_408 : vector<16xf32>
        %eq3A_410 = arith.constant 3 : i32
        %eq3A_411 = vector.broadcast %eq3A_410 : i32 to vector<16xi32>
        %eq3A_412 = arith.cmpi eq, %iota3A, %eq3A_411 : vector<16xi32>
        %reduce_sum3A_413 = arith.constant true
        %reduce_sum3A_414 = vector.broadcast %reduce_sum3A_413 : i1 to vector<16xi1>
        %reduce_sum3A_415 = tpu.scan <sum>, %add3A_409 masked %reduce_sum3A_414 : vector<16xf32>, vector<16xi1> -> vector<16xf32>
        %reduce_sum3A_416 = vector.extract %reduce_sum3A_415[15] : f32 from vector<16xf32>
        %broadcast_in_dim3A_417 = vector.broadcast %reduce_sum3A_416 : f32 to vector<16xf32>
        %select_n3A_418 = arith.select %eq3A_412, %broadcast_in_dim3A_417, %select_n3A_363 : vector<16xi1>, vector<16xf32>
        %mul3A_419 = arith.constant 50 : i32
        %mul3A_420 = arith.muli %add3A_153, %mul3A_419 : i32
        %add3A_421 = arith.addi %mul3A_124, %mul3A_420 : i32
        %add3A_422 = arith.constant 0 : i32
        %add3A_423 = arith.addi %add3A_421, %add3A_422 : i32
        %add3A_424 = arith.constant 4 : i32
        %add3A_425 = arith.addi %add3A_423, %add3A_424 : i32
        %get3A_426 = arith.index_cast %add3A_425 : i32 to index
        %get3A_427 = arith.constant 0 : index
        %get3A_428 = tpu.vector_load %arg10[%get3A_426, %get3A_427] {strides = array<i32>} : memref<800x128xf32, #tpu.memory_space<vmem>>, vector<16xf32>,
        %mul3A_429 = arith.mulf %get3A_158, %get3A_428 : vector<16xf32>
        %get3A_430 = arith.index_cast %add3A_425 : i32 to index
        %get3A_431 = arith.constant 16 : index
        %get3A_432 = tpu.vector_load %arg10[%get3A_430, %get3A_431] {strides = array<i32>} : memref<800x128xf32, #tpu.memory_space<vmem>>, vector<16xf32>,
        %mul3A_433 = arith.mulf %get3A_164, %get3A_432 : vector<16xf32>
        %get3A_434 = arith.index_cast %add3A_425 : i32 to index
        %get3A_435 = arith.constant 32 : index
        %get3A_436 = tpu.vector_load %arg10[%get3A_434, %get3A_435] {strides = array<i32>} : memref<800x128xf32, #tpu.memory_space<vmem>>, vector<16xf32>,
        %mul3A_437 = arith.mulf %get3A_170, %get3A_436 : vector<16xf32>
        %get3A_438 = arith.index_cast %add3A_425 : i32 to index
        %get3A_439 = arith.constant 48 : index
        %get3A_440 = tpu.vector_load %arg10[%get3A_438, %get3A_439] {strides = array<i32>} : memref<800x128xf32, #tpu.memory_space<vmem>>, vector<16xf32>,
        %mul3A_441 = arith.mulf %get3A_176, %get3A_440 : vector<16xf32>
        %get3A_442 = arith.index_cast %add3A_425 : i32 to index
        %get3A_443 = arith.constant 64 : index
        %get3A_444 = tpu.vector_load %arg10[%get3A_442, %get3A_443] {strides = array<i32>} : memref<800x128xf32, #tpu.memory_space<vmem>>, vector<16xf32>,
        %mul3A_445 = arith.mulf %get3A_182, %get3A_444 : vector<16xf32>
        %get3A_446 = arith.index_cast %add3A_425 : i32 to index
        %get3A_447 = arith.constant 80 : index
        %get3A_448 = tpu.vector_load %arg10[%get3A_446, %get3A_447] {strides = array<i32>} : memref<800x128xf32, #tpu.memory_space<vmem>>, vector<16xf32>,
        %mul3A_449 = arith.mulf %get3A_188, %get3A_448 : vector<16xf32>
        %get3A_450 = arith.index_cast %add3A_425 : i32 to index
        %get3A_451 = arith.constant 96 : index
        %get3A_452 = tpu.vector_load %arg10[%get3A_450, %get3A_451] {strides = array<i32>} : memref<800x128xf32, #tpu.memory_space<vmem>>, vector<16xf32>,
        %mul3A_453 = arith.mulf %get3A_194, %get3A_452 : vector<16xf32>
        %get3A_454 = arith.index_cast %add3A_425 : i32 to index
        %get3A_455 = arith.constant 112 : index
        %get3A_456 = tpu.vector_load %arg10[%get3A_454, %get3A_455] {strides = array<i32>} : memref<800x128xf32, #tpu.memory_space<vmem>>, vector<16xf32>,
        %mul3A_457 = arith.mulf %get3A_200, %get3A_456 : vector<16xf32>
        %add3A_458 = arith.addf %mul3A_429, %mul3A_433 : vector<16xf32>
        %add3A_459 = arith.addf %mul3A_437, %mul3A_441 : vector<16xf32>
        %add3A_460 = arith.addf %mul3A_445, %mul3A_449 : vector<16xf32>
        %add3A_461 = arith.addf %mul3A_453, %mul3A_457 : vector<16xf32>
        %add3A_462 = arith.addf %add3A_458, %add3A_459 : vector<16xf32>
        %add3A_463 = arith.addf %add3A_460, %add3A_461 : vector<16xf32>
        %add3A_464 = arith.addf %add3A_462, %add3A_463 : vector<16xf32>
        %eq3A_465 = arith.constant 4 : i32
        %eq3A_466 = vector.broadcast %eq3A_465 : i32 to vector<16xi32>
        %eq3A_467 = arith.cmpi eq, %iota3A, %eq3A_466 : vector<16xi32>
        %reduce_sum3A_468 = arith.constant true
        %reduce_sum3A_469 = vector.broadcast %reduce_sum3A_468 : i1 to vector<16xi1>
        %reduce_sum3A_470 = tpu.scan <sum>, %add3A_464 masked %reduce_sum3A_469 : vector<16xf32>, vector<16xi1> -> vector<16xf32>
        %reduce_sum3A_471 = vector.extract %reduce_sum3A_470[15] : f32 from vector<16xf32>
        %broadcast_in_dim3A_472 = vector.broadcast %reduce_sum3A_471 : f32 to vector<16xf32>
        %select_n3A_473 = arith.select %eq3A_467, %broadcast_in_dim3A_472, %select_n3A_418 : vector<16xi1>, vector<16xf32>
        %mul3A_474 = arith.constant 50 : i32
        %mul3A_475 = arith.muli %add3A_153, %mul3A_474 : i32
        %add3A_476 = arith.addi %mul3A_124, %mul3A_475 : i32
        %add3A_477 = arith.constant 0 : i32
        %add3A_478 = arith.addi %add3A_476, %add3A_477 : i32
        %add3A_479 = arith.constant 5 : i32
        %add3A_480 = arith.addi %add3A_478, %add3A_479 : i32
        %get3A_481 = arith.index_cast %add3A_480 : i32 to index
        %get3A_482 = arith.constant 0 : index
        %get3A_483 = tpu.vector_load %arg10[%get3A_481, %get3A_482] {strides = array<i32>} : memref<800x128xf32, #tpu.memory_space<vmem>>, vector<16xf32>,
        %mul3A_484 = arith.mulf %get3A_158, %get3A_483 : vector<16xf32>
        %get3A_485 = arith.index_cast %add3A_480 : i32 to index
        %get3A_486 = arith.constant 16 : index
        %get3A_487 = tpu.vector_load %arg10[%get3A_485, %get3A_486] {strides = array<i32>} : memref<800x128xf32, #tpu.memory_space<vmem>>, vector<16xf32>,
        %mul3A_488 = arith.mulf %get3A_164, %get3A_487 : vector<16xf32>
        %get3A_489 = arith.index_cast %add3A_480 : i32 to index
        %get3A_490 = arith.constant 32 : index
        %get3A_491 = tpu.vector_load %arg10[%get3A_489, %get3A_490] {strides = array<i32>} : memref<800x128xf32, #tpu.memory_space<vmem>>, vector<16xf32>,
        %mul3A_492 = arith.mulf %get3A_170, %get3A_491 : vector<16xf32>
        %get3A_493 = arith.index_cast %add3A_480 : i32 to index
        %get3A_494 = arith.constant 48 : index
        %get3A_495 = tpu.vector_load %arg10[%get3A_493, %get3A_494] {strides = array<i32>} : memref<800x128xf32, #tpu.memory_space<vmem>>, vector<16xf32>,
        %mul3A_496 = arith.mulf %get3A_176, %get3A_495 : vector<16xf32>
        %get3A_497 = arith.index_cast %add3A_480 : i32 to index
        %get3A_498 = arith.constant 64 : index
        %get3A_499 = tpu.vector_load %arg10[%get3A_497, %get3A_498] {strides = array<i32>} : memref<800x128xf32, #tpu.memory_space<vmem>>, vector<16xf32>,
        %mul3A_500 = arith.mulf %get3A_182, %get3A_499 : vector<16xf32>
        %get3A_501 = arith.index_cast %add3A_480 : i32 to index
        %get3A_502 = arith.constant 80 : index
        %get3A_503 = tpu.vector_load %arg10[%get3A_501, %get3A_502] {strides = array<i32>} : memref<800x128xf32, #tpu.memory_space<vmem>>, vector<16xf32>,
        %mul3A_504 = arith.mulf %get3A_188, %get3A_503 : vector<16xf32>
        %get3A_505 = arith.index_cast %add3A_480 : i32 to index
        %get3A_506 = arith.constant 96 : index
        %get3A_507 = tpu.vector_load %arg10[%get3A_505, %get3A_506] {strides = array<i32>} : memref<800x128xf32, #tpu.memory_space<vmem>>, vector<16xf32>,
        %mul3A_508 = arith.mulf %get3A_194, %get3A_507 : vector<16xf32>
        %get3A_509 = arith.index_cast %add3A_480 : i32 to index
        %get3A_510 = arith.constant 112 : index
        %get3A_511 = tpu.vector_load %arg10[%get3A_509, %get3A_510] {strides = array<i32>} : memref<800x128xf32, #tpu.memory_space<vmem>>, vector<16xf32>,
        %mul3A_512 = arith.mulf %get3A_200, %get3A_511 : vector<16xf32>
        %add3A_513 = arith.addf %mul3A_484, %mul3A_488 : vector<16xf32>
        %add3A_514 = arith.addf %mul3A_492, %mul3A_496 : vector<16xf32>
        %add3A_515 = arith.addf %mul3A_500, %mul3A_504 : vector<16xf32>
        %add3A_516 = arith.addf %mul3A_508, %mul3A_512 : vector<16xf32>
        %add3A_517 = arith.addf %add3A_513, %add3A_514 : vector<16xf32>
        %add3A_518 = arith.addf %add3A_515, %add3A_516 : vector<16xf32>
        %add3A_519 = arith.addf %add3A_517, %add3A_518 : vector<16xf32>
        %eq3A_520 = arith.constant 5 : i32
        %eq3A_521 = vector.broadcast %eq3A_520 : i32 to vector<16xi32>
        %eq3A_522 = arith.cmpi eq, %iota3A, %eq3A_521 : vector<16xi32>
        %reduce_sum3A_523 = arith.constant true
        %reduce_sum3A_524 = vector.broadcast %reduce_sum3A_523 : i1 to vector<16xi1>
        %reduce_sum3A_525 = tpu.scan <sum>, %add3A_519 masked %reduce_sum3A_524 : vector<16xf32>, vector<16xi1> -> vector<16xf32>
        %reduce_sum3A_526 = vector.extract %reduce_sum3A_525[15] : f32 from vector<16xf32>
        %broadcast_in_dim3A_527 = vector.broadcast %reduce_sum3A_526 : f32 to vector<16xf32>
        %select_n3A_528 = arith.select %eq3A_522, %broadcast_in_dim3A_527, %select_n3A_473 : vector<16xi1>, vector<16xf32>
        %mul3A_529 = arith.constant 50 : i32
        %mul3A_530 = arith.muli %add3A_153, %mul3A_529 : i32
        %add3A_531 = arith.addi %mul3A_124, %mul3A_530 : i32
        %add3A_532 = arith.constant 0 : i32
        %add3A_533 = arith.addi %add3A_531, %add3A_532 : i32
        %add3A_534 = arith.constant 6 : i32
        %add3A_535 = arith.addi %add3A_533, %add3A_534 : i32
        %get3A_536 = arith.index_cast %add3A_535 : i32 to index
        %get3A_537 = arith.constant 0 : index
        %get3A_538 = tpu.vector_load %arg10[%get3A_536, %get3A_537] {strides = array<i32>} : memref<800x128xf32, #tpu.memory_space<vmem>>, vector<16xf32>,
        %mul3A_539 = arith.mulf %get3A_158, %get3A_538 : vector<16xf32>
        %get3A_540 = arith.index_cast %add3A_535 : i32 to index
        %get3A_541 = arith.constant 16 : index
        %get3A_542 = tpu.vector_load %arg10[%get3A_540, %get3A_541] {strides = array<i32>} : memref<800x128xf32, #tpu.memory_space<vmem>>, vector<16xf32>,
        %mul3A_543 = arith.mulf %get3A_164, %get3A_542 : vector<16xf32>
        %get3A_544 = arith.index_cast %add3A_535 : i32 to index
        %get3A_545 = arith.constant 32 : index
        %get3A_546 = tpu.vector_load %arg10[%get3A_544, %get3A_545] {strides = array<i32>} : memref<800x128xf32, #tpu.memory_space<vmem>>, vector<16xf32>,
        %mul3A_547 = arith.mulf %get3A_170, %get3A_546 : vector<16xf32>
        %get3A_548 = arith.index_cast %add3A_535 : i32 to index
        %get3A_549 = arith.constant 48 : index
        %get3A_550 = tpu.vector_load %arg10[%get3A_548, %get3A_549] {strides = array<i32>} : memref<800x128xf32, #tpu.memory_space<vmem>>, vector<16xf32>,
        %mul3A_551 = arith.mulf %get3A_176, %get3A_550 : vector<16xf32>
        %get3A_552 = arith.index_cast %add3A_535 : i32 to index
        %get3A_553 = arith.constant 64 : index
        %get3A_554 = tpu.vector_load %arg10[%get3A_552, %get3A_553] {strides = array<i32>} : memref<800x128xf32, #tpu.memory_space<vmem>>, vector<16xf32>,
        %mul3A_555 = arith.mulf %get3A_182, %get3A_554 : vector<16xf32>
        %get3A_556 = arith.index_cast %add3A_535 : i32 to index
        %get3A_557 = arith.constant 80 : index
        %get3A_558 = tpu.vector_load %arg10[%get3A_556, %get3A_557] {strides = array<i32>} : memref<800x128xf32, #tpu.memory_space<vmem>>, vector<16xf32>,
        %mul3A_559 = arith.mulf %get3A_188, %get3A_558 : vector<16xf32>
        %get3A_560 = arith.index_cast %add3A_535 : i32 to index
        %get3A_561 = arith.constant 96 : index
        %get3A_562 = tpu.vector_load %arg10[%get3A_560, %get3A_561] {strides = array<i32>} : memref<800x128xf32, #tpu.memory_space<vmem>>, vector<16xf32>,
        %mul3A_563 = arith.mulf %get3A_194, %get3A_562 : vector<16xf32>
        %get3A_564 = arith.index_cast %add3A_535 : i32 to index
        %get3A_565 = arith.constant 112 : index
        %get3A_566 = tpu.vector_load %arg10[%get3A_564, %get3A_565] {strides = array<i32>} : memref<800x128xf32, #tpu.memory_space<vmem>>, vector<16xf32>,
        %mul3A_567 = arith.mulf %get3A_200, %get3A_566 : vector<16xf32>
        %add3A_568 = arith.addf %mul3A_539, %mul3A_543 : vector<16xf32>
        %add3A_569 = arith.addf %mul3A_547, %mul3A_551 : vector<16xf32>
        %add3A_570 = arith.addf %mul3A_555, %mul3A_559 : vector<16xf32>
        %add3A_571 = arith.addf %mul3A_563, %mul3A_567 : vector<16xf32>
        %add3A_572 = arith.addf %add3A_568, %add3A_569 : vector<16xf32>
        %add3A_573 = arith.addf %add3A_570, %add3A_571 : vector<16xf32>
        %add3A_574 = arith.addf %add3A_572, %add3A_573 : vector<16xf32>
        %eq3A_575 = arith.constant 6 : i32
        %eq3A_576 = vector.broadcast %eq3A_575 : i32 to vector<16xi32>
        %eq3A_577 = arith.cmpi eq, %iota3A, %eq3A_576 : vector<16xi32>
        %reduce_sum3A_578 = arith.constant true
        %reduce_sum3A_579 = vector.broadcast %reduce_sum3A_578 : i1 to vector<16xi1>
        %reduce_sum3A_580 = tpu.scan <sum>, %add3A_574 masked %reduce_sum3A_579 : vector<16xf32>, vector<16xi1> -> vector<16xf32>
        %reduce_sum3A_581 = vector.extract %reduce_sum3A_580[15] : f32 from vector<16xf32>
        %broadcast_in_dim3A_582 = vector.broadcast %reduce_sum3A_581 : f32 to vector<16xf32>
        %select_n3A_583 = arith.select %eq3A_577, %broadcast_in_dim3A_582, %select_n3A_528 : vector<16xi1>, vector<16xf32>
        %mul3A_584 = arith.constant 50 : i32
        %mul3A_585 = arith.muli %add3A_153, %mul3A_584 : i32
        %add3A_586 = arith.addi %mul3A_124, %mul3A_585 : i32
        %add3A_587 = arith.constant 0 : i32
        %add3A_588 = arith.addi %add3A_586, %add3A_587 : i32
        %add3A_589 = arith.constant 7 : i32
        %add3A_590 = arith.addi %add3A_588, %add3A_589 : i32
        %get3A_591 = arith.index_cast %add3A_590 : i32 to index
        %get3A_592 = arith.constant 0 : index
        %get3A_593 = tpu.vector_load %arg10[%get3A_591, %get3A_592] {strides = array<i32>} : memref<800x128xf32, #tpu.memory_space<vmem>>, vector<16xf32>,
        %mul3A_594 = arith.mulf %get3A_158, %get3A_593 : vector<16xf32>
        %get3A_595 = arith.index_cast %add3A_590 : i32 to index
        %get3A_596 = arith.constant 16 : index
        %get3A_597 = tpu.vector_load %arg10[%get3A_595, %get3A_596] {strides = array<i32>} : memref<800x128xf32, #tpu.memory_space<vmem>>, vector<16xf32>,
        %mul3A_598 = arith.mulf %get3A_164, %get3A_597 : vector<16xf32>
        %get3A_599 = arith.index_cast %add3A_590 : i32 to index
        %get3A_600 = arith.constant 32 : index
        %get3A_601 = tpu.vector_load %arg10[%get3A_599, %get3A_600] {strides = array<i32>} : memref<800x128xf32, #tpu.memory_space<vmem>>, vector<16xf32>,
        %mul3A_602 = arith.mulf %get3A_170, %get3A_601 : vector<16xf32>
        %get3A_603 = arith.index_cast %add3A_590 : i32 to index
        %get3A_604 = arith.constant 48 : index
        %get3A_605 = tpu.vector_load %arg10[%get3A_603, %get3A_604] {strides = array<i32>} : memref<800x128xf32, #tpu.memory_space<vmem>>, vector<16xf32>,
        %mul3A_606 = arith.mulf %get3A_176, %get3A_605 : vector<16xf32>
        %get3A_607 = arith.index_cast %add3A_590 : i32 to index
        %get3A_608 = arith.constant 64 : index
        %get3A_609 = tpu.vector_load %arg10[%get3A_607, %get3A_608] {strides = array<i32>} : memref<800x128xf32, #tpu.memory_space<vmem>>, vector<16xf32>,
        %mul3A_610 = arith.mulf %get3A_182, %get3A_609 : vector<16xf32>
        %get3A_611 = arith.index_cast %add3A_590 : i32 to index
        %get3A_612 = arith.constant 80 : index
        %get3A_613 = tpu.vector_load %arg10[%get3A_611, %get3A_612] {strides = array<i32>} : memref<800x128xf32, #tpu.memory_space<vmem>>, vector<16xf32>,
        %mul3A_614 = arith.mulf %get3A_188, %get3A_613 : vector<16xf32>
        %get3A_615 = arith.index_cast %add3A_590 : i32 to index
        %get3A_616 = arith.constant 96 : index
        %get3A_617 = tpu.vector_load %arg10[%get3A_615, %get3A_616] {strides = array<i32>} : memref<800x128xf32, #tpu.memory_space<vmem>>, vector<16xf32>,
        %mul3A_618 = arith.mulf %get3A_194, %get3A_617 : vector<16xf32>
        %get3A_619 = arith.index_cast %add3A_590 : i32 to index
        %get3A_620 = arith.constant 112 : index
        %get3A_621 = tpu.vector_load %arg10[%get3A_619, %get3A_620] {strides = array<i32>} : memref<800x128xf32, #tpu.memory_space<vmem>>, vector<16xf32>,
        %mul3A_622 = arith.mulf %get3A_200, %get3A_621 : vector<16xf32>
        %add3A_623 = arith.addf %mul3A_594, %mul3A_598 : vector<16xf32>
        %add3A_624 = arith.addf %mul3A_602, %mul3A_606 : vector<16xf32>
        %add3A_625 = arith.addf %mul3A_610, %mul3A_614 : vector<16xf32>
        %add3A_626 = arith.addf %mul3A_618, %mul3A_622 : vector<16xf32>
        %add3A_627 = arith.addf %add3A_623, %add3A_624 : vector<16xf32>
        %add3A_628 = arith.addf %add3A_625, %add3A_626 : vector<16xf32>
        %add3A_629 = arith.addf %add3A_627, %add3A_628 : vector<16xf32>
        %eq3A_630 = arith.constant 7 : i32
        %eq3A_631 = vector.broadcast %eq3A_630 : i32 to vector<16xi32>
        %eq3A_632 = arith.cmpi eq, %iota3A, %eq3A_631 : vector<16xi32>
        %reduce_sum3A_633 = arith.constant true
        %reduce_sum3A_634 = vector.broadcast %reduce_sum3A_633 : i1 to vector<16xi1>
        %reduce_sum3A_635 = tpu.scan <sum>, %add3A_629 masked %reduce_sum3A_634 : vector<16xf32>, vector<16xi1> -> vector<16xf32>
        %reduce_sum3A_636 = vector.extract %reduce_sum3A_635[15] : f32 from vector<16xf32>
        %broadcast_in_dim3A_637 = vector.broadcast %reduce_sum3A_636 : f32 to vector<16xf32>
        %select_n3A_638 = arith.select %eq3A_632, %broadcast_in_dim3A_637, %select_n3A_583 : vector<16xi1>, vector<16xf32>
        %mul3A_639 = arith.constant 50 : i32
        %mul3A_640 = arith.muli %add3A_153, %mul3A_639 : i32
        %add3A_641 = arith.addi %mul3A_124, %mul3A_640 : i32
        %add3A_642 = arith.constant 0 : i32
        %add3A_643 = arith.addi %add3A_641, %add3A_642 : i32
        %add3A_644 = arith.constant 8 : i32
        %add3A_645 = arith.addi %add3A_643, %add3A_644 : i32
        %get3A_646 = arith.index_cast %add3A_645 : i32 to index
        %get3A_647 = arith.constant 0 : index
        %get3A_648 = tpu.vector_load %arg10[%get3A_646, %get3A_647] {strides = array<i32>} : memref<800x128xf32, #tpu.memory_space<vmem>>, vector<16xf32>,
        %mul3A_649 = arith.mulf %get3A_158, %get3A_648 : vector<16xf32>
        %get3A_650 = arith.index_cast %add3A_645 : i32 to index
        %get3A_651 = arith.constant 16 : index
        %get3A_652 = tpu.vector_load %arg10[%get3A_650, %get3A_651] {strides = array<i32>} : memref<800x128xf32, #tpu.memory_space<vmem>>, vector<16xf32>,
        %mul3A_653 = arith.mulf %get3A_164, %get3A_652 : vector<16xf32>
        %get3A_654 = arith.index_cast %add3A_645 : i32 to index
        %get3A_655 = arith.constant 32 : index
        %get3A_656 = tpu.vector_load %arg10[%get3A_654, %get3A_655] {strides = array<i32>} : memref<800x128xf32, #tpu.memory_space<vmem>>, vector<16xf32>,
        %mul3A_657 = arith.mulf %get3A_170, %get3A_656 : vector<16xf32>
        %get3A_658 = arith.index_cast %add3A_645 : i32 to index
        %get3A_659 = arith.constant 48 : index
        %get3A_660 = tpu.vector_load %arg10[%get3A_658, %get3A_659] {strides = array<i32>} : memref<800x128xf32, #tpu.memory_space<vmem>>, vector<16xf32>,
        %mul3A_661 = arith.mulf %get3A_176, %get3A_660 : vector<16xf32>
        %get3A_662 = arith.index_cast %add3A_645 : i32 to index
        %get3A_663 = arith.constant 64 : index
        %get3A_664 = tpu.vector_load %arg10[%get3A_662, %get3A_663] {strides = array<i32>} : memref<800x128xf32, #tpu.memory_space<vmem>>, vector<16xf32>,
        %mul3A_665 = arith.mulf %get3A_182, %get3A_664 : vector<16xf32>
        %get3A_666 = arith.index_cast %add3A_645 : i32 to index
        %get3A_667 = arith.constant 80 : index
        %get3A_668 = tpu.vector_load %arg10[%get3A_666, %get3A_667] {strides = array<i32>} : memref<800x128xf32, #tpu.memory_space<vmem>>, vector<16xf32>,
        %mul3A_669 = arith.mulf %get3A_188, %get3A_668 : vector<16xf32>
        %get3A_670 = arith.index_cast %add3A_645 : i32 to index
        %get3A_671 = arith.constant 96 : index
        %get3A_672 = tpu.vector_load %arg10[%get3A_670, %get3A_671] {strides = array<i32>} : memref<800x128xf32, #tpu.memory_space<vmem>>, vector<16xf32>,
        %mul3A_673 = arith.mulf %get3A_194, %get3A_672 : vector<16xf32>
        %get3A_674 = arith.index_cast %add3A_645 : i32 to index
        %get3A_675 = arith.constant 112 : index
        %get3A_676 = tpu.vector_load %arg10[%get3A_674, %get3A_675] {strides = array<i32>} : memref<800x128xf32, #tpu.memory_space<vmem>>, vector<16xf32>,
        %mul3A_677 = arith.mulf %get3A_200, %get3A_676 : vector<16xf32>
        %add3A_678 = arith.addf %mul3A_649, %mul3A_653 : vector<16xf32>
        %add3A_679 = arith.addf %mul3A_657, %mul3A_661 : vector<16xf32>
        %add3A_680 = arith.addf %mul3A_665, %mul3A_669 : vector<16xf32>
        %add3A_681 = arith.addf %mul3A_673, %mul3A_677 : vector<16xf32>
        %add3A_682 = arith.addf %add3A_678, %add3A_679 : vector<16xf32>
        %add3A_683 = arith.addf %add3A_680, %add3A_681 : vector<16xf32>
        %add3A_684 = arith.addf %add3A_682, %add3A_683 : vector<16xf32>
        %eq3A_685 = arith.constant 8 : i32
        %eq3A_686 = vector.broadcast %eq3A_685 : i32 to vector<16xi32>
        %eq3A_687 = arith.cmpi eq, %iota3A, %eq3A_686 : vector<16xi32>
        %reduce_sum3A_688 = arith.constant true
        %reduce_sum3A_689 = vector.broadcast %reduce_sum3A_688 : i1 to vector<16xi1>
        %reduce_sum3A_690 = tpu.scan <sum>, %add3A_684 masked %reduce_sum3A_689 : vector<16xf32>, vector<16xi1> -> vector<16xf32>
        %reduce_sum3A_691 = vector.extract %reduce_sum3A_690[15] : f32 from vector<16xf32>
        %broadcast_in_dim3A_692 = vector.broadcast %reduce_sum3A_691 : f32 to vector<16xf32>
        %select_n3A_693 = arith.select %eq3A_687, %broadcast_in_dim3A_692, %select_n3A_638 : vector<16xi1>, vector<16xf32>
        %mul3A_694 = arith.constant 50 : i32
        %mul3A_695 = arith.muli %add3A_153, %mul3A_694 : i32
        %add3A_696 = arith.addi %mul3A_124, %mul3A_695 : i32
        %add3A_697 = arith.constant 0 : i32
        %add3A_698 = arith.addi %add3A_696, %add3A_697 : i32
        %add3A_699 = arith.constant 9 : i32
        %add3A_700 = arith.addi %add3A_698, %add3A_699 : i32
        %get3A_701 = arith.index_cast %add3A_700 : i32 to index
        %get3A_702 = arith.constant 0 : index
        %get3A_703 = tpu.vector_load %arg10[%get3A_701, %get3A_702] {strides = array<i32>} : memref<800x128xf32, #tpu.memory_space<vmem>>, vector<16xf32>,
        %mul3A_704 = arith.mulf %get3A_158, %get3A_703 : vector<16xf32>
        %get3A_705 = arith.index_cast %add3A_700 : i32 to index
        %get3A_706 = arith.constant 16 : index
        %get3A_707 = tpu.vector_load %arg10[%get3A_705, %get3A_706] {strides = array<i32>} : memref<800x128xf32, #tpu.memory_space<vmem>>, vector<16xf32>,
        %mul3A_708 = arith.mulf %get3A_164, %get3A_707 : vector<16xf32>
        %get3A_709 = arith.index_cast %add3A_700 : i32 to index
        %get3A_710 = arith.constant 32 : index
        %get3A_711 = tpu.vector_load %arg10[%get3A_709, %get3A_710] {strides = array<i32>} : memref<800x128xf32, #tpu.memory_space<vmem>>, vector<16xf32>,
        %mul3A_712 = arith.mulf %get3A_170, %get3A_711 : vector<16xf32>
        %get3A_713 = arith.index_cast %add3A_700 : i32 to index
        %get3A_714 = arith.constant 48 : index
        %get3A_715 = tpu.vector_load %arg10[%get3A_713, %get3A_714] {strides = array<i32>} : memref<800x128xf32, #tpu.memory_space<vmem>>, vector<16xf32>,
        %mul3A_716 = arith.mulf %get3A_176, %get3A_715 : vector<16xf32>
        %get3A_717 = arith.index_cast %add3A_700 : i32 to index
        %get3A_718 = arith.constant 64 : index
        %get3A_719 = tpu.vector_load %arg10[%get3A_717, %get3A_718] {strides = array<i32>} : memref<800x128xf32, #tpu.memory_space<vmem>>, vector<16xf32>,
        %mul3A_720 = arith.mulf %get3A_182, %get3A_719 : vector<16xf32>
        %get3A_721 = arith.index_cast %add3A_700 : i32 to index
        %get3A_722 = arith.constant 80 : index
        %get3A_723 = tpu.vector_load %arg10[%get3A_721, %get3A_722] {strides = array<i32>} : memref<800x128xf32, #tpu.memory_space<vmem>>, vector<16xf32>,
        %mul3A_724 = arith.mulf %get3A_188, %get3A_723 : vector<16xf32>
        %get3A_725 = arith.index_cast %add3A_700 : i32 to index
        %get3A_726 = arith.constant 96 : index
        %get3A_727 = tpu.vector_load %arg10[%get3A_725, %get3A_726] {strides = array<i32>} : memref<800x128xf32, #tpu.memory_space<vmem>>, vector<16xf32>,
        %mul3A_728 = arith.mulf %get3A_194, %get3A_727 : vector<16xf32>
        %get3A_729 = arith.index_cast %add3A_700 : i32 to index
        %get3A_730 = arith.constant 112 : index
        %get3A_731 = tpu.vector_load %arg10[%get3A_729, %get3A_730] {strides = array<i32>} : memref<800x128xf32, #tpu.memory_space<vmem>>, vector<16xf32>,
        %mul3A_732 = arith.mulf %get3A_200, %get3A_731 : vector<16xf32>
        %add3A_733 = arith.addf %mul3A_704, %mul3A_708 : vector<16xf32>
        %add3A_734 = arith.addf %mul3A_712, %mul3A_716 : vector<16xf32>
        %add3A_735 = arith.addf %mul3A_720, %mul3A_724 : vector<16xf32>
        %add3A_736 = arith.addf %mul3A_728, %mul3A_732 : vector<16xf32>
        %add3A_737 = arith.addf %add3A_733, %add3A_734 : vector<16xf32>
        %add3A_738 = arith.addf %add3A_735, %add3A_736 : vector<16xf32>
        %add3A_739 = arith.addf %add3A_737, %add3A_738 : vector<16xf32>
        %eq3A_740 = arith.constant 9 : i32
        %eq3A_741 = vector.broadcast %eq3A_740 : i32 to vector<16xi32>
        %eq3A_742 = arith.cmpi eq, %iota3A, %eq3A_741 : vector<16xi32>
        %reduce_sum3A_743 = arith.constant true
        %reduce_sum3A_744 = vector.broadcast %reduce_sum3A_743 : i1 to vector<16xi1>
        %reduce_sum3A_745 = tpu.scan <sum>, %add3A_739 masked %reduce_sum3A_744 : vector<16xf32>, vector<16xi1> -> vector<16xf32>
        %reduce_sum3A_746 = vector.extract %reduce_sum3A_745[15] : f32 from vector<16xf32>
        %broadcast_in_dim3A_747 = vector.broadcast %reduce_sum3A_746 : f32 to vector<16xf32>
        %select_n3A_748 = arith.select %eq3A_742, %broadcast_in_dim3A_747, %select_n3A_693 : vector<16xi1>, vector<16xf32>
        %mul3A_749 = arith.constant 50 : i32
        %mul3A_750 = arith.muli %add3A_153, %mul3A_749 : i32
        %add3A_751 = arith.addi %mul3A_124, %mul3A_750 : i32
        %add3A_752 = arith.constant 0 : i32
        %add3A_753 = arith.addi %add3A_751, %add3A_752 : i32
        %add3A_754 = arith.constant 10 : i32
        %add3A_755 = arith.addi %add3A_753, %add3A_754 : i32
        %get3A_756 = arith.index_cast %add3A_755 : i32 to index
        %get3A_757 = arith.constant 0 : index
        %get3A_758 = tpu.vector_load %arg10[%get3A_756, %get3A_757] {strides = array<i32>} : memref<800x128xf32, #tpu.memory_space<vmem>>, vector<16xf32>,
        %mul3A_759 = arith.mulf %get3A_158, %get3A_758 : vector<16xf32>
        %get3A_760 = arith.index_cast %add3A_755 : i32 to index
        %get3A_761 = arith.constant 16 : index
        %get3A_762 = tpu.vector_load %arg10[%get3A_760, %get3A_761] {strides = array<i32>} : memref<800x128xf32, #tpu.memory_space<vmem>>, vector<16xf32>,
        %mul3A_763 = arith.mulf %get3A_164, %get3A_762 : vector<16xf32>
        %get3A_764 = arith.index_cast %add3A_755 : i32 to index
        %get3A_765 = arith.constant 32 : index
        %get3A_766 = tpu.vector_load %arg10[%get3A_764, %get3A_765] {strides = array<i32>} : memref<800x128xf32, #tpu.memory_space<vmem>>, vector<16xf32>,
        %mul3A_767 = arith.mulf %get3A_170, %get3A_766 : vector<16xf32>
        %get3A_768 = arith.index_cast %add3A_755 : i32 to index
        %get3A_769 = arith.constant 48 : index
        %get3A_770 = tpu.vector_load %arg10[%get3A_768, %get3A_769] {strides = array<i32>} : memref<800x128xf32, #tpu.memory_space<vmem>>, vector<16xf32>,
        %mul3A_771 = arith.mulf %get3A_176, %get3A_770 : vector<16xf32>
        %get3A_772 = arith.index_cast %add3A_755 : i32 to index
        %get3A_773 = arith.constant 64 : index
        %get3A_774 = tpu.vector_load %arg10[%get3A_772, %get3A_773] {strides = array<i32>} : memref<800x128xf32, #tpu.memory_space<vmem>>, vector<16xf32>,
        %mul3A_775 = arith.mulf %get3A_182, %get3A_774 : vector<16xf32>
        %get3A_776 = arith.index_cast %add3A_755 : i32 to index
        %get3A_777 = arith.constant 80 : index
        %get3A_778 = tpu.vector_load %arg10[%get3A_776, %get3A_777] {strides = array<i32>} : memref<800x128xf32, #tpu.memory_space<vmem>>, vector<16xf32>,
        %mul3A_779 = arith.mulf %get3A_188, %get3A_778 : vector<16xf32>
        %get3A_780 = arith.index_cast %add3A_755 : i32 to index
        %get3A_781 = arith.constant 96 : index
        %get3A_782 = tpu.vector_load %arg10[%get3A_780, %get3A_781] {strides = array<i32>} : memref<800x128xf32, #tpu.memory_space<vmem>>, vector<16xf32>,
        %mul3A_783 = arith.mulf %get3A_194, %get3A_782 : vector<16xf32>
        %get3A_784 = arith.index_cast %add3A_755 : i32 to index
        %get3A_785 = arith.constant 112 : index
        %get3A_786 = tpu.vector_load %arg10[%get3A_784, %get3A_785] {strides = array<i32>} : memref<800x128xf32, #tpu.memory_space<vmem>>, vector<16xf32>,
        %mul3A_787 = arith.mulf %get3A_200, %get3A_786 : vector<16xf32>
        %add3A_788 = arith.addf %mul3A_759, %mul3A_763 : vector<16xf32>
        %add3A_789 = arith.addf %mul3A_767, %mul3A_771 : vector<16xf32>
        %add3A_790 = arith.addf %mul3A_775, %mul3A_779 : vector<16xf32>
        %add3A_791 = arith.addf %mul3A_783, %mul3A_787 : vector<16xf32>
        %add3A_792 = arith.addf %add3A_788, %add3A_789 : vector<16xf32>
        %add3A_793 = arith.addf %add3A_790, %add3A_791 : vector<16xf32>
        %add3A_794 = arith.addf %add3A_792, %add3A_793 : vector<16xf32>
        %eq3A_795 = arith.constant 10 : i32
        %eq3A_796 = vector.broadcast %eq3A_795 : i32 to vector<16xi32>
        %eq3A_797 = arith.cmpi eq, %iota3A, %eq3A_796 : vector<16xi32>
        %reduce_sum3A_798 = arith.constant true
        %reduce_sum3A_799 = vector.broadcast %reduce_sum3A_798 : i1 to vector<16xi1>
        %reduce_sum3A_800 = tpu.scan <sum>, %add3A_794 masked %reduce_sum3A_799 : vector<16xf32>, vector<16xi1> -> vector<16xf32>
        %reduce_sum3A_801 = vector.extract %reduce_sum3A_800[15] : f32 from vector<16xf32>
        %broadcast_in_dim3A_802 = vector.broadcast %reduce_sum3A_801 : f32 to vector<16xf32>
        %select_n3A_803 = arith.select %eq3A_797, %broadcast_in_dim3A_802, %select_n3A_748 : vector<16xi1>, vector<16xf32>
        %mul3A_804 = arith.constant 50 : i32
        %mul3A_805 = arith.muli %add3A_153, %mul3A_804 : i32
        %add3A_806 = arith.addi %mul3A_124, %mul3A_805 : i32
        %add3A_807 = arith.constant 0 : i32
        %add3A_808 = arith.addi %add3A_806, %add3A_807 : i32
        %add3A_809 = arith.constant 11 : i32
        %add3A_810 = arith.addi %add3A_808, %add3A_809 : i32
        %get3A_811 = arith.index_cast %add3A_810 : i32 to index
        %get3A_812 = arith.constant 0 : index
        %get3A_813 = tpu.vector_load %arg10[%get3A_811, %get3A_812] {strides = array<i32>} : memref<800x128xf32, #tpu.memory_space<vmem>>, vector<16xf32>,
        %mul3A_814 = arith.mulf %get3A_158, %get3A_813 : vector<16xf32>
        %get3A_815 = arith.index_cast %add3A_810 : i32 to index
        %get3A_816 = arith.constant 16 : index
        %get3A_817 = tpu.vector_load %arg10[%get3A_815, %get3A_816] {strides = array<i32>} : memref<800x128xf32, #tpu.memory_space<vmem>>, vector<16xf32>,
        %mul3A_818 = arith.mulf %get3A_164, %get3A_817 : vector<16xf32>
        %get3A_819 = arith.index_cast %add3A_810 : i32 to index
        %get3A_820 = arith.constant 32 : index
        %get3A_821 = tpu.vector_load %arg10[%get3A_819, %get3A_820] {strides = array<i32>} : memref<800x128xf32, #tpu.memory_space<vmem>>, vector<16xf32>,
        %mul3A_822 = arith.mulf %get3A_170, %get3A_821 : vector<16xf32>
        %get3A_823 = arith.index_cast %add3A_810 : i32 to index
        %get3A_824 = arith.constant 48 : index
        %get3A_825 = tpu.vector_load %arg10[%get3A_823, %get3A_824] {strides = array<i32>} : memref<800x128xf32, #tpu.memory_space<vmem>>, vector<16xf32>,
        %mul3A_826 = arith.mulf %get3A_176, %get3A_825 : vector<16xf32>
        %get3A_827 = arith.index_cast %add3A_810 : i32 to index
        %get3A_828 = arith.constant 64 : index
        %get3A_829 = tpu.vector_load %arg10[%get3A_827, %get3A_828] {strides = array<i32>} : memref<800x128xf32, #tpu.memory_space<vmem>>, vector<16xf32>,
        %mul3A_830 = arith.mulf %get3A_182, %get3A_829 : vector<16xf32>
        %get3A_831 = arith.index_cast %add3A_810 : i32 to index
        %get3A_832 = arith.constant 80 : index
        %get3A_833 = tpu.vector_load %arg10[%get3A_831, %get3A_832] {strides = array<i32>} : memref<800x128xf32, #tpu.memory_space<vmem>>, vector<16xf32>,
        %mul3A_834 = arith.mulf %get3A_188, %get3A_833 : vector<16xf32>
        %get3A_835 = arith.index_cast %add3A_810 : i32 to index
        %get3A_836 = arith.constant 96 : index
        %get3A_837 = tpu.vector_load %arg10[%get3A_835, %get3A_836] {strides = array<i32>} : memref<800x128xf32, #tpu.memory_space<vmem>>, vector<16xf32>,
        %mul3A_838 = arith.mulf %get3A_194, %get3A_837 : vector<16xf32>
        %get3A_839 = arith.index_cast %add3A_810 : i32 to index
        %get3A_840 = arith.constant 112 : index
        %get3A_841 = tpu.vector_load %arg10[%get3A_839, %get3A_840] {strides = array<i32>} : memref<800x128xf32, #tpu.memory_space<vmem>>, vector<16xf32>,
        %mul3A_842 = arith.mulf %get3A_200, %get3A_841 : vector<16xf32>
        %add3A_843 = arith.addf %mul3A_814, %mul3A_818 : vector<16xf32>
        %add3A_844 = arith.addf %mul3A_822, %mul3A_826 : vector<16xf32>
        %add3A_845 = arith.addf %mul3A_830, %mul3A_834 : vector<16xf32>
        %add3A_846 = arith.addf %mul3A_838, %mul3A_842 : vector<16xf32>
        %add3A_847 = arith.addf %add3A_843, %add3A_844 : vector<16xf32>
        %add3A_848 = arith.addf %add3A_845, %add3A_846 : vector<16xf32>
        %add3A_849 = arith.addf %add3A_847, %add3A_848 : vector<16xf32>
        %eq3A_850 = arith.constant 11 : i32
        %eq3A_851 = vector.broadcast %eq3A_850 : i32 to vector<16xi32>
        %eq3A_852 = arith.cmpi eq, %iota3A, %eq3A_851 : vector<16xi32>
        %reduce_sum3A_853 = arith.constant true
        %reduce_sum3A_854 = vector.broadcast %reduce_sum3A_853 : i1 to vector<16xi1>
        %reduce_sum3A_855 = tpu.scan <sum>, %add3A_849 masked %reduce_sum3A_854 : vector<16xf32>, vector<16xi1> -> vector<16xf32>
        %reduce_sum3A_856 = vector.extract %reduce_sum3A_855[15] : f32 from vector<16xf32>
        %broadcast_in_dim3A_857 = vector.broadcast %reduce_sum3A_856 : f32 to vector<16xf32>
        %select_n3A_858 = arith.select %eq3A_852, %broadcast_in_dim3A_857, %select_n3A_803 : vector<16xi1>, vector<16xf32>
        %mul3A_859 = arith.constant 50 : i32
        %mul3A_860 = arith.muli %add3A_153, %mul3A_859 : i32
        %add3A_861 = arith.addi %mul3A_124, %mul3A_860 : i32
        %add3A_862 = arith.constant 0 : i32
        %add3A_863 = arith.addi %add3A_861, %add3A_862 : i32
        %add3A_864 = arith.constant 12 : i32
        %add3A_865 = arith.addi %add3A_863, %add3A_864 : i32
        %get3A_866 = arith.index_cast %add3A_865 : i32 to index
        %get3A_867 = arith.constant 0 : index
        %get3A_868 = tpu.vector_load %arg10[%get3A_866, %get3A_867] {strides = array<i32>} : memref<800x128xf32, #tpu.memory_space<vmem>>, vector<16xf32>,
        %mul3A_869 = arith.mulf %get3A_158, %get3A_868 : vector<16xf32>
        %get3A_870 = arith.index_cast %add3A_865 : i32 to index
        %get3A_871 = arith.constant 16 : index
        %get3A_872 = tpu.vector_load %arg10[%get3A_870, %get3A_871] {strides = array<i32>} : memref<800x128xf32, #tpu.memory_space<vmem>>, vector<16xf32>,
        %mul3A_873 = arith.mulf %get3A_164, %get3A_872 : vector<16xf32>
        %get3A_874 = arith.index_cast %add3A_865 : i32 to index
        %get3A_875 = arith.constant 32 : index
        %get3A_876 = tpu.vector_load %arg10[%get3A_874, %get3A_875] {strides = array<i32>} : memref<800x128xf32, #tpu.memory_space<vmem>>, vector<16xf32>,
        %mul3A_877 = arith.mulf %get3A_170, %get3A_876 : vector<16xf32>
        %get3A_878 = arith.index_cast %add3A_865 : i32 to index
        %get3A_879 = arith.constant 48 : index
        %get3A_880 = tpu.vector_load %arg10[%get3A_878, %get3A_879] {strides = array<i32>} : memref<800x128xf32, #tpu.memory_space<vmem>>, vector<16xf32>,
        %mul3A_881 = arith.mulf %get3A_176, %get3A_880 : vector<16xf32>
        %get3A_882 = arith.index_cast %add3A_865 : i32 to index
        %get3A_883 = arith.constant 64 : index
        %get3A_884 = tpu.vector_load %arg10[%get3A_882, %get3A_883] {strides = array<i32>} : memref<800x128xf32, #tpu.memory_space<vmem>>, vector<16xf32>,
        %mul3A_885 = arith.mulf %get3A_182, %get3A_884 : vector<16xf32>
        %get3A_886 = arith.index_cast %add3A_865 : i32 to index
        %get3A_887 = arith.constant 80 : index
        %get3A_888 = tpu.vector_load %arg10[%get3A_886, %get3A_887] {strides = array<i32>} : memref<800x128xf32, #tpu.memory_space<vmem>>, vector<16xf32>,
        %mul3A_889 = arith.mulf %get3A_188, %get3A_888 : vector<16xf32>
        %get3A_890 = arith.index_cast %add3A_865 : i32 to index
        %get3A_891 = arith.constant 96 : index
        %get3A_892 = tpu.vector_load %arg10[%get3A_890, %get3A_891] {strides = array<i32>} : memref<800x128xf32, #tpu.memory_space<vmem>>, vector<16xf32>,
        %mul3A_893 = arith.mulf %get3A_194, %get3A_892 : vector<16xf32>
        %get3A_894 = arith.index_cast %add3A_865 : i32 to index
        %get3A_895 = arith.constant 112 : index
        %get3A_896 = tpu.vector_load %arg10[%get3A_894, %get3A_895] {strides = array<i32>} : memref<800x128xf32, #tpu.memory_space<vmem>>, vector<16xf32>,
        %mul3A_897 = arith.mulf %get3A_200, %get3A_896 : vector<16xf32>
        %add3A_898 = arith.addf %mul3A_869, %mul3A_873 : vector<16xf32>
        %add3A_899 = arith.addf %mul3A_877, %mul3A_881 : vector<16xf32>
        %add3A_900 = arith.addf %mul3A_885, %mul3A_889 : vector<16xf32>
        %add3A_901 = arith.addf %mul3A_893, %mul3A_897 : vector<16xf32>
        %add3A_902 = arith.addf %add3A_898, %add3A_899 : vector<16xf32>
        %add3A_903 = arith.addf %add3A_900, %add3A_901 : vector<16xf32>
        %add3A_904 = arith.addf %add3A_902, %add3A_903 : vector<16xf32>
        %eq3A_905 = arith.constant 12 : i32
        %eq3A_906 = vector.broadcast %eq3A_905 : i32 to vector<16xi32>
        %eq3A_907 = arith.cmpi eq, %iota3A, %eq3A_906 : vector<16xi32>
        %reduce_sum3A_908 = arith.constant true
        %reduce_sum3A_909 = vector.broadcast %reduce_sum3A_908 : i1 to vector<16xi1>
        %reduce_sum3A_910 = tpu.scan <sum>, %add3A_904 masked %reduce_sum3A_909 : vector<16xf32>, vector<16xi1> -> vector<16xf32>
        %reduce_sum3A_911 = vector.extract %reduce_sum3A_910[15] : f32 from vector<16xf32>
        %broadcast_in_dim3A_912 = vector.broadcast %reduce_sum3A_911 : f32 to vector<16xf32>
        %select_n3A_913 = arith.select %eq3A_907, %broadcast_in_dim3A_912, %select_n3A_858 : vector<16xi1>, vector<16xf32>
        %mul3A_914 = arith.constant 50 : i32
        %mul3A_915 = arith.muli %add3A_153, %mul3A_914 : i32
        %add3A_916 = arith.addi %mul3A_124, %mul3A_915 : i32
        %add3A_917 = arith.constant 0 : i32
        %add3A_918 = arith.addi %add3A_916, %add3A_917 : i32
        %add3A_919 = arith.constant 13 : i32
        %add3A_920 = arith.addi %add3A_918, %add3A_919 : i32
        %get3A_921 = arith.index_cast %add3A_920 : i32 to index
        %get3A_922 = arith.constant 0 : index
        %get3A_923 = tpu.vector_load %arg10[%get3A_921, %get3A_922] {strides = array<i32>} : memref<800x128xf32, #tpu.memory_space<vmem>>, vector<16xf32>,
        %mul3A_924 = arith.mulf %get3A_158, %get3A_923 : vector<16xf32>
        %get3A_925 = arith.index_cast %add3A_920 : i32 to index
        %get3A_926 = arith.constant 16 : index
        %get3A_927 = tpu.vector_load %arg10[%get3A_925, %get3A_926] {strides = array<i32>} : memref<800x128xf32, #tpu.memory_space<vmem>>, vector<16xf32>,
        %mul3A_928 = arith.mulf %get3A_164, %get3A_927 : vector<16xf32>
        %get3A_929 = arith.index_cast %add3A_920 : i32 to index
        %get3A_930 = arith.constant 32 : index
        %get3A_931 = tpu.vector_load %arg10[%get3A_929, %get3A_930] {strides = array<i32>} : memref<800x128xf32, #tpu.memory_space<vmem>>, vector<16xf32>,
        %mul3A_932 = arith.mulf %get3A_170, %get3A_931 : vector<16xf32>
        %get3A_933 = arith.index_cast %add3A_920 : i32 to index
        %get3A_934 = arith.constant 48 : index
        %get3A_935 = tpu.vector_load %arg10[%get3A_933, %get3A_934] {strides = array<i32>} : memref<800x128xf32, #tpu.memory_space<vmem>>, vector<16xf32>,
        %mul3A_936 = arith.mulf %get3A_176, %get3A_935 : vector<16xf32>
        %get3A_937 = arith.index_cast %add3A_920 : i32 to index
        %get3A_938 = arith.constant 64 : index
        %get3A_939 = tpu.vector_load %arg10[%get3A_937, %get3A_938] {strides = array<i32>} : memref<800x128xf32, #tpu.memory_space<vmem>>, vector<16xf32>,
        %mul3A_940 = arith.mulf %get3A_182, %get3A_939 : vector<16xf32>
        %get3A_941 = arith.index_cast %add3A_920 : i32 to index
        %get3A_942 = arith.constant 80 : index
        %get3A_943 = tpu.vector_load %arg10[%get3A_941, %get3A_942] {strides = array<i32>} : memref<800x128xf32, #tpu.memory_space<vmem>>, vector<16xf32>,
        %mul3A_944 = arith.mulf %get3A_188, %get3A_943 : vector<16xf32>
        %get3A_945 = arith.index_cast %add3A_920 : i32 to index
        %get3A_946 = arith.constant 96 : index
        %get3A_947 = tpu.vector_load %arg10[%get3A_945, %get3A_946] {strides = array<i32>} : memref<800x128xf32, #tpu.memory_space<vmem>>, vector<16xf32>,
        %mul3A_948 = arith.mulf %get3A_194, %get3A_947 : vector<16xf32>
        %get3A_949 = arith.index_cast %add3A_920 : i32 to index
        %get3A_950 = arith.constant 112 : index
        %get3A_951 = tpu.vector_load %arg10[%get3A_949, %get3A_950] {strides = array<i32>} : memref<800x128xf32, #tpu.memory_space<vmem>>, vector<16xf32>,
        %mul3A_952 = arith.mulf %get3A_200, %get3A_951 : vector<16xf32>
        %add3A_953 = arith.addf %mul3A_924, %mul3A_928 : vector<16xf32>
        %add3A_954 = arith.addf %mul3A_932, %mul3A_936 : vector<16xf32>
        %add3A_955 = arith.addf %mul3A_940, %mul3A_944 : vector<16xf32>
        %add3A_956 = arith.addf %mul3A_948, %mul3A_952 : vector<16xf32>
        %add3A_957 = arith.addf %add3A_953, %add3A_954 : vector<16xf32>
        %add3A_958 = arith.addf %add3A_955, %add3A_956 : vector<16xf32>
        %add3A_959 = arith.addf %add3A_957, %add3A_958 : vector<16xf32>
        %eq3A_960 = arith.constant 13 : i32
        %eq3A_961 = vector.broadcast %eq3A_960 : i32 to vector<16xi32>
        %eq3A_962 = arith.cmpi eq, %iota3A, %eq3A_961 : vector<16xi32>
        %reduce_sum3A_963 = arith.constant true
        %reduce_sum3A_964 = vector.broadcast %reduce_sum3A_963 : i1 to vector<16xi1>
        %reduce_sum3A_965 = tpu.scan <sum>, %add3A_959 masked %reduce_sum3A_964 : vector<16xf32>, vector<16xi1> -> vector<16xf32>
        %reduce_sum3A_966 = vector.extract %reduce_sum3A_965[15] : f32 from vector<16xf32>
        %broadcast_in_dim3A_967 = vector.broadcast %reduce_sum3A_966 : f32 to vector<16xf32>
        %select_n3A_968 = arith.select %eq3A_962, %broadcast_in_dim3A_967, %select_n3A_913 : vector<16xi1>, vector<16xf32>
        %mul3A_969 = arith.constant 50 : i32
        %mul3A_970 = arith.muli %add3A_153, %mul3A_969 : i32
        %add3A_971 = arith.addi %mul3A_124, %mul3A_970 : i32
        %add3A_972 = arith.constant 0 : i32
        %add3A_973 = arith.addi %add3A_971, %add3A_972 : i32
        %add3A_974 = arith.constant 14 : i32
        %add3A_975 = arith.addi %add3A_973, %add3A_974 : i32
        %get3A_976 = arith.index_cast %add3A_975 : i32 to index
        %get3A_977 = arith.constant 0 : index
        %get3A_978 = tpu.vector_load %arg10[%get3A_976, %get3A_977] {strides = array<i32>} : memref<800x128xf32, #tpu.memory_space<vmem>>, vector<16xf32>,
        %mul3A_979 = arith.mulf %get3A_158, %get3A_978 : vector<16xf32>
        %get3A_980 = arith.index_cast %add3A_975 : i32 to index
        %get3A_981 = arith.constant 16 : index
        %get3A_982 = tpu.vector_load %arg10[%get3A_980, %get3A_981] {strides = array<i32>} : memref<800x128xf32, #tpu.memory_space<vmem>>, vector<16xf32>,
        %mul3A_983 = arith.mulf %get3A_164, %get3A_982 : vector<16xf32>
        %get3A_984 = arith.index_cast %add3A_975 : i32 to index
        %get3A_985 = arith.constant 32 : index
        %get3A_986 = tpu.vector_load %arg10[%get3A_984, %get3A_985] {strides = array<i32>} : memref<800x128xf32, #tpu.memory_space<vmem>>, vector<16xf32>,
        %mul3A_987 = arith.mulf %get3A_170, %get3A_986 : vector<16xf32>
        %get3A_988 = arith.index_cast %add3A_975 : i32 to index
        %get3A_989 = arith.constant 48 : index
        %get3A_990 = tpu.vector_load %arg10[%get3A_988, %get3A_989] {strides = array<i32>} : memref<800x128xf32, #tpu.memory_space<vmem>>, vector<16xf32>,
        %mul3A_991 = arith.mulf %get3A_176, %get3A_990 : vector<16xf32>
        %get3A_992 = arith.index_cast %add3A_975 : i32 to index
        %get3A_993 = arith.constant 64 : index
        %get3A_994 = tpu.vector_load %arg10[%get3A_992, %get3A_993] {strides = array<i32>} : memref<800x128xf32, #tpu.memory_space<vmem>>, vector<16xf32>,
        %mul3A_995 = arith.mulf %get3A_182, %get3A_994 : vector<16xf32>
        %get3A_996 = arith.index_cast %add3A_975 : i32 to index
        %get3A_997 = arith.constant 80 : index
        %get3A_998 = tpu.vector_load %arg10[%get3A_996, %get3A_997] {strides = array<i32>} : memref<800x128xf32, #tpu.memory_space<vmem>>, vector<16xf32>,
        %mul3A_999 = arith.mulf %get3A_188, %get3A_998 : vector<16xf32>
        %get3A_1000 = arith.index_cast %add3A_975 : i32 to index
        %get3A_1001 = arith.constant 96 : index
        %get3A_1002 = tpu.vector_load %arg10[%get3A_1000, %get3A_1001] {strides = array<i32>} : memref<800x128xf32, #tpu.memory_space<vmem>>, vector<16xf32>,
        %mul3A_1003 = arith.mulf %get3A_194, %get3A_1002 : vector<16xf32>
        %get3A_1004 = arith.index_cast %add3A_975 : i32 to index
        %get3A_1005 = arith.constant 112 : index
        %get3A_1006 = tpu.vector_load %arg10[%get3A_1004, %get3A_1005] {strides = array<i32>} : memref<800x128xf32, #tpu.memory_space<vmem>>, vector<16xf32>,
        %mul3A_1007 = arith.mulf %get3A_200, %get3A_1006 : vector<16xf32>
        %add3A_1008 = arith.addf %mul3A_979, %mul3A_983 : vector<16xf32>
        %add3A_1009 = arith.addf %mul3A_987, %mul3A_991 : vector<16xf32>
        %add3A_1010 = arith.addf %mul3A_995, %mul3A_999 : vector<16xf32>
        %add3A_1011 = arith.addf %mul3A_1003, %mul3A_1007 : vector<16xf32>
        %add3A_1012 = arith.addf %add3A_1008, %add3A_1009 : vector<16xf32>
        %add3A_1013 = arith.addf %add3A_1010, %add3A_1011 : vector<16xf32>
        %add3A_1014 = arith.addf %add3A_1012, %add3A_1013 : vector<16xf32>
        %eq3A_1015 = arith.constant 14 : i32
        %eq3A_1016 = vector.broadcast %eq3A_1015 : i32 to vector<16xi32>
        %eq3A_1017 = arith.cmpi eq, %iota3A, %eq3A_1016 : vector<16xi32>
        %reduce_sum3A_1018 = arith.constant true
        %reduce_sum3A_1019 = vector.broadcast %reduce_sum3A_1018 : i1 to vector<16xi1>
        %reduce_sum3A_1020 = tpu.scan <sum>, %add3A_1014 masked %reduce_sum3A_1019 : vector<16xf32>, vector<16xi1> -> vector<16xf32>
        %reduce_sum3A_1021 = vector.extract %reduce_sum3A_1020[15] : f32 from vector<16xf32>
        %broadcast_in_dim3A_1022 = vector.broadcast %reduce_sum3A_1021 : f32 to vector<16xf32>
        %select_n3A_1023 = arith.select %eq3A_1017, %broadcast_in_dim3A_1022, %select_n3A_968 : vector<16xi1>, vector<16xf32>
        %mul3A_1024 = arith.constant 50 : i32
        %mul3A_1025 = arith.muli %add3A_153, %mul3A_1024 : i32
        %add3A_1026 = arith.addi %mul3A_124, %mul3A_1025 : i32
        %add3A_1027 = arith.constant 0 : i32
        %add3A_1028 = arith.addi %add3A_1026, %add3A_1027 : i32
        %add3A_1029 = arith.constant 15 : i32
        %add3A_1030 = arith.addi %add3A_1028, %add3A_1029 : i32
        %get3A_1031 = arith.index_cast %add3A_1030 : i32 to index
        %get3A_1032 = arith.constant 0 : index
        %get3A_1033 = tpu.vector_load %arg10[%get3A_1031, %get3A_1032] {strides = array<i32>} : memref<800x128xf32, #tpu.memory_space<vmem>>, vector<16xf32>,
        %mul3A_1034 = arith.mulf %get3A_158, %get3A_1033 : vector<16xf32>
        %get3A_1035 = arith.index_cast %add3A_1030 : i32 to index
        %get3A_1036 = arith.constant 16 : index
        %get3A_1037 = tpu.vector_load %arg10[%get3A_1035, %get3A_1036] {strides = array<i32>} : memref<800x128xf32, #tpu.memory_space<vmem>>, vector<16xf32>,
        %mul3A_1038 = arith.mulf %get3A_164, %get3A_1037 : vector<16xf32>
        %get3A_1039 = arith.index_cast %add3A_1030 : i32 to index
        %get3A_1040 = arith.constant 32 : index
        %get3A_1041 = tpu.vector_load %arg10[%get3A_1039, %get3A_1040] {strides = array<i32>} : memref<800x128xf32, #tpu.memory_space<vmem>>, vector<16xf32>,
        %mul3A_1042 = arith.mulf %get3A_170, %get3A_1041 : vector<16xf32>
        %get3A_1043 = arith.index_cast %add3A_1030 : i32 to index
        %get3A_1044 = arith.constant 48 : index
        %get3A_1045 = tpu.vector_load %arg10[%get3A_1043, %get3A_1044] {strides = array<i32>} : memref<800x128xf32, #tpu.memory_space<vmem>>, vector<16xf32>,
        %mul3A_1046 = arith.mulf %get3A_176, %get3A_1045 : vector<16xf32>
        %get3A_1047 = arith.index_cast %add3A_1030 : i32 to index
        %get3A_1048 = arith.constant 64 : index
        %get3A_1049 = tpu.vector_load %arg10[%get3A_1047, %get3A_1048] {strides = array<i32>} : memref<800x128xf32, #tpu.memory_space<vmem>>, vector<16xf32>,
        %mul3A_1050 = arith.mulf %get3A_182, %get3A_1049 : vector<16xf32>
        %get3A_1051 = arith.index_cast %add3A_1030 : i32 to index
        %get3A_1052 = arith.constant 80 : index
        %get3A_1053 = tpu.vector_load %arg10[%get3A_1051, %get3A_1052] {strides = array<i32>} : memref<800x128xf32, #tpu.memory_space<vmem>>, vector<16xf32>,
        %mul3A_1054 = arith.mulf %get3A_188, %get3A_1053 : vector<16xf32>
        %get3A_1055 = arith.index_cast %add3A_1030 : i32 to index
        %get3A_1056 = arith.constant 96 : index
        %get3A_1057 = tpu.vector_load %arg10[%get3A_1055, %get3A_1056] {strides = array<i32>} : memref<800x128xf32, #tpu.memory_space<vmem>>, vector<16xf32>,
        %mul3A_1058 = arith.mulf %get3A_194, %get3A_1057 : vector<16xf32>
        %get3A_1059 = arith.index_cast %add3A_1030 : i32 to index
        %get3A_1060 = arith.constant 112 : index
        %get3A_1061 = tpu.vector_load %arg10[%get3A_1059, %get3A_1060] {strides = array<i32>} : memref<800x128xf32, #tpu.memory_space<vmem>>, vector<16xf32>,
        %mul3A_1062 = arith.mulf %get3A_200, %get3A_1061 : vector<16xf32>
        %add3A_1063 = arith.addf %mul3A_1034, %mul3A_1038 : vector<16xf32>
        %add3A_1064 = arith.addf %mul3A_1042, %mul3A_1046 : vector<16xf32>
        %add3A_1065 = arith.addf %mul3A_1050, %mul3A_1054 : vector<16xf32>
        %add3A_1066 = arith.addf %mul3A_1058, %mul3A_1062 : vector<16xf32>
        %add3A_1067 = arith.addf %add3A_1063, %add3A_1064 : vector<16xf32>
        %add3A_1068 = arith.addf %add3A_1065, %add3A_1066 : vector<16xf32>
        %add3A_1069 = arith.addf %add3A_1067, %add3A_1068 : vector<16xf32>
        %eq3A_1070 = arith.constant 15 : i32
        %eq3A_1071 = vector.broadcast %eq3A_1070 : i32 to vector<16xi32>
        %eq3A_1072 = arith.cmpi eq, %iota3A, %eq3A_1071 : vector<16xi32>
        %reduce_sum3A_1073 = arith.constant true
        %reduce_sum3A_1074 = vector.broadcast %reduce_sum3A_1073 : i1 to vector<16xi1>
        %reduce_sum3A_1075 = tpu.scan <sum>, %add3A_1069 masked %reduce_sum3A_1074 : vector<16xf32>, vector<16xi1> -> vector<16xf32>
        %reduce_sum3A_1076 = vector.extract %reduce_sum3A_1075[15] : f32 from vector<16xf32>
        %broadcast_in_dim3A_1077 = vector.broadcast %reduce_sum3A_1076 : f32 to vector<16xf32>
        %select_n3A_1078 = arith.select %eq3A_1072, %broadcast_in_dim3A_1077, %select_n3A_1023 : vector<16xi1>, vector<16xf32>
        %mul3A_1079 = arith.constant 50 : i32
        %mul3A_1080 = arith.muli %add3A_153, %mul3A_1079 : i32
        %add3A_1081 = arith.addi %mul3A_126, %mul3A_1080 : i32
        %add3A_1082 = arith.constant 0 : i32
        %add3A_1083 = arith.addi %add3A_1081, %add3A_1082 : i32
        %swap3A = arith.index_cast %add3A_1083 : i32 to index
        %swap3A_1084 = tpu.vector_load %arg11[%swap3A] {strides = array<i32>} : memref<864xf32, #tpu.memory_space<vmem>>, vector<16xf32>,
        tpu.vector_store %arg11[%swap3A], %select_n3A_1078 {strides = array<i32>} : memref<864xf32, #tpu.memory_space<vmem>>, vector<16xf32>,
        %broadcast_in_dim3A_1085 = arith.constant 0.000000e+00 : f32
        %broadcast_in_dim3A_1086 = vector.broadcast %broadcast_in_dim3A_1085 : f32 to vector<16xf32>
        %mul3A_1087 = arith.constant 50 : i32
        %mul3A_1088 = arith.muli %add3A_153, %mul3A_1087 : i32
        %add3A_1089 = arith.addi %mul3A_124, %mul3A_1088 : i32
        %add3A_1090 = arith.constant 16 : i32
        %add3A_1091 = arith.addi %add3A_1089, %add3A_1090 : i32
        %add3A_1092 = arith.constant 0 : i32
        %add3A_1093 = arith.addi %add3A_1091, %add3A_1092 : i32
        %get3A_1094 = arith.index_cast %add3A_1093 : i32 to index
        %get3A_1095 = arith.constant 0 : index
        %get3A_1096 = tpu.vector_load %arg10[%get3A_1094, %get3A_1095] {strides = array<i32>} : memref<800x128xf32, #tpu.memory_space<vmem>>, vector<16xf32>,
        %mul3A_1097 = arith.mulf %get3A_158, %get3A_1096 : vector<16xf32>
        %get3A_1098 = arith.index_cast %add3A_1093 : i32 to index
        %get3A_1099 = arith.constant 16 : index
        %get3A_1100 = tpu.vector_load %arg10[%get3A_1098, %get3A_1099] {strides = array<i32>} : memref<800x128xf32, #tpu.memory_space<vmem>>, vector<16xf32>,
        %mul3A_1101 = arith.mulf %get3A_164, %get3A_1100 : vector<16xf32>
        %get3A_1102 = arith.index_cast %add3A_1093 : i32 to index
        %get3A_1103 = arith.constant 32 : index
        %get3A_1104 = tpu.vector_load %arg10[%get3A_1102, %get3A_1103] {strides = array<i32>} : memref<800x128xf32, #tpu.memory_space<vmem>>, vector<16xf32>,
        %mul3A_1105 = arith.mulf %get3A_170, %get3A_1104 : vector<16xf32>
        %get3A_1106 = arith.index_cast %add3A_1093 : i32 to index
        %get3A_1107 = arith.constant 48 : index
        %get3A_1108 = tpu.vector_load %arg10[%get3A_1106, %get3A_1107] {strides = array<i32>} : memref<800x128xf32, #tpu.memory_space<vmem>>, vector<16xf32>,
        %mul3A_1109 = arith.mulf %get3A_176, %get3A_1108 : vector<16xf32>
        %get3A_1110 = arith.index_cast %add3A_1093 : i32 to index
        %get3A_1111 = arith.constant 64 : index
        %get3A_1112 = tpu.vector_load %arg10[%get3A_1110, %get3A_1111] {strides = array<i32>} : memref<800x128xf32, #tpu.memory_space<vmem>>, vector<16xf32>,
        %mul3A_1113 = arith.mulf %get3A_182, %get3A_1112 : vector<16xf32>
        %get3A_1114 = arith.index_cast %add3A_1093 : i32 to index
        %get3A_1115 = arith.constant 80 : index
        %get3A_1116 = tpu.vector_load %arg10[%get3A_1114, %get3A_1115] {strides = array<i32>} : memref<800x128xf32, #tpu.memory_space<vmem>>, vector<16xf32>,
        %mul3A_1117 = arith.mulf %get3A_188, %get3A_1116 : vector<16xf32>
        %get3A_1118 = arith.index_cast %add3A_1093 : i32 to index
        %get3A_1119 = arith.constant 96 : index
        %get3A_1120 = tpu.vector_load %arg10[%get3A_1118, %get3A_1119] {strides = array<i32>} : memref<800x128xf32, #tpu.memory_space<vmem>>, vector<16xf32>,
        %mul3A_1121 = arith.mulf %get3A_194, %get3A_1120 : vector<16xf32>
        %get3A_1122 = arith.index_cast %add3A_1093 : i32 to index
        %get3A_1123 = arith.constant 112 : index
        %get3A_1124 = tpu.vector_load %arg10[%get3A_1122, %get3A_1123] {strides = array<i32>} : memref<800x128xf32, #tpu.memory_space<vmem>>, vector<16xf32>,
        %mul3A_1125 = arith.mulf %get3A_200, %get3A_1124 : vector<16xf32>
        %add3A_1126 = arith.addf %mul3A_1097, %mul3A_1101 : vector<16xf32>
        %add3A_1127 = arith.addf %mul3A_1105, %mul3A_1109 : vector<16xf32>
        %add3A_1128 = arith.addf %mul3A_1113, %mul3A_1117 : vector<16xf32>
        %add3A_1129 = arith.addf %mul3A_1121, %mul3A_1125 : vector<16xf32>
        %add3A_1130 = arith.addf %add3A_1126, %add3A_1127 : vector<16xf32>
        %add3A_1131 = arith.addf %add3A_1128, %add3A_1129 : vector<16xf32>
        %add3A_1132 = arith.addf %add3A_1130, %add3A_1131 : vector<16xf32>
        %eq3A_1133 = arith.constant 0 : i32
        %eq3A_1134 = vector.broadcast %eq3A_1133 : i32 to vector<16xi32>
        %eq3A_1135 = arith.cmpi eq, %iota3A, %eq3A_1134 : vector<16xi32>
        %reduce_sum3A_1136 = arith.constant true
        %reduce_sum3A_1137 = vector.broadcast %reduce_sum3A_1136 : i1 to vector<16xi1>
        %reduce_sum3A_1138 = tpu.scan <sum>, %add3A_1132 masked %reduce_sum3A_1137 : vector<16xf32>, vector<16xi1> -> vector<16xf32>
        %reduce_sum3A_1139 = vector.extract %reduce_sum3A_1138[15] : f32 from vector<16xf32>
        %broadcast_in_dim3A_1140 = vector.broadcast %reduce_sum3A_1139 : f32 to vector<16xf32>
        %select_n3A_1141 = arith.select %eq3A_1135, %broadcast_in_dim3A_1140, %broadcast_in_dim3A_1086 : vector<16xi1>, vector<16xf32>
        %mul3A_1142 = arith.constant 50 : i32
        %mul3A_1143 = arith.muli %add3A_153, %mul3A_1142 : i32
        %add3A_1144 = arith.addi %mul3A_124, %mul3A_1143 : i32
        %add3A_1145 = arith.constant 16 : i32
        %add3A_1146 = arith.addi %add3A_1144, %add3A_1145 : i32
        %add3A_1147 = arith.constant 1 : i32
        %add3A_1148 = arith.addi %add3A_1146, %add3A_1147 : i32
        %get3A_1149 = arith.index_cast %add3A_1148 : i32 to index
        %get3A_1150 = arith.constant 0 : index
        %get3A_1151 = tpu.vector_load %arg10[%get3A_1149, %get3A_1150] {strides = array<i32>} : memref<800x128xf32, #tpu.memory_space<vmem>>, vector<16xf32>,
        %mul3A_1152 = arith.mulf %get3A_158, %get3A_1151 : vector<16xf32>
        %get3A_1153 = arith.index_cast %add3A_1148 : i32 to index
        %get3A_1154 = arith.constant 16 : index
        %get3A_1155 = tpu.vector_load %arg10[%get3A_1153, %get3A_1154] {strides = array<i32>} : memref<800x128xf32, #tpu.memory_space<vmem>>, vector<16xf32>,
        %mul3A_1156 = arith.mulf %get3A_164, %get3A_1155 : vector<16xf32>
        %get3A_1157 = arith.index_cast %add3A_1148 : i32 to index
        %get3A_1158 = arith.constant 32 : index
        %get3A_1159 = tpu.vector_load %arg10[%get3A_1157, %get3A_1158] {strides = array<i32>} : memref<800x128xf32, #tpu.memory_space<vmem>>, vector<16xf32>,
        %mul3A_1160 = arith.mulf %get3A_170, %get3A_1159 : vector<16xf32>
        %get3A_1161 = arith.index_cast %add3A_1148 : i32 to index
        %get3A_1162 = arith.constant 48 : index
        %get3A_1163 = tpu.vector_load %arg10[%get3A_1161, %get3A_1162] {strides = array<i32>} : memref<800x128xf32, #tpu.memory_space<vmem>>, vector<16xf32>,
        %mul3A_1164 = arith.mulf %get3A_176, %get3A_1163 : vector<16xf32>
        %get3A_1165 = arith.index_cast %add3A_1148 : i32 to index
        %get3A_1166 = arith.constant 64 : index
        %get3A_1167 = tpu.vector_load %arg10[%get3A_1165, %get3A_1166] {strides = array<i32>} : memref<800x128xf32, #tpu.memory_space<vmem>>, vector<16xf32>,
        %mul3A_1168 = arith.mulf %get3A_182, %get3A_1167 : vector<16xf32>
        %get3A_1169 = arith.index_cast %add3A_1148 : i32 to index
        %get3A_1170 = arith.constant 80 : index
        %get3A_1171 = tpu.vector_load %arg10[%get3A_1169, %get3A_1170] {strides = array<i32>} : memref<800x128xf32, #tpu.memory_space<vmem>>, vector<16xf32>,
        %mul3A_1172 = arith.mulf %get3A_188, %get3A_1171 : vector<16xf32>
        %get3A_1173 = arith.index_cast %add3A_1148 : i32 to index
        %get3A_1174 = arith.constant 96 : index
        %get3A_1175 = tpu.vector_load %arg10[%get3A_1173, %get3A_1174] {strides = array<i32>} : memref<800x128xf32, #tpu.memory_space<vmem>>, vector<16xf32>,
        %mul3A_1176 = arith.mulf %get3A_194, %get3A_1175 : vector<16xf32>
        %get3A_1177 = arith.index_cast %add3A_1148 : i32 to index
        %get3A_1178 = arith.constant 112 : index
        %get3A_1179 = tpu.vector_load %arg10[%get3A_1177, %get3A_1178] {strides = array<i32>} : memref<800x128xf32, #tpu.memory_space<vmem>>, vector<16xf32>,
        %mul3A_1180 = arith.mulf %get3A_200, %get3A_1179 : vector<16xf32>
        %add3A_1181 = arith.addf %mul3A_1152, %mul3A_1156 : vector<16xf32>
        %add3A_1182 = arith.addf %mul3A_1160, %mul3A_1164 : vector<16xf32>
        %add3A_1183 = arith.addf %mul3A_1168, %mul3A_1172 : vector<16xf32>
        %add3A_1184 = arith.addf %mul3A_1176, %mul3A_1180 : vector<16xf32>
        %add3A_1185 = arith.addf %add3A_1181, %add3A_1182 : vector<16xf32>
        %add3A_1186 = arith.addf %add3A_1183, %add3A_1184 : vector<16xf32>
        %add3A_1187 = arith.addf %add3A_1185, %add3A_1186 : vector<16xf32>
        %eq3A_1188 = arith.constant 1 : i32
        %eq3A_1189 = vector.broadcast %eq3A_1188 : i32 to vector<16xi32>
        %eq3A_1190 = arith.cmpi eq, %iota3A, %eq3A_1189 : vector<16xi32>
        %reduce_sum3A_1191 = arith.constant true
        %reduce_sum3A_1192 = vector.broadcast %reduce_sum3A_1191 : i1 to vector<16xi1>
        %reduce_sum3A_1193 = tpu.scan <sum>, %add3A_1187 masked %reduce_sum3A_1192 : vector<16xf32>, vector<16xi1> -> vector<16xf32>
        %reduce_sum3A_1194 = vector.extract %reduce_sum3A_1193[15] : f32 from vector<16xf32>
        %broadcast_in_dim3A_1195 = vector.broadcast %reduce_sum3A_1194 : f32 to vector<16xf32>
        %select_n3A_1196 = arith.select %eq3A_1190, %broadcast_in_dim3A_1195, %select_n3A_1141 : vector<16xi1>, vector<16xf32>
        %mul3A_1197 = arith.constant 50 : i32
        %mul3A_1198 = arith.muli %add3A_153, %mul3A_1197 : i32
        %add3A_1199 = arith.addi %mul3A_124, %mul3A_1198 : i32
        %add3A_1200 = arith.constant 16 : i32
        %add3A_1201 = arith.addi %add3A_1199, %add3A_1200 : i32
        %add3A_1202 = arith.constant 2 : i32
        %add3A_1203 = arith.addi %add3A_1201, %add3A_1202 : i32
        %get3A_1204 = arith.index_cast %add3A_1203 : i32 to index
        %get3A_1205 = arith.constant 0 : index
        %get3A_1206 = tpu.vector_load %arg10[%get3A_1204, %get3A_1205] {strides = array<i32>} : memref<800x128xf32, #tpu.memory_space<vmem>>, vector<16xf32>,
        %mul3A_1207 = arith.mulf %get3A_158, %get3A_1206 : vector<16xf32>
        %get3A_1208 = arith.index_cast %add3A_1203 : i32 to index
        %get3A_1209 = arith.constant 16 : index
        %get3A_1210 = tpu.vector_load %arg10[%get3A_1208, %get3A_1209] {strides = array<i32>} : memref<800x128xf32, #tpu.memory_space<vmem>>, vector<16xf32>,
        %mul3A_1211 = arith.mulf %get3A_164, %get3A_1210 : vector<16xf32>
        %get3A_1212 = arith.index_cast %add3A_1203 : i32 to index
        %get3A_1213 = arith.constant 32 : index
        %get3A_1214 = tpu.vector_load %arg10[%get3A_1212, %get3A_1213] {strides = array<i32>} : memref<800x128xf32, #tpu.memory_space<vmem>>, vector<16xf32>,
        %mul3A_1215 = arith.mulf %get3A_170, %get3A_1214 : vector<16xf32>
        %get3A_1216 = arith.index_cast %add3A_1203 : i32 to index
        %get3A_1217 = arith.constant 48 : index
        %get3A_1218 = tpu.vector_load %arg10[%get3A_1216, %get3A_1217] {strides = array<i32>} : memref<800x128xf32, #tpu.memory_space<vmem>>, vector<16xf32>,
        %mul3A_1219 = arith.mulf %get3A_176, %get3A_1218 : vector<16xf32>
        %get3A_1220 = arith.index_cast %add3A_1203 : i32 to index
        %get3A_1221 = arith.constant 64 : index
        %get3A_1222 = tpu.vector_load %arg10[%get3A_1220, %get3A_1221] {strides = array<i32>} : memref<800x128xf32, #tpu.memory_space<vmem>>, vector<16xf32>,
        %mul3A_1223 = arith.mulf %get3A_182, %get3A_1222 : vector<16xf32>
        %get3A_1224 = arith.index_cast %add3A_1203 : i32 to index
        %get3A_1225 = arith.constant 80 : index
        %get3A_1226 = tpu.vector_load %arg10[%get3A_1224, %get3A_1225] {strides = array<i32>} : memref<800x128xf32, #tpu.memory_space<vmem>>, vector<16xf32>,
        %mul3A_1227 = arith.mulf %get3A_188, %get3A_1226 : vector<16xf32>
        %get3A_1228 = arith.index_cast %add3A_1203 : i32 to index
        %get3A_1229 = arith.constant 96 : index
        %get3A_1230 = tpu.vector_load %arg10[%get3A_1228, %get3A_1229] {strides = array<i32>} : memref<800x128xf32, #tpu.memory_space<vmem>>, vector<16xf32>,
        %mul3A_1231 = arith.mulf %get3A_194, %get3A_1230 : vector<16xf32>
        %get3A_1232 = arith.index_cast %add3A_1203 : i32 to index
        %get3A_1233 = arith.constant 112 : index
        %get3A_1234 = tpu.vector_load %arg10[%get3A_1232, %get3A_1233] {strides = array<i32>} : memref<800x128xf32, #tpu.memory_space<vmem>>, vector<16xf32>,
        %mul3A_1235 = arith.mulf %get3A_200, %get3A_1234 : vector<16xf32>
        %add3A_1236 = arith.addf %mul3A_1207, %mul3A_1211 : vector<16xf32>
        %add3A_1237 = arith.addf %mul3A_1215, %mul3A_1219 : vector<16xf32>
        %add3A_1238 = arith.addf %mul3A_1223, %mul3A_1227 : vector<16xf32>
        %add3A_1239 = arith.addf %mul3A_1231, %mul3A_1235 : vector<16xf32>
        %add3A_1240 = arith.addf %add3A_1236, %add3A_1237 : vector<16xf32>
        %add3A_1241 = arith.addf %add3A_1238, %add3A_1239 : vector<16xf32>
        %add3A_1242 = arith.addf %add3A_1240, %add3A_1241 : vector<16xf32>
        %eq3A_1243 = arith.constant 2 : i32
        %eq3A_1244 = vector.broadcast %eq3A_1243 : i32 to vector<16xi32>
        %eq3A_1245 = arith.cmpi eq, %iota3A, %eq3A_1244 : vector<16xi32>
        %reduce_sum3A_1246 = arith.constant true
        %reduce_sum3A_1247 = vector.broadcast %reduce_sum3A_1246 : i1 to vector<16xi1>
        %reduce_sum3A_1248 = tpu.scan <sum>, %add3A_1242 masked %reduce_sum3A_1247 : vector<16xf32>, vector<16xi1> -> vector<16xf32>
        %reduce_sum3A_1249 = vector.extract %reduce_sum3A_1248[15] : f32 from vector<16xf32>
        %broadcast_in_dim3A_1250 = vector.broadcast %reduce_sum3A_1249 : f32 to vector<16xf32>
        %select_n3A_1251 = arith.select %eq3A_1245, %broadcast_in_dim3A_1250, %select_n3A_1196 : vector<16xi1>, vector<16xf32>
        %mul3A_1252 = arith.constant 50 : i32
        %mul3A_1253 = arith.muli %add3A_153, %mul3A_1252 : i32
        %add3A_1254 = arith.addi %mul3A_124, %mul3A_1253 : i32
        %add3A_1255 = arith.constant 16 : i32
        %add3A_1256 = arith.addi %add3A_1254, %add3A_1255 : i32
        %add3A_1257 = arith.constant 3 : i32
        %add3A_1258 = arith.addi %add3A_1256, %add3A_1257 : i32
        %get3A_1259 = arith.index_cast %add3A_1258 : i32 to index
        %get3A_1260 = arith.constant 0 : index
        %get3A_1261 = tpu.vector_load %arg10[%get3A_1259, %get3A_1260] {strides = array<i32>} : memref<800x128xf32, #tpu.memory_space<vmem>>, vector<16xf32>,
        %mul3A_1262 = arith.mulf %get3A_158, %get3A_1261 : vector<16xf32>
        %get3A_1263 = arith.index_cast %add3A_1258 : i32 to index
        %get3A_1264 = arith.constant 16 : index
        %get3A_1265 = tpu.vector_load %arg10[%get3A_1263, %get3A_1264] {strides = array<i32>} : memref<800x128xf32, #tpu.memory_space<vmem>>, vector<16xf32>,
        %mul3A_1266 = arith.mulf %get3A_164, %get3A_1265 : vector<16xf32>
        %get3A_1267 = arith.index_cast %add3A_1258 : i32 to index
        %get3A_1268 = arith.constant 32 : index
        %get3A_1269 = tpu.vector_load %arg10[%get3A_1267, %get3A_1268] {strides = array<i32>} : memref<800x128xf32, #tpu.memory_space<vmem>>, vector<16xf32>,
        %mul3A_1270 = arith.mulf %get3A_170, %get3A_1269 : vector<16xf32>
        %get3A_1271 = arith.index_cast %add3A_1258 : i32 to index
        %get3A_1272 = arith.constant 48 : index
        %get3A_1273 = tpu.vector_load %arg10[%get3A_1271, %get3A_1272] {strides = array<i32>} : memref<800x128xf32, #tpu.memory_space<vmem>>, vector<16xf32>,
        %mul3A_1274 = arith.mulf %get3A_176, %get3A_1273 : vector<16xf32>
        %get3A_1275 = arith.index_cast %add3A_1258 : i32 to index
        %get3A_1276 = arith.constant 64 : index
        %get3A_1277 = tpu.vector_load %arg10[%get3A_1275, %get3A_1276] {strides = array<i32>} : memref<800x128xf32, #tpu.memory_space<vmem>>, vector<16xf32>,
        %mul3A_1278 = arith.mulf %get3A_182, %get3A_1277 : vector<16xf32>
        %get3A_1279 = arith.index_cast %add3A_1258 : i32 to index
        %get3A_1280 = arith.constant 80 : index
        %get3A_1281 = tpu.vector_load %arg10[%get3A_1279, %get3A_1280] {strides = array<i32>} : memref<800x128xf32, #tpu.memory_space<vmem>>, vector<16xf32>,
        %mul3A_1282 = arith.mulf %get3A_188, %get3A_1281 : vector<16xf32>
        %get3A_1283 = arith.index_cast %add3A_1258 : i32 to index
        %get3A_1284 = arith.constant 96 : index
        %get3A_1285 = tpu.vector_load %arg10[%get3A_1283, %get3A_1284] {strides = array<i32>} : memref<800x128xf32, #tpu.memory_space<vmem>>, vector<16xf32>,
        %mul3A_1286 = arith.mulf %get3A_194, %get3A_1285 : vector<16xf32>
        %get3A_1287 = arith.index_cast %add3A_1258 : i32 to index
        %get3A_1288 = arith.constant 112 : index
        %get3A_1289 = tpu.vector_load %arg10[%get3A_1287, %get3A_1288] {strides = array<i32>} : memref<800x128xf32, #tpu.memory_space<vmem>>, vector<16xf32>,
        %mul3A_1290 = arith.mulf %get3A_200, %get3A_1289 : vector<16xf32>
        %add3A_1291 = arith.addf %mul3A_1262, %mul3A_1266 : vector<16xf32>
        %add3A_1292 = arith.addf %mul3A_1270, %mul3A_1274 : vector<16xf32>
        %add3A_1293 = arith.addf %mul3A_1278, %mul3A_1282 : vector<16xf32>
        %add3A_1294 = arith.addf %mul3A_1286, %mul3A_1290 : vector<16xf32>
        %add3A_1295 = arith.addf %add3A_1291, %add3A_1292 : vector<16xf32>
        %add3A_1296 = arith.addf %add3A_1293, %add3A_1294 : vector<16xf32>
        %add3A_1297 = arith.addf %add3A_1295, %add3A_1296 : vector<16xf32>
        %eq3A_1298 = arith.constant 3 : i32
        %eq3A_1299 = vector.broadcast %eq3A_1298 : i32 to vector<16xi32>
        %eq3A_1300 = arith.cmpi eq, %iota3A, %eq3A_1299 : vector<16xi32>
        %reduce_sum3A_1301 = arith.constant true
        %reduce_sum3A_1302 = vector.broadcast %reduce_sum3A_1301 : i1 to vector<16xi1>
        %reduce_sum3A_1303 = tpu.scan <sum>, %add3A_1297 masked %reduce_sum3A_1302 : vector<16xf32>, vector<16xi1> -> vector<16xf32>
        %reduce_sum3A_1304 = vector.extract %reduce_sum3A_1303[15] : f32 from vector<16xf32>
        %broadcast_in_dim3A_1305 = vector.broadcast %reduce_sum3A_1304 : f32 to vector<16xf32>
        %select_n3A_1306 = arith.select %eq3A_1300, %broadcast_in_dim3A_1305, %select_n3A_1251 : vector<16xi1>, vector<16xf32>
        %mul3A_1307 = arith.constant 50 : i32
        %mul3A_1308 = arith.muli %add3A_153, %mul3A_1307 : i32
        %add3A_1309 = arith.addi %mul3A_124, %mul3A_1308 : i32
        %add3A_1310 = arith.constant 16 : i32
        %add3A_1311 = arith.addi %add3A_1309, %add3A_1310 : i32
        %add3A_1312 = arith.constant 4 : i32
        %add3A_1313 = arith.addi %add3A_1311, %add3A_1312 : i32
        %get3A_1314 = arith.index_cast %add3A_1313 : i32 to index
        %get3A_1315 = arith.constant 0 : index
        %get3A_1316 = tpu.vector_load %arg10[%get3A_1314, %get3A_1315] {strides = array<i32>} : memref<800x128xf32, #tpu.memory_space<vmem>>, vector<16xf32>,
        %mul3A_1317 = arith.mulf %get3A_158, %get3A_1316 : vector<16xf32>
        %get3A_1318 = arith.index_cast %add3A_1313 : i32 to index
        %get3A_1319 = arith.constant 16 : index
        %get3A_1320 = tpu.vector_load %arg10[%get3A_1318, %get3A_1319] {strides = array<i32>} : memref<800x128xf32, #tpu.memory_space<vmem>>, vector<16xf32>,
        %mul3A_1321 = arith.mulf %get3A_164, %get3A_1320 : vector<16xf32>
        %get3A_1322 = arith.index_cast %add3A_1313 : i32 to index
        %get3A_1323 = arith.constant 32 : index
        %get3A_1324 = tpu.vector_load %arg10[%get3A_1322, %get3A_1323] {strides = array<i32>} : memref<800x128xf32, #tpu.memory_space<vmem>>, vector<16xf32>,
        %mul3A_1325 = arith.mulf %get3A_170, %get3A_1324 : vector<16xf32>
        %get3A_1326 = arith.index_cast %add3A_1313 : i32 to index
        %get3A_1327 = arith.constant 48 : index
        %get3A_1328 = tpu.vector_load %arg10[%get3A_1326, %get3A_1327] {strides = array<i32>} : memref<800x128xf32, #tpu.memory_space<vmem>>, vector<16xf32>,
        %mul3A_1329 = arith.mulf %get3A_176, %get3A_1328 : vector<16xf32>
        %get3A_1330 = arith.index_cast %add3A_1313 : i32 to index
        %get3A_1331 = arith.constant 64 : index
        %get3A_1332 = tpu.vector_load %arg10[%get3A_1330, %get3A_1331] {strides = array<i32>} : memref<800x128xf32, #tpu.memory_space<vmem>>, vector<16xf32>,
        %mul3A_1333 = arith.mulf %get3A_182, %get3A_1332 : vector<16xf32>
        %get3A_1334 = arith.index_cast %add3A_1313 : i32 to index
        %get3A_1335 = arith.constant 80 : index
        %get3A_1336 = tpu.vector_load %arg10[%get3A_1334, %get3A_1335] {strides = array<i32>} : memref<800x128xf32, #tpu.memory_space<vmem>>, vector<16xf32>,
        %mul3A_1337 = arith.mulf %get3A_188, %get3A_1336 : vector<16xf32>
        %get3A_1338 = arith.index_cast %add3A_1313 : i32 to index
        %get3A_1339 = arith.constant 96 : index
        %get3A_1340 = tpu.vector_load %arg10[%get3A_1338, %get3A_1339] {strides = array<i32>} : memref<800x128xf32, #tpu.memory_space<vmem>>, vector<16xf32>,
        %mul3A_1341 = arith.mulf %get3A_194, %get3A_1340 : vector<16xf32>
        %get3A_1342 = arith.index_cast %add3A_1313 : i32 to index
        %get3A_1343 = arith.constant 112 : index
        %get3A_1344 = tpu.vector_load %arg10[%get3A_1342, %get3A_1343] {strides = array<i32>} : memref<800x128xf32, #tpu.memory_space<vmem>>, vector<16xf32>,
        %mul3A_1345 = arith.mulf %get3A_200, %get3A_1344 : vector<16xf32>
        %add3A_1346 = arith.addf %mul3A_1317, %mul3A_1321 : vector<16xf32>
        %add3A_1347 = arith.addf %mul3A_1325, %mul3A_1329 : vector<16xf32>
        %add3A_1348 = arith.addf %mul3A_1333, %mul3A_1337 : vector<16xf32>
        %add3A_1349 = arith.addf %mul3A_1341, %mul3A_1345 : vector<16xf32>
        %add3A_1350 = arith.addf %add3A_1346, %add3A_1347 : vector<16xf32>
        %add3A_1351 = arith.addf %add3A_1348, %add3A_1349 : vector<16xf32>
        %add3A_1352 = arith.addf %add3A_1350, %add3A_1351 : vector<16xf32>
        %eq3A_1353 = arith.constant 4 : i32
        %eq3A_1354 = vector.broadcast %eq3A_1353 : i32 to vector<16xi32>
        %eq3A_1355 = arith.cmpi eq, %iota3A, %eq3A_1354 : vector<16xi32>
        %reduce_sum3A_1356 = arith.constant true
        %reduce_sum3A_1357 = vector.broadcast %reduce_sum3A_1356 : i1 to vector<16xi1>
        %reduce_sum3A_1358 = tpu.scan <sum>, %add3A_1352 masked %reduce_sum3A_1357 : vector<16xf32>, vector<16xi1> -> vector<16xf32>
        %reduce_sum3A_1359 = vector.extract %reduce_sum3A_1358[15] : f32 from vector<16xf32>
        %broadcast_in_dim3A_1360 = vector.broadcast %reduce_sum3A_1359 : f32 to vector<16xf32>
        %select_n3A_1361 = arith.select %eq3A_1355, %broadcast_in_dim3A_1360, %select_n3A_1306 : vector<16xi1>, vector<16xf32>
        %mul3A_1362 = arith.constant 50 : i32
        %mul3A_1363 = arith.muli %add3A_153, %mul3A_1362 : i32
        %add3A_1364 = arith.addi %mul3A_124, %mul3A_1363 : i32
        %add3A_1365 = arith.constant 16 : i32
        %add3A_1366 = arith.addi %add3A_1364, %add3A_1365 : i32
        %add3A_1367 = arith.constant 5 : i32
        %add3A_1368 = arith.addi %add3A_1366, %add3A_1367 : i32
        %get3A_1369 = arith.index_cast %add3A_1368 : i32 to index
        %get3A_1370 = arith.constant 0 : index
        %get3A_1371 = tpu.vector_load %arg10[%get3A_1369, %get3A_1370] {strides = array<i32>} : memref<800x128xf32, #tpu.memory_space<vmem>>, vector<16xf32>,
        %mul3A_1372 = arith.mulf %get3A_158, %get3A_1371 : vector<16xf32>
        %get3A_1373 = arith.index_cast %add3A_1368 : i32 to index
        %get3A_1374 = arith.constant 16 : index
        %get3A_1375 = tpu.vector_load %arg10[%get3A_1373, %get3A_1374] {strides = array<i32>} : memref<800x128xf32, #tpu.memory_space<vmem>>, vector<16xf32>,
        %mul3A_1376 = arith.mulf %get3A_164, %get3A_1375 : vector<16xf32>
        %get3A_1377 = arith.index_cast %add3A_1368 : i32 to index
        %get3A_1378 = arith.constant 32 : index
        %get3A_1379 = tpu.vector_load %arg10[%get3A_1377, %get3A_1378] {strides = array<i32>} : memref<800x128xf32, #tpu.memory_space<vmem>>, vector<16xf32>,
        %mul3A_1380 = arith.mulf %get3A_170, %get3A_1379 : vector<16xf32>
        %get3A_1381 = arith.index_cast %add3A_1368 : i32 to index
        %get3A_1382 = arith.constant 48 : index
        %get3A_1383 = tpu.vector_load %arg10[%get3A_1381, %get3A_1382] {strides = array<i32>} : memref<800x128xf32, #tpu.memory_space<vmem>>, vector<16xf32>,
        %mul3A_1384 = arith.mulf %get3A_176, %get3A_1383 : vector<16xf32>
        %get3A_1385 = arith.index_cast %add3A_1368 : i32 to index
        %get3A_1386 = arith.constant 64 : index
        %get3A_1387 = tpu.vector_load %arg10[%get3A_1385, %get3A_1386] {strides = array<i32>} : memref<800x128xf32, #tpu.memory_space<vmem>>, vector<16xf32>,
        %mul3A_1388 = arith.mulf %get3A_182, %get3A_1387 : vector<16xf32>
        %get3A_1389 = arith.index_cast %add3A_1368 : i32 to index
        %get3A_1390 = arith.constant 80 : index
        %get3A_1391 = tpu.vector_load %arg10[%get3A_1389, %get3A_1390] {strides = array<i32>} : memref<800x128xf32, #tpu.memory_space<vmem>>, vector<16xf32>,
        %mul3A_1392 = arith.mulf %get3A_188, %get3A_1391 : vector<16xf32>
        %get3A_1393 = arith.index_cast %add3A_1368 : i32 to index
        %get3A_1394 = arith.constant 96 : index
        %get3A_1395 = tpu.vector_load %arg10[%get3A_1393, %get3A_1394] {strides = array<i32>} : memref<800x128xf32, #tpu.memory_space<vmem>>, vector<16xf32>,
        %mul3A_1396 = arith.mulf %get3A_194, %get3A_1395 : vector<16xf32>
        %get3A_1397 = arith.index_cast %add3A_1368 : i32 to index
        %get3A_1398 = arith.constant 112 : index
        %get3A_1399 = tpu.vector_load %arg10[%get3A_1397, %get3A_1398] {strides = array<i32>} : memref<800x128xf32, #tpu.memory_space<vmem>>, vector<16xf32>,
        %mul3A_1400 = arith.mulf %get3A_200, %get3A_1399 : vector<16xf32>
        %add3A_1401 = arith.addf %mul3A_1372, %mul3A_1376 : vector<16xf32>
        %add3A_1402 = arith.addf %mul3A_1380, %mul3A_1384 : vector<16xf32>
        %add3A_1403 = arith.addf %mul3A_1388, %mul3A_1392 : vector<16xf32>
        %add3A_1404 = arith.addf %mul3A_1396, %mul3A_1400 : vector<16xf32>
        %add3A_1405 = arith.addf %add3A_1401, %add3A_1402 : vector<16xf32>
        %add3A_1406 = arith.addf %add3A_1403, %add3A_1404 : vector<16xf32>
        %add3A_1407 = arith.addf %add3A_1405, %add3A_1406 : vector<16xf32>
        %eq3A_1408 = arith.constant 5 : i32
        %eq3A_1409 = vector.broadcast %eq3A_1408 : i32 to vector<16xi32>
        %eq3A_1410 = arith.cmpi eq, %iota3A, %eq3A_1409 : vector<16xi32>
        %reduce_sum3A_1411 = arith.constant true
        %reduce_sum3A_1412 = vector.broadcast %reduce_sum3A_1411 : i1 to vector<16xi1>
        %reduce_sum3A_1413 = tpu.scan <sum>, %add3A_1407 masked %reduce_sum3A_1412 : vector<16xf32>, vector<16xi1> -> vector<16xf32>
        %reduce_sum3A_1414 = vector.extract %reduce_sum3A_1413[15] : f32 from vector<16xf32>
        %broadcast_in_dim3A_1415 = vector.broadcast %reduce_sum3A_1414 : f32 to vector<16xf32>
        %select_n3A_1416 = arith.select %eq3A_1410, %broadcast_in_dim3A_1415, %select_n3A_1361 : vector<16xi1>, vector<16xf32>
        %mul3A_1417 = arith.constant 50 : i32
        %mul3A_1418 = arith.muli %add3A_153, %mul3A_1417 : i32
        %add3A_1419 = arith.addi %mul3A_124, %mul3A_1418 : i32
        %add3A_1420 = arith.constant 16 : i32
        %add3A_1421 = arith.addi %add3A_1419, %add3A_1420 : i32
        %add3A_1422 = arith.constant 6 : i32
        %add3A_1423 = arith.addi %add3A_1421, %add3A_1422 : i32
        %get3A_1424 = arith.index_cast %add3A_1423 : i32 to index
        %get3A_1425 = arith.constant 0 : index
        %get3A_1426 = tpu.vector_load %arg10[%get3A_1424, %get3A_1425] {strides = array<i32>} : memref<800x128xf32, #tpu.memory_space<vmem>>, vector<16xf32>,
        %mul3A_1427 = arith.mulf %get3A_158, %get3A_1426 : vector<16xf32>
        %get3A_1428 = arith.index_cast %add3A_1423 : i32 to index
        %get3A_1429 = arith.constant 16 : index
        %get3A_1430 = tpu.vector_load %arg10[%get3A_1428, %get3A_1429] {strides = array<i32>} : memref<800x128xf32, #tpu.memory_space<vmem>>, vector<16xf32>,
        %mul3A_1431 = arith.mulf %get3A_164, %get3A_1430 : vector<16xf32>
        %get3A_1432 = arith.index_cast %add3A_1423 : i32 to index
        %get3A_1433 = arith.constant 32 : index
        %get3A_1434 = tpu.vector_load %arg10[%get3A_1432, %get3A_1433] {strides = array<i32>} : memref<800x128xf32, #tpu.memory_space<vmem>>, vector<16xf32>,
        %mul3A_1435 = arith.mulf %get3A_170, %get3A_1434 : vector<16xf32>
        %get3A_1436 = arith.index_cast %add3A_1423 : i32 to index
        %get3A_1437 = arith.constant 48 : index
        %get3A_1438 = tpu.vector_load %arg10[%get3A_1436, %get3A_1437] {strides = array<i32>} : memref<800x128xf32, #tpu.memory_space<vmem>>, vector<16xf32>,
        %mul3A_1439 = arith.mulf %get3A_176, %get3A_1438 : vector<16xf32>
        %get3A_1440 = arith.index_cast %add3A_1423 : i32 to index
        %get3A_1441 = arith.constant 64 : index
        %get3A_1442 = tpu.vector_load %arg10[%get3A_1440, %get3A_1441] {strides = array<i32>} : memref<800x128xf32, #tpu.memory_space<vmem>>, vector<16xf32>,
        %mul3A_1443 = arith.mulf %get3A_182, %get3A_1442 : vector<16xf32>
        %get3A_1444 = arith.index_cast %add3A_1423 : i32 to index
        %get3A_1445 = arith.constant 80 : index
        %get3A_1446 = tpu.vector_load %arg10[%get3A_1444, %get3A_1445] {strides = array<i32>} : memref<800x128xf32, #tpu.memory_space<vmem>>, vector<16xf32>,
        %mul3A_1447 = arith.mulf %get3A_188, %get3A_1446 : vector<16xf32>
        %get3A_1448 = arith.index_cast %add3A_1423 : i32 to index
        %get3A_1449 = arith.constant 96 : index
        %get3A_1450 = tpu.vector_load %arg10[%get3A_1448, %get3A_1449] {strides = array<i32>} : memref<800x128xf32, #tpu.memory_space<vmem>>, vector<16xf32>,
        %mul3A_1451 = arith.mulf %get3A_194, %get3A_1450 : vector<16xf32>
        %get3A_1452 = arith.index_cast %add3A_1423 : i32 to index
        %get3A_1453 = arith.constant 112 : index
        %get3A_1454 = tpu.vector_load %arg10[%get3A_1452, %get3A_1453] {strides = array<i32>} : memref<800x128xf32, #tpu.memory_space<vmem>>, vector<16xf32>,
        %mul3A_1455 = arith.mulf %get3A_200, %get3A_1454 : vector<16xf32>
        %add3A_1456 = arith.addf %mul3A_1427, %mul3A_1431 : vector<16xf32>
        %add3A_1457 = arith.addf %mul3A_1435, %mul3A_1439 : vector<16xf32>
        %add3A_1458 = arith.addf %mul3A_1443, %mul3A_1447 : vector<16xf32>
        %add3A_1459 = arith.addf %mul3A_1451, %mul3A_1455 : vector<16xf32>
        %add3A_1460 = arith.addf %add3A_1456, %add3A_1457 : vector<16xf32>
        %add3A_1461 = arith.addf %add3A_1458, %add3A_1459 : vector<16xf32>
        %add3A_1462 = arith.addf %add3A_1460, %add3A_1461 : vector<16xf32>
        %eq3A_1463 = arith.constant 6 : i32
        %eq3A_1464 = vector.broadcast %eq3A_1463 : i32 to vector<16xi32>
        %eq3A_1465 = arith.cmpi eq, %iota3A, %eq3A_1464 : vector<16xi32>
        %reduce_sum3A_1466 = arith.constant true
        %reduce_sum3A_1467 = vector.broadcast %reduce_sum3A_1466 : i1 to vector<16xi1>
        %reduce_sum3A_1468 = tpu.scan <sum>, %add3A_1462 masked %reduce_sum3A_1467 : vector<16xf32>, vector<16xi1> -> vector<16xf32>
        %reduce_sum3A_1469 = vector.extract %reduce_sum3A_1468[15] : f32 from vector<16xf32>
        %broadcast_in_dim3A_1470 = vector.broadcast %reduce_sum3A_1469 : f32 to vector<16xf32>
        %select_n3A_1471 = arith.select %eq3A_1465, %broadcast_in_dim3A_1470, %select_n3A_1416 : vector<16xi1>, vector<16xf32>
        %mul3A_1472 = arith.constant 50 : i32
        %mul3A_1473 = arith.muli %add3A_153, %mul3A_1472 : i32
        %add3A_1474 = arith.addi %mul3A_124, %mul3A_1473 : i32
        %add3A_1475 = arith.constant 16 : i32
        %add3A_1476 = arith.addi %add3A_1474, %add3A_1475 : i32
        %add3A_1477 = arith.constant 7 : i32
        %add3A_1478 = arith.addi %add3A_1476, %add3A_1477 : i32
        %get3A_1479 = arith.index_cast %add3A_1478 : i32 to index
        %get3A_1480 = arith.constant 0 : index
        %get3A_1481 = tpu.vector_load %arg10[%get3A_1479, %get3A_1480] {strides = array<i32>} : memref<800x128xf32, #tpu.memory_space<vmem>>, vector<16xf32>,
        %mul3A_1482 = arith.mulf %get3A_158, %get3A_1481 : vector<16xf32>
        %get3A_1483 = arith.index_cast %add3A_1478 : i32 to index
        %get3A_1484 = arith.constant 16 : index
        %get3A_1485 = tpu.vector_load %arg10[%get3A_1483, %get3A_1484] {strides = array<i32>} : memref<800x128xf32, #tpu.memory_space<vmem>>, vector<16xf32>,
        %mul3A_1486 = arith.mulf %get3A_164, %get3A_1485 : vector<16xf32>
        %get3A_1487 = arith.index_cast %add3A_1478 : i32 to index
        %get3A_1488 = arith.constant 32 : index
        %get3A_1489 = tpu.vector_load %arg10[%get3A_1487, %get3A_1488] {strides = array<i32>} : memref<800x128xf32, #tpu.memory_space<vmem>>, vector<16xf32>,
        %mul3A_1490 = arith.mulf %get3A_170, %get3A_1489 : vector<16xf32>
        %get3A_1491 = arith.index_cast %add3A_1478 : i32 to index
        %get3A_1492 = arith.constant 48 : index
        %get3A_1493 = tpu.vector_load %arg10[%get3A_1491, %get3A_1492] {strides = array<i32>} : memref<800x128xf32, #tpu.memory_space<vmem>>, vector<16xf32>,
        %mul3A_1494 = arith.mulf %get3A_176, %get3A_1493 : vector<16xf32>
        %get3A_1495 = arith.index_cast %add3A_1478 : i32 to index
        %get3A_1496 = arith.constant 64 : index
        %get3A_1497 = tpu.vector_load %arg10[%get3A_1495, %get3A_1496] {strides = array<i32>} : memref<800x128xf32, #tpu.memory_space<vmem>>, vector<16xf32>,
        %mul3A_1498 = arith.mulf %get3A_182, %get3A_1497 : vector<16xf32>
        %get3A_1499 = arith.index_cast %add3A_1478 : i32 to index
        %get3A_1500 = arith.constant 80 : index
        %get3A_1501 = tpu.vector_load %arg10[%get3A_1499, %get3A_1500] {strides = array<i32>} : memref<800x128xf32, #tpu.memory_space<vmem>>, vector<16xf32>,
        %mul3A_1502 = arith.mulf %get3A_188, %get3A_1501 : vector<16xf32>
        %get3A_1503 = arith.index_cast %add3A_1478 : i32 to index
        %get3A_1504 = arith.constant 96 : index
        %get3A_1505 = tpu.vector_load %arg10[%get3A_1503, %get3A_1504] {strides = array<i32>} : memref<800x128xf32, #tpu.memory_space<vmem>>, vector<16xf32>,
        %mul3A_1506 = arith.mulf %get3A_194, %get3A_1505 : vector<16xf32>
        %get3A_1507 = arith.index_cast %add3A_1478 : i32 to index
        %get3A_1508 = arith.constant 112 : index
        %get3A_1509 = tpu.vector_load %arg10[%get3A_1507, %get3A_1508] {strides = array<i32>} : memref<800x128xf32, #tpu.memory_space<vmem>>, vector<16xf32>,
        %mul3A_1510 = arith.mulf %get3A_200, %get3A_1509 : vector<16xf32>
        %add3A_1511 = arith.addf %mul3A_1482, %mul3A_1486 : vector<16xf32>
        %add3A_1512 = arith.addf %mul3A_1490, %mul3A_1494 : vector<16xf32>
        %add3A_1513 = arith.addf %mul3A_1498, %mul3A_1502 : vector<16xf32>
        %add3A_1514 = arith.addf %mul3A_1506, %mul3A_1510 : vector<16xf32>
        %add3A_1515 = arith.addf %add3A_1511, %add3A_1512 : vector<16xf32>
        %add3A_1516 = arith.addf %add3A_1513, %add3A_1514 : vector<16xf32>
        %add3A_1517 = arith.addf %add3A_1515, %add3A_1516 : vector<16xf32>
        %eq3A_1518 = arith.constant 7 : i32
        %eq3A_1519 = vector.broadcast %eq3A_1518 : i32 to vector<16xi32>
        %eq3A_1520 = arith.cmpi eq, %iota3A, %eq3A_1519 : vector<16xi32>
        %reduce_sum3A_1521 = arith.constant true
        %reduce_sum3A_1522 = vector.broadcast %reduce_sum3A_1521 : i1 to vector<16xi1>
        %reduce_sum3A_1523 = tpu.scan <sum>, %add3A_1517 masked %reduce_sum3A_1522 : vector<16xf32>, vector<16xi1> -> vector<16xf32>
        %reduce_sum3A_1524 = vector.extract %reduce_sum3A_1523[15] : f32 from vector<16xf32>
        %broadcast_in_dim3A_1525 = vector.broadcast %reduce_sum3A_1524 : f32 to vector<16xf32>
        %select_n3A_1526 = arith.select %eq3A_1520, %broadcast_in_dim3A_1525, %select_n3A_1471 : vector<16xi1>, vector<16xf32>
        %mul3A_1527 = arith.constant 50 : i32
        %mul3A_1528 = arith.muli %add3A_153, %mul3A_1527 : i32
        %add3A_1529 = arith.addi %mul3A_124, %mul3A_1528 : i32
        %add3A_1530 = arith.constant 16 : i32
        %add3A_1531 = arith.addi %add3A_1529, %add3A_1530 : i32
        %add3A_1532 = arith.constant 8 : i32
        %add3A_1533 = arith.addi %add3A_1531, %add3A_1532 : i32
        %get3A_1534 = arith.index_cast %add3A_1533 : i32 to index
        %get3A_1535 = arith.constant 0 : index
        %get3A_1536 = tpu.vector_load %arg10[%get3A_1534, %get3A_1535] {strides = array<i32>} : memref<800x128xf32, #tpu.memory_space<vmem>>, vector<16xf32>,
        %mul3A_1537 = arith.mulf %get3A_158, %get3A_1536 : vector<16xf32>
        %get3A_1538 = arith.index_cast %add3A_1533 : i32 to index
        %get3A_1539 = arith.constant 16 : index
        %get3A_1540 = tpu.vector_load %arg10[%get3A_1538, %get3A_1539] {strides = array<i32>} : memref<800x128xf32, #tpu.memory_space<vmem>>, vector<16xf32>,
        %mul3A_1541 = arith.mulf %get3A_164, %get3A_1540 : vector<16xf32>
        %get3A_1542 = arith.index_cast %add3A_1533 : i32 to index
        %get3A_1543 = arith.constant 32 : index
        %get3A_1544 = tpu.vector_load %arg10[%get3A_1542, %get3A_1543] {strides = array<i32>} : memref<800x128xf32, #tpu.memory_space<vmem>>, vector<16xf32>,
        %mul3A_1545 = arith.mulf %get3A_170, %get3A_1544 : vector<16xf32>
        %get3A_1546 = arith.index_cast %add3A_1533 : i32 to index
        %get3A_1547 = arith.constant 48 : index
        %get3A_1548 = tpu.vector_load %arg10[%get3A_1546, %get3A_1547] {strides = array<i32>} : memref<800x128xf32, #tpu.memory_space<vmem>>, vector<16xf32>,
        %mul3A_1549 = arith.mulf %get3A_176, %get3A_1548 : vector<16xf32>
        %get3A_1550 = arith.index_cast %add3A_1533 : i32 to index
        %get3A_1551 = arith.constant 64 : index
        %get3A_1552 = tpu.vector_load %arg10[%get3A_1550, %get3A_1551] {strides = array<i32>} : memref<800x128xf32, #tpu.memory_space<vmem>>, vector<16xf32>,
        %mul3A_1553 = arith.mulf %get3A_182, %get3A_1552 : vector<16xf32>
        %get3A_1554 = arith.index_cast %add3A_1533 : i32 to index
        %get3A_1555 = arith.constant 80 : index
        %get3A_1556 = tpu.vector_load %arg10[%get3A_1554, %get3A_1555] {strides = array<i32>} : memref<800x128xf32, #tpu.memory_space<vmem>>, vector<16xf32>,
        %mul3A_1557 = arith.mulf %get3A_188, %get3A_1556 : vector<16xf32>
        %get3A_1558 = arith.index_cast %add3A_1533 : i32 to index
        %get3A_1559 = arith.constant 96 : index
        %get3A_1560 = tpu.vector_load %arg10[%get3A_1558, %get3A_1559] {strides = array<i32>} : memref<800x128xf32, #tpu.memory_space<vmem>>, vector<16xf32>,
        %mul3A_1561 = arith.mulf %get3A_194, %get3A_1560 : vector<16xf32>
        %get3A_1562 = arith.index_cast %add3A_1533 : i32 to index
        %get3A_1563 = arith.constant 112 : index
        %get3A_1564 = tpu.vector_load %arg10[%get3A_1562, %get3A_1563] {strides = array<i32>} : memref<800x128xf32, #tpu.memory_space<vmem>>, vector<16xf32>,
        %mul3A_1565 = arith.mulf %get3A_200, %get3A_1564 : vector<16xf32>
        %add3A_1566 = arith.addf %mul3A_1537, %mul3A_1541 : vector<16xf32>
        %add3A_1567 = arith.addf %mul3A_1545, %mul3A_1549 : vector<16xf32>
        %add3A_1568 = arith.addf %mul3A_1553, %mul3A_1557 : vector<16xf32>
        %add3A_1569 = arith.addf %mul3A_1561, %mul3A_1565 : vector<16xf32>
        %add3A_1570 = arith.addf %add3A_1566, %add3A_1567 : vector<16xf32>
        %add3A_1571 = arith.addf %add3A_1568, %add3A_1569 : vector<16xf32>
        %add3A_1572 = arith.addf %add3A_1570, %add3A_1571 : vector<16xf32>
        %eq3A_1573 = arith.constant 8 : i32
        %eq3A_1574 = vector.broadcast %eq3A_1573 : i32 to vector<16xi32>
        %eq3A_1575 = arith.cmpi eq, %iota3A, %eq3A_1574 : vector<16xi32>
        %reduce_sum3A_1576 = arith.constant true
        %reduce_sum3A_1577 = vector.broadcast %reduce_sum3A_1576 : i1 to vector<16xi1>
        %reduce_sum3A_1578 = tpu.scan <sum>, %add3A_1572 masked %reduce_sum3A_1577 : vector<16xf32>, vector<16xi1> -> vector<16xf32>
        %reduce_sum3A_1579 = vector.extract %reduce_sum3A_1578[15] : f32 from vector<16xf32>
        %broadcast_in_dim3A_1580 = vector.broadcast %reduce_sum3A_1579 : f32 to vector<16xf32>
        %select_n3A_1581 = arith.select %eq3A_1575, %broadcast_in_dim3A_1580, %select_n3A_1526 : vector<16xi1>, vector<16xf32>
        %mul3A_1582 = arith.constant 50 : i32
        %mul3A_1583 = arith.muli %add3A_153, %mul3A_1582 : i32
        %add3A_1584 = arith.addi %mul3A_124, %mul3A_1583 : i32
        %add3A_1585 = arith.constant 16 : i32
        %add3A_1586 = arith.addi %add3A_1584, %add3A_1585 : i32
        %add3A_1587 = arith.constant 9 : i32
        %add3A_1588 = arith.addi %add3A_1586, %add3A_1587 : i32
        %get3A_1589 = arith.index_cast %add3A_1588 : i32 to index
        %get3A_1590 = arith.constant 0 : index
        %get3A_1591 = tpu.vector_load %arg10[%get3A_1589, %get3A_1590] {strides = array<i32>} : memref<800x128xf32, #tpu.memory_space<vmem>>, vector<16xf32>,
        %mul3A_1592 = arith.mulf %get3A_158, %get3A_1591 : vector<16xf32>
        %get3A_1593 = arith.index_cast %add3A_1588 : i32 to index
        %get3A_1594 = arith.constant 16 : index
        %get3A_1595 = tpu.vector_load %arg10[%get3A_1593, %get3A_1594] {strides = array<i32>} : memref<800x128xf32, #tpu.memory_space<vmem>>, vector<16xf32>,
        %mul3A_1596 = arith.mulf %get3A_164, %get3A_1595 : vector<16xf32>
        %get3A_1597 = arith.index_cast %add3A_1588 : i32 to index
        %get3A_1598 = arith.constant 32 : index
        %get3A_1599 = tpu.vector_load %arg10[%get3A_1597, %get3A_1598] {strides = array<i32>} : memref<800x128xf32, #tpu.memory_space<vmem>>, vector<16xf32>,
        %mul3A_1600 = arith.mulf %get3A_170, %get3A_1599 : vector<16xf32>
        %get3A_1601 = arith.index_cast %add3A_1588 : i32 to index
        %get3A_1602 = arith.constant 48 : index
        %get3A_1603 = tpu.vector_load %arg10[%get3A_1601, %get3A_1602] {strides = array<i32>} : memref<800x128xf32, #tpu.memory_space<vmem>>, vector<16xf32>,
        %mul3A_1604 = arith.mulf %get3A_176, %get3A_1603 : vector<16xf32>
        %get3A_1605 = arith.index_cast %add3A_1588 : i32 to index
        %get3A_1606 = arith.constant 64 : index
        %get3A_1607 = tpu.vector_load %arg10[%get3A_1605, %get3A_1606] {strides = array<i32>} : memref<800x128xf32, #tpu.memory_space<vmem>>, vector<16xf32>,
        %mul3A_1608 = arith.mulf %get3A_182, %get3A_1607 : vector<16xf32>
        %get3A_1609 = arith.index_cast %add3A_1588 : i32 to index
        %get3A_1610 = arith.constant 80 : index
        %get3A_1611 = tpu.vector_load %arg10[%get3A_1609, %get3A_1610] {strides = array<i32>} : memref<800x128xf32, #tpu.memory_space<vmem>>, vector<16xf32>,
        %mul3A_1612 = arith.mulf %get3A_188, %get3A_1611 : vector<16xf32>
        %get3A_1613 = arith.index_cast %add3A_1588 : i32 to index
        %get3A_1614 = arith.constant 96 : index
        %get3A_1615 = tpu.vector_load %arg10[%get3A_1613, %get3A_1614] {strides = array<i32>} : memref<800x128xf32, #tpu.memory_space<vmem>>, vector<16xf32>,
        %mul3A_1616 = arith.mulf %get3A_194, %get3A_1615 : vector<16xf32>
        %get3A_1617 = arith.index_cast %add3A_1588 : i32 to index
        %get3A_1618 = arith.constant 112 : index
        %get3A_1619 = tpu.vector_load %arg10[%get3A_1617, %get3A_1618] {strides = array<i32>} : memref<800x128xf32, #tpu.memory_space<vmem>>, vector<16xf32>,
        %mul3A_1620 = arith.mulf %get3A_200, %get3A_1619 : vector<16xf32>
        %add3A_1621 = arith.addf %mul3A_1592, %mul3A_1596 : vector<16xf32>
        %add3A_1622 = arith.addf %mul3A_1600, %mul3A_1604 : vector<16xf32>
        %add3A_1623 = arith.addf %mul3A_1608, %mul3A_1612 : vector<16xf32>
        %add3A_1624 = arith.addf %mul3A_1616, %mul3A_1620 : vector<16xf32>
        %add3A_1625 = arith.addf %add3A_1621, %add3A_1622 : vector<16xf32>
        %add3A_1626 = arith.addf %add3A_1623, %add3A_1624 : vector<16xf32>
        %add3A_1627 = arith.addf %add3A_1625, %add3A_1626 : vector<16xf32>
        %eq3A_1628 = arith.constant 9 : i32
        %eq3A_1629 = vector.broadcast %eq3A_1628 : i32 to vector<16xi32>
        %eq3A_1630 = arith.cmpi eq, %iota3A, %eq3A_1629 : vector<16xi32>
        %reduce_sum3A_1631 = arith.constant true
        %reduce_sum3A_1632 = vector.broadcast %reduce_sum3A_1631 : i1 to vector<16xi1>
        %reduce_sum3A_1633 = tpu.scan <sum>, %add3A_1627 masked %reduce_sum3A_1632 : vector<16xf32>, vector<16xi1> -> vector<16xf32>
        %reduce_sum3A_1634 = vector.extract %reduce_sum3A_1633[15] : f32 from vector<16xf32>
        %broadcast_in_dim3A_1635 = vector.broadcast %reduce_sum3A_1634 : f32 to vector<16xf32>
        %select_n3A_1636 = arith.select %eq3A_1630, %broadcast_in_dim3A_1635, %select_n3A_1581 : vector<16xi1>, vector<16xf32>
        %mul3A_1637 = arith.constant 50 : i32
        %mul3A_1638 = arith.muli %add3A_153, %mul3A_1637 : i32
        %add3A_1639 = arith.addi %mul3A_124, %mul3A_1638 : i32
        %add3A_1640 = arith.constant 16 : i32
        %add3A_1641 = arith.addi %add3A_1639, %add3A_1640 : i32
        %add3A_1642 = arith.constant 10 : i32
        %add3A_1643 = arith.addi %add3A_1641, %add3A_1642 : i32
        %get3A_1644 = arith.index_cast %add3A_1643 : i32 to index
        %get3A_1645 = arith.constant 0 : index
        %get3A_1646 = tpu.vector_load %arg10[%get3A_1644, %get3A_1645] {strides = array<i32>} : memref<800x128xf32, #tpu.memory_space<vmem>>, vector<16xf32>,
        %mul3A_1647 = arith.mulf %get3A_158, %get3A_1646 : vector<16xf32>
        %get3A_1648 = arith.index_cast %add3A_1643 : i32 to index
        %get3A_1649 = arith.constant 16 : index
        %get3A_1650 = tpu.vector_load %arg10[%get3A_1648, %get3A_1649] {strides = array<i32>} : memref<800x128xf32, #tpu.memory_space<vmem>>, vector<16xf32>,
        %mul3A_1651 = arith.mulf %get3A_164, %get3A_1650 : vector<16xf32>
        %get3A_1652 = arith.index_cast %add3A_1643 : i32 to index
        %get3A_1653 = arith.constant 32 : index
        %get3A_1654 = tpu.vector_load %arg10[%get3A_1652, %get3A_1653] {strides = array<i32>} : memref<800x128xf32, #tpu.memory_space<vmem>>, vector<16xf32>,
        %mul3A_1655 = arith.mulf %get3A_170, %get3A_1654 : vector<16xf32>
        %get3A_1656 = arith.index_cast %add3A_1643 : i32 to index
        %get3A_1657 = arith.constant 48 : index
        %get3A_1658 = tpu.vector_load %arg10[%get3A_1656, %get3A_1657] {strides = array<i32>} : memref<800x128xf32, #tpu.memory_space<vmem>>, vector<16xf32>,
        %mul3A_1659 = arith.mulf %get3A_176, %get3A_1658 : vector<16xf32>
        %get3A_1660 = arith.index_cast %add3A_1643 : i32 to index
        %get3A_1661 = arith.constant 64 : index
        %get3A_1662 = tpu.vector_load %arg10[%get3A_1660, %get3A_1661] {strides = array<i32>} : memref<800x128xf32, #tpu.memory_space<vmem>>, vector<16xf32>,
        %mul3A_1663 = arith.mulf %get3A_182, %get3A_1662 : vector<16xf32>
        %get3A_1664 = arith.index_cast %add3A_1643 : i32 to index
        %get3A_1665 = arith.constant 80 : index
        %get3A_1666 = tpu.vector_load %arg10[%get3A_1664, %get3A_1665] {strides = array<i32>} : memref<800x128xf32, #tpu.memory_space<vmem>>, vector<16xf32>,
        %mul3A_1667 = arith.mulf %get3A_188, %get3A_1666 : vector<16xf32>
        %get3A_1668 = arith.index_cast %add3A_1643 : i32 to index
        %get3A_1669 = arith.constant 96 : index
        %get3A_1670 = tpu.vector_load %arg10[%get3A_1668, %get3A_1669] {strides = array<i32>} : memref<800x128xf32, #tpu.memory_space<vmem>>, vector<16xf32>,
        %mul3A_1671 = arith.mulf %get3A_194, %get3A_1670 : vector<16xf32>
        %get3A_1672 = arith.index_cast %add3A_1643 : i32 to index
        %get3A_1673 = arith.constant 112 : index
        %get3A_1674 = tpu.vector_load %arg10[%get3A_1672, %get3A_1673] {strides = array<i32>} : memref<800x128xf32, #tpu.memory_space<vmem>>, vector<16xf32>,
        %mul3A_1675 = arith.mulf %get3A_200, %get3A_1674 : vector<16xf32>
        %add3A_1676 = arith.addf %mul3A_1647, %mul3A_1651 : vector<16xf32>
        %add3A_1677 = arith.addf %mul3A_1655, %mul3A_1659 : vector<16xf32>
        %add3A_1678 = arith.addf %mul3A_1663, %mul3A_1667 : vector<16xf32>
        %add3A_1679 = arith.addf %mul3A_1671, %mul3A_1675 : vector<16xf32>
        %add3A_1680 = arith.addf %add3A_1676, %add3A_1677 : vector<16xf32>
        %add3A_1681 = arith.addf %add3A_1678, %add3A_1679 : vector<16xf32>
        %add3A_1682 = arith.addf %add3A_1680, %add3A_1681 : vector<16xf32>
        %eq3A_1683 = arith.constant 10 : i32
        %eq3A_1684 = vector.broadcast %eq3A_1683 : i32 to vector<16xi32>
        %eq3A_1685 = arith.cmpi eq, %iota3A, %eq3A_1684 : vector<16xi32>
        %reduce_sum3A_1686 = arith.constant true
        %reduce_sum3A_1687 = vector.broadcast %reduce_sum3A_1686 : i1 to vector<16xi1>
        %reduce_sum3A_1688 = tpu.scan <sum>, %add3A_1682 masked %reduce_sum3A_1687 : vector<16xf32>, vector<16xi1> -> vector<16xf32>
        %reduce_sum3A_1689 = vector.extract %reduce_sum3A_1688[15] : f32 from vector<16xf32>
        %broadcast_in_dim3A_1690 = vector.broadcast %reduce_sum3A_1689 : f32 to vector<16xf32>
        %select_n3A_1691 = arith.select %eq3A_1685, %broadcast_in_dim3A_1690, %select_n3A_1636 : vector<16xi1>, vector<16xf32>
        %mul3A_1692 = arith.constant 50 : i32
        %mul3A_1693 = arith.muli %add3A_153, %mul3A_1692 : i32
        %add3A_1694 = arith.addi %mul3A_124, %mul3A_1693 : i32
        %add3A_1695 = arith.constant 16 : i32
        %add3A_1696 = arith.addi %add3A_1694, %add3A_1695 : i32
        %add3A_1697 = arith.constant 11 : i32
        %add3A_1698 = arith.addi %add3A_1696, %add3A_1697 : i32
        %get3A_1699 = arith.index_cast %add3A_1698 : i32 to index
        %get3A_1700 = arith.constant 0 : index
        %get3A_1701 = tpu.vector_load %arg10[%get3A_1699, %get3A_1700] {strides = array<i32>} : memref<800x128xf32, #tpu.memory_space<vmem>>, vector<16xf32>,
        %mul3A_1702 = arith.mulf %get3A_158, %get3A_1701 : vector<16xf32>
        %get3A_1703 = arith.index_cast %add3A_1698 : i32 to index
        %get3A_1704 = arith.constant 16 : index
        %get3A_1705 = tpu.vector_load %arg10[%get3A_1703, %get3A_1704] {strides = array<i32>} : memref<800x128xf32, #tpu.memory_space<vmem>>, vector<16xf32>,
        %mul3A_1706 = arith.mulf %get3A_164, %get3A_1705 : vector<16xf32>
        %get3A_1707 = arith.index_cast %add3A_1698 : i32 to index
        %get3A_1708 = arith.constant 32 : index
        %get3A_1709 = tpu.vector_load %arg10[%get3A_1707, %get3A_1708] {strides = array<i32>} : memref<800x128xf32, #tpu.memory_space<vmem>>, vector<16xf32>,
        %mul3A_1710 = arith.mulf %get3A_170, %get3A_1709 : vector<16xf32>
        %get3A_1711 = arith.index_cast %add3A_1698 : i32 to index
        %get3A_1712 = arith.constant 48 : index
        %get3A_1713 = tpu.vector_load %arg10[%get3A_1711, %get3A_1712] {strides = array<i32>} : memref<800x128xf32, #tpu.memory_space<vmem>>, vector<16xf32>,
        %mul3A_1714 = arith.mulf %get3A_176, %get3A_1713 : vector<16xf32>
        %get3A_1715 = arith.index_cast %add3A_1698 : i32 to index
        %get3A_1716 = arith.constant 64 : index
        %get3A_1717 = tpu.vector_load %arg10[%get3A_1715, %get3A_1716] {strides = array<i32>} : memref<800x128xf32, #tpu.memory_space<vmem>>, vector<16xf32>,
        %mul3A_1718 = arith.mulf %get3A_182, %get3A_1717 : vector<16xf32>
        %get3A_1719 = arith.index_cast %add3A_1698 : i32 to index
        %get3A_1720 = arith.constant 80 : index
        %get3A_1721 = tpu.vector_load %arg10[%get3A_1719, %get3A_1720] {strides = array<i32>} : memref<800x128xf32, #tpu.memory_space<vmem>>, vector<16xf32>,
        %mul3A_1722 = arith.mulf %get3A_188, %get3A_1721 : vector<16xf32>
        %get3A_1723 = arith.index_cast %add3A_1698 : i32 to index
        %get3A_1724 = arith.constant 96 : index
        %get3A_1725 = tpu.vector_load %arg10[%get3A_1723, %get3A_1724] {strides = array<i32>} : memref<800x128xf32, #tpu.memory_space<vmem>>, vector<16xf32>,
        %mul3A_1726 = arith.mulf %get3A_194, %get3A_1725 : vector<16xf32>
        %get3A_1727 = arith.index_cast %add3A_1698 : i32 to index
        %get3A_1728 = arith.constant 112 : index
        %get3A_1729 = tpu.vector_load %arg10[%get3A_1727, %get3A_1728] {strides = array<i32>} : memref<800x128xf32, #tpu.memory_space<vmem>>, vector<16xf32>,
        %mul3A_1730 = arith.mulf %get3A_200, %get3A_1729 : vector<16xf32>
        %add3A_1731 = arith.addf %mul3A_1702, %mul3A_1706 : vector<16xf32>
        %add3A_1732 = arith.addf %mul3A_1710, %mul3A_1714 : vector<16xf32>
        %add3A_1733 = arith.addf %mul3A_1718, %mul3A_1722 : vector<16xf32>
        %add3A_1734 = arith.addf %mul3A_1726, %mul3A_1730 : vector<16xf32>
        %add3A_1735 = arith.addf %add3A_1731, %add3A_1732 : vector<16xf32>
        %add3A_1736 = arith.addf %add3A_1733, %add3A_1734 : vector<16xf32>
        %add3A_1737 = arith.addf %add3A_1735, %add3A_1736 : vector<16xf32>
        %eq3A_1738 = arith.constant 11 : i32
        %eq3A_1739 = vector.broadcast %eq3A_1738 : i32 to vector<16xi32>
        %eq3A_1740 = arith.cmpi eq, %iota3A, %eq3A_1739 : vector<16xi32>
        %reduce_sum3A_1741 = arith.constant true
        %reduce_sum3A_1742 = vector.broadcast %reduce_sum3A_1741 : i1 to vector<16xi1>
        %reduce_sum3A_1743 = tpu.scan <sum>, %add3A_1737 masked %reduce_sum3A_1742 : vector<16xf32>, vector<16xi1> -> vector<16xf32>
        %reduce_sum3A_1744 = vector.extract %reduce_sum3A_1743[15] : f32 from vector<16xf32>
        %broadcast_in_dim3A_1745 = vector.broadcast %reduce_sum3A_1744 : f32 to vector<16xf32>
        %select_n3A_1746 = arith.select %eq3A_1740, %broadcast_in_dim3A_1745, %select_n3A_1691 : vector<16xi1>, vector<16xf32>
        %mul3A_1747 = arith.constant 50 : i32
        %mul3A_1748 = arith.muli %add3A_153, %mul3A_1747 : i32
        %add3A_1749 = arith.addi %mul3A_124, %mul3A_1748 : i32
        %add3A_1750 = arith.constant 16 : i32
        %add3A_1751 = arith.addi %add3A_1749, %add3A_1750 : i32
        %add3A_1752 = arith.constant 12 : i32
        %add3A_1753 = arith.addi %add3A_1751, %add3A_1752 : i32
        %get3A_1754 = arith.index_cast %add3A_1753 : i32 to index
        %get3A_1755 = arith.constant 0 : index
        %get3A_1756 = tpu.vector_load %arg10[%get3A_1754, %get3A_1755] {strides = array<i32>} : memref<800x128xf32, #tpu.memory_space<vmem>>, vector<16xf32>,
        %mul3A_1757 = arith.mulf %get3A_158, %get3A_1756 : vector<16xf32>
        %get3A_1758 = arith.index_cast %add3A_1753 : i32 to index
        %get3A_1759 = arith.constant 16 : index
        %get3A_1760 = tpu.vector_load %arg10[%get3A_1758, %get3A_1759] {strides = array<i32>} : memref<800x128xf32, #tpu.memory_space<vmem>>, vector<16xf32>,
        %mul3A_1761 = arith.mulf %get3A_164, %get3A_1760 : vector<16xf32>
        %get3A_1762 = arith.index_cast %add3A_1753 : i32 to index
        %get3A_1763 = arith.constant 32 : index
        %get3A_1764 = tpu.vector_load %arg10[%get3A_1762, %get3A_1763] {strides = array<i32>} : memref<800x128xf32, #tpu.memory_space<vmem>>, vector<16xf32>,
        %mul3A_1765 = arith.mulf %get3A_170, %get3A_1764 : vector<16xf32>
        %get3A_1766 = arith.index_cast %add3A_1753 : i32 to index
        %get3A_1767 = arith.constant 48 : index
        %get3A_1768 = tpu.vector_load %arg10[%get3A_1766, %get3A_1767] {strides = array<i32>} : memref<800x128xf32, #tpu.memory_space<vmem>>, vector<16xf32>,
        %mul3A_1769 = arith.mulf %get3A_176, %get3A_1768 : vector<16xf32>
        %get3A_1770 = arith.index_cast %add3A_1753 : i32 to index
        %get3A_1771 = arith.constant 64 : index
        %get3A_1772 = tpu.vector_load %arg10[%get3A_1770, %get3A_1771] {strides = array<i32>} : memref<800x128xf32, #tpu.memory_space<vmem>>, vector<16xf32>,
        %mul3A_1773 = arith.mulf %get3A_182, %get3A_1772 : vector<16xf32>
        %get3A_1774 = arith.index_cast %add3A_1753 : i32 to index
        %get3A_1775 = arith.constant 80 : index
        %get3A_1776 = tpu.vector_load %arg10[%get3A_1774, %get3A_1775] {strides = array<i32>} : memref<800x128xf32, #tpu.memory_space<vmem>>, vector<16xf32>,
        %mul3A_1777 = arith.mulf %get3A_188, %get3A_1776 : vector<16xf32>
        %get3A_1778 = arith.index_cast %add3A_1753 : i32 to index
        %get3A_1779 = arith.constant 96 : index
        %get3A_1780 = tpu.vector_load %arg10[%get3A_1778, %get3A_1779] {strides = array<i32>} : memref<800x128xf32, #tpu.memory_space<vmem>>, vector<16xf32>,
        %mul3A_1781 = arith.mulf %get3A_194, %get3A_1780 : vector<16xf32>
        %get3A_1782 = arith.index_cast %add3A_1753 : i32 to index
        %get3A_1783 = arith.constant 112 : index
        %get3A_1784 = tpu.vector_load %arg10[%get3A_1782, %get3A_1783] {strides = array<i32>} : memref<800x128xf32, #tpu.memory_space<vmem>>, vector<16xf32>,
        %mul3A_1785 = arith.mulf %get3A_200, %get3A_1784 : vector<16xf32>
        %add3A_1786 = arith.addf %mul3A_1757, %mul3A_1761 : vector<16xf32>
        %add3A_1787 = arith.addf %mul3A_1765, %mul3A_1769 : vector<16xf32>
        %add3A_1788 = arith.addf %mul3A_1773, %mul3A_1777 : vector<16xf32>
        %add3A_1789 = arith.addf %mul3A_1781, %mul3A_1785 : vector<16xf32>
        %add3A_1790 = arith.addf %add3A_1786, %add3A_1787 : vector<16xf32>
        %add3A_1791 = arith.addf %add3A_1788, %add3A_1789 : vector<16xf32>
        %add3A_1792 = arith.addf %add3A_1790, %add3A_1791 : vector<16xf32>
        %eq3A_1793 = arith.constant 12 : i32
        %eq3A_1794 = vector.broadcast %eq3A_1793 : i32 to vector<16xi32>
        %eq3A_1795 = arith.cmpi eq, %iota3A, %eq3A_1794 : vector<16xi32>
        %reduce_sum3A_1796 = arith.constant true
        %reduce_sum3A_1797 = vector.broadcast %reduce_sum3A_1796 : i1 to vector<16xi1>
        %reduce_sum3A_1798 = tpu.scan <sum>, %add3A_1792 masked %reduce_sum3A_1797 : vector<16xf32>, vector<16xi1> -> vector<16xf32>
        %reduce_sum3A_1799 = vector.extract %reduce_sum3A_1798[15] : f32 from vector<16xf32>
        %broadcast_in_dim3A_1800 = vector.broadcast %reduce_sum3A_1799 : f32 to vector<16xf32>
        %select_n3A_1801 = arith.select %eq3A_1795, %broadcast_in_dim3A_1800, %select_n3A_1746 : vector<16xi1>, vector<16xf32>
        %mul3A_1802 = arith.constant 50 : i32
        %mul3A_1803 = arith.muli %add3A_153, %mul3A_1802 : i32
        %add3A_1804 = arith.addi %mul3A_124, %mul3A_1803 : i32
        %add3A_1805 = arith.constant 16 : i32
        %add3A_1806 = arith.addi %add3A_1804, %add3A_1805 : i32
        %add3A_1807 = arith.constant 13 : i32
        %add3A_1808 = arith.addi %add3A_1806, %add3A_1807 : i32
        %get3A_1809 = arith.index_cast %add3A_1808 : i32 to index
        %get3A_1810 = arith.constant 0 : index
        %get3A_1811 = tpu.vector_load %arg10[%get3A_1809, %get3A_1810] {strides = array<i32>} : memref<800x128xf32, #tpu.memory_space<vmem>>, vector<16xf32>,
        %mul3A_1812 = arith.mulf %get3A_158, %get3A_1811 : vector<16xf32>
        %get3A_1813 = arith.index_cast %add3A_1808 : i32 to index
        %get3A_1814 = arith.constant 16 : index
        %get3A_1815 = tpu.vector_load %arg10[%get3A_1813, %get3A_1814] {strides = array<i32>} : memref<800x128xf32, #tpu.memory_space<vmem>>, vector<16xf32>,
        %mul3A_1816 = arith.mulf %get3A_164, %get3A_1815 : vector<16xf32>
        %get3A_1817 = arith.index_cast %add3A_1808 : i32 to index
        %get3A_1818 = arith.constant 32 : index
        %get3A_1819 = tpu.vector_load %arg10[%get3A_1817, %get3A_1818] {strides = array<i32>} : memref<800x128xf32, #tpu.memory_space<vmem>>, vector<16xf32>,
        %mul3A_1820 = arith.mulf %get3A_170, %get3A_1819 : vector<16xf32>
        %get3A_1821 = arith.index_cast %add3A_1808 : i32 to index
        %get3A_1822 = arith.constant 48 : index
        %get3A_1823 = tpu.vector_load %arg10[%get3A_1821, %get3A_1822] {strides = array<i32>} : memref<800x128xf32, #tpu.memory_space<vmem>>, vector<16xf32>,
        %mul3A_1824 = arith.mulf %get3A_176, %get3A_1823 : vector<16xf32>
        %get3A_1825 = arith.index_cast %add3A_1808 : i32 to index
        %get3A_1826 = arith.constant 64 : index
        %get3A_1827 = tpu.vector_load %arg10[%get3A_1825, %get3A_1826] {strides = array<i32>} : memref<800x128xf32, #tpu.memory_space<vmem>>, vector<16xf32>,
        %mul3A_1828 = arith.mulf %get3A_182, %get3A_1827 : vector<16xf32>
        %get3A_1829 = arith.index_cast %add3A_1808 : i32 to index
        %get3A_1830 = arith.constant 80 : index
        %get3A_1831 = tpu.vector_load %arg10[%get3A_1829, %get3A_1830] {strides = array<i32>} : memref<800x128xf32, #tpu.memory_space<vmem>>, vector<16xf32>,
        %mul3A_1832 = arith.mulf %get3A_188, %get3A_1831 : vector<16xf32>
        %get3A_1833 = arith.index_cast %add3A_1808 : i32 to index
        %get3A_1834 = arith.constant 96 : index
        %get3A_1835 = tpu.vector_load %arg10[%get3A_1833, %get3A_1834] {strides = array<i32>} : memref<800x128xf32, #tpu.memory_space<vmem>>, vector<16xf32>,
        %mul3A_1836 = arith.mulf %get3A_194, %get3A_1835 : vector<16xf32>
        %get3A_1837 = arith.index_cast %add3A_1808 : i32 to index
        %get3A_1838 = arith.constant 112 : index
        %get3A_1839 = tpu.vector_load %arg10[%get3A_1837, %get3A_1838] {strides = array<i32>} : memref<800x128xf32, #tpu.memory_space<vmem>>, vector<16xf32>,
        %mul3A_1840 = arith.mulf %get3A_200, %get3A_1839 : vector<16xf32>
        %add3A_1841 = arith.addf %mul3A_1812, %mul3A_1816 : vector<16xf32>
        %add3A_1842 = arith.addf %mul3A_1820, %mul3A_1824 : vector<16xf32>
        %add3A_1843 = arith.addf %mul3A_1828, %mul3A_1832 : vector<16xf32>
        %add3A_1844 = arith.addf %mul3A_1836, %mul3A_1840 : vector<16xf32>
        %add3A_1845 = arith.addf %add3A_1841, %add3A_1842 : vector<16xf32>
        %add3A_1846 = arith.addf %add3A_1843, %add3A_1844 : vector<16xf32>
        %add3A_1847 = arith.addf %add3A_1845, %add3A_1846 : vector<16xf32>
        %eq3A_1848 = arith.constant 13 : i32
        %eq3A_1849 = vector.broadcast %eq3A_1848 : i32 to vector<16xi32>
        %eq3A_1850 = arith.cmpi eq, %iota3A, %eq3A_1849 : vector<16xi32>
        %reduce_sum3A_1851 = arith.constant true
        %reduce_sum3A_1852 = vector.broadcast %reduce_sum3A_1851 : i1 to vector<16xi1>
        %reduce_sum3A_1853 = tpu.scan <sum>, %add3A_1847 masked %reduce_sum3A_1852 : vector<16xf32>, vector<16xi1> -> vector<16xf32>
        %reduce_sum3A_1854 = vector.extract %reduce_sum3A_1853[15] : f32 from vector<16xf32>
        %broadcast_in_dim3A_1855 = vector.broadcast %reduce_sum3A_1854 : f32 to vector<16xf32>
        %select_n3A_1856 = arith.select %eq3A_1850, %broadcast_in_dim3A_1855, %select_n3A_1801 : vector<16xi1>, vector<16xf32>
        %mul3A_1857 = arith.constant 50 : i32
        %mul3A_1858 = arith.muli %add3A_153, %mul3A_1857 : i32
        %add3A_1859 = arith.addi %mul3A_124, %mul3A_1858 : i32
        %add3A_1860 = arith.constant 16 : i32
        %add3A_1861 = arith.addi %add3A_1859, %add3A_1860 : i32
        %add3A_1862 = arith.constant 14 : i32
        %add3A_1863 = arith.addi %add3A_1861, %add3A_1862 : i32
        %get3A_1864 = arith.index_cast %add3A_1863 : i32 to index
        %get3A_1865 = arith.constant 0 : index
        %get3A_1866 = tpu.vector_load %arg10[%get3A_1864, %get3A_1865] {strides = array<i32>} : memref<800x128xf32, #tpu.memory_space<vmem>>, vector<16xf32>,
        %mul3A_1867 = arith.mulf %get3A_158, %get3A_1866 : vector<16xf32>
        %get3A_1868 = arith.index_cast %add3A_1863 : i32 to index
        %get3A_1869 = arith.constant 16 : index
        %get3A_1870 = tpu.vector_load %arg10[%get3A_1868, %get3A_1869] {strides = array<i32>} : memref<800x128xf32, #tpu.memory_space<vmem>>, vector<16xf32>,
        %mul3A_1871 = arith.mulf %get3A_164, %get3A_1870 : vector<16xf32>
        %get3A_1872 = arith.index_cast %add3A_1863 : i32 to index
        %get3A_1873 = arith.constant 32 : index
        %get3A_1874 = tpu.vector_load %arg10[%get3A_1872, %get3A_1873] {strides = array<i32>} : memref<800x128xf32, #tpu.memory_space<vmem>>, vector<16xf32>,
        %mul3A_1875 = arith.mulf %get3A_170, %get3A_1874 : vector<16xf32>
        %get3A_1876 = arith.index_cast %add3A_1863 : i32 to index
        %get3A_1877 = arith.constant 48 : index
        %get3A_1878 = tpu.vector_load %arg10[%get3A_1876, %get3A_1877] {strides = array<i32>} : memref<800x128xf32, #tpu.memory_space<vmem>>, vector<16xf32>,
        %mul3A_1879 = arith.mulf %get3A_176, %get3A_1878 : vector<16xf32>
        %get3A_1880 = arith.index_cast %add3A_1863 : i32 to index
        %get3A_1881 = arith.constant 64 : index
        %get3A_1882 = tpu.vector_load %arg10[%get3A_1880, %get3A_1881] {strides = array<i32>} : memref<800x128xf32, #tpu.memory_space<vmem>>, vector<16xf32>,
        %mul3A_1883 = arith.mulf %get3A_182, %get3A_1882 : vector<16xf32>
        %get3A_1884 = arith.index_cast %add3A_1863 : i32 to index
        %get3A_1885 = arith.constant 80 : index
        %get3A_1886 = tpu.vector_load %arg10[%get3A_1884, %get3A_1885] {strides = array<i32>} : memref<800x128xf32, #tpu.memory_space<vmem>>, vector<16xf32>,
        %mul3A_1887 = arith.mulf %get3A_188, %get3A_1886 : vector<16xf32>
        %get3A_1888 = arith.index_cast %add3A_1863 : i32 to index
        %get3A_1889 = arith.constant 96 : index
        %get3A_1890 = tpu.vector_load %arg10[%get3A_1888, %get3A_1889] {strides = array<i32>} : memref<800x128xf32, #tpu.memory_space<vmem>>, vector<16xf32>,
        %mul3A_1891 = arith.mulf %get3A_194, %get3A_1890 : vector<16xf32>
        %get3A_1892 = arith.index_cast %add3A_1863 : i32 to index
        %get3A_1893 = arith.constant 112 : index
        %get3A_1894 = tpu.vector_load %arg10[%get3A_1892, %get3A_1893] {strides = array<i32>} : memref<800x128xf32, #tpu.memory_space<vmem>>, vector<16xf32>,
        %mul3A_1895 = arith.mulf %get3A_200, %get3A_1894 : vector<16xf32>
        %add3A_1896 = arith.addf %mul3A_1867, %mul3A_1871 : vector<16xf32>
        %add3A_1897 = arith.addf %mul3A_1875, %mul3A_1879 : vector<16xf32>
        %add3A_1898 = arith.addf %mul3A_1883, %mul3A_1887 : vector<16xf32>
        %add3A_1899 = arith.addf %mul3A_1891, %mul3A_1895 : vector<16xf32>
        %add3A_1900 = arith.addf %add3A_1896, %add3A_1897 : vector<16xf32>
        %add3A_1901 = arith.addf %add3A_1898, %add3A_1899 : vector<16xf32>
        %add3A_1902 = arith.addf %add3A_1900, %add3A_1901 : vector<16xf32>
        %eq3A_1903 = arith.constant 14 : i32
        %eq3A_1904 = vector.broadcast %eq3A_1903 : i32 to vector<16xi32>
        %eq3A_1905 = arith.cmpi eq, %iota3A, %eq3A_1904 : vector<16xi32>
        %reduce_sum3A_1906 = arith.constant true
        %reduce_sum3A_1907 = vector.broadcast %reduce_sum3A_1906 : i1 to vector<16xi1>
        %reduce_sum3A_1908 = tpu.scan <sum>, %add3A_1902 masked %reduce_sum3A_1907 : vector<16xf32>, vector<16xi1> -> vector<16xf32>
        %reduce_sum3A_1909 = vector.extract %reduce_sum3A_1908[15] : f32 from vector<16xf32>
        %broadcast_in_dim3A_1910 = vector.broadcast %reduce_sum3A_1909 : f32 to vector<16xf32>
        %select_n3A_1911 = arith.select %eq3A_1905, %broadcast_in_dim3A_1910, %select_n3A_1856 : vector<16xi1>, vector<16xf32>
        %mul3A_1912 = arith.constant 50 : i32
        %mul3A_1913 = arith.muli %add3A_153, %mul3A_1912 : i32
        %add3A_1914 = arith.addi %mul3A_124, %mul3A_1913 : i32
        %add3A_1915 = arith.constant 16 : i32
        %add3A_1916 = arith.addi %add3A_1914, %add3A_1915 : i32
        %add3A_1917 = arith.constant 15 : i32
        %add3A_1918 = arith.addi %add3A_1916, %add3A_1917 : i32
        %get3A_1919 = arith.index_cast %add3A_1918 : i32 to index
        %get3A_1920 = arith.constant 0 : index
        %get3A_1921 = tpu.vector_load %arg10[%get3A_1919, %get3A_1920] {strides = array<i32>} : memref<800x128xf32, #tpu.memory_space<vmem>>, vector<16xf32>,
        %mul3A_1922 = arith.mulf %get3A_158, %get3A_1921 : vector<16xf32>
        %get3A_1923 = arith.index_cast %add3A_1918 : i32 to index
        %get3A_1924 = arith.constant 16 : index
        %get3A_1925 = tpu.vector_load %arg10[%get3A_1923, %get3A_1924] {strides = array<i32>} : memref<800x128xf32, #tpu.memory_space<vmem>>, vector<16xf32>,
        %mul3A_1926 = arith.mulf %get3A_164, %get3A_1925 : vector<16xf32>
        %get3A_1927 = arith.index_cast %add3A_1918 : i32 to index
        %get3A_1928 = arith.constant 32 : index
        %get3A_1929 = tpu.vector_load %arg10[%get3A_1927, %get3A_1928] {strides = array<i32>} : memref<800x128xf32, #tpu.memory_space<vmem>>, vector<16xf32>,
        %mul3A_1930 = arith.mulf %get3A_170, %get3A_1929 : vector<16xf32>
        %get3A_1931 = arith.index_cast %add3A_1918 : i32 to index
        %get3A_1932 = arith.constant 48 : index
        %get3A_1933 = tpu.vector_load %arg10[%get3A_1931, %get3A_1932] {strides = array<i32>} : memref<800x128xf32, #tpu.memory_space<vmem>>, vector<16xf32>,
        %mul3A_1934 = arith.mulf %get3A_176, %get3A_1933 : vector<16xf32>
        %get3A_1935 = arith.index_cast %add3A_1918 : i32 to index
        %get3A_1936 = arith.constant 64 : index
        %get3A_1937 = tpu.vector_load %arg10[%get3A_1935, %get3A_1936] {strides = array<i32>} : memref<800x128xf32, #tpu.memory_space<vmem>>, vector<16xf32>,
        %mul3A_1938 = arith.mulf %get3A_182, %get3A_1937 : vector<16xf32>
        %get3A_1939 = arith.index_cast %add3A_1918 : i32 to index
        %get3A_1940 = arith.constant 80 : index
        %get3A_1941 = tpu.vector_load %arg10[%get3A_1939, %get3A_1940] {strides = array<i32>} : memref<800x128xf32, #tpu.memory_space<vmem>>, vector<16xf32>,
        %mul3A_1942 = arith.mulf %get3A_188, %get3A_1941 : vector<16xf32>
        %get3A_1943 = arith.index_cast %add3A_1918 : i32 to index
        %get3A_1944 = arith.constant 96 : index
        %get3A_1945 = tpu.vector_load %arg10[%get3A_1943, %get3A_1944] {strides = array<i32>} : memref<800x128xf32, #tpu.memory_space<vmem>>, vector<16xf32>,
        %mul3A_1946 = arith.mulf %get3A_194, %get3A_1945 : vector<16xf32>
        %get3A_1947 = arith.index_cast %add3A_1918 : i32 to index
        %get3A_1948 = arith.constant 112 : index
        %get3A_1949 = tpu.vector_load %arg10[%get3A_1947, %get3A_1948] {strides = array<i32>} : memref<800x128xf32, #tpu.memory_space<vmem>>, vector<16xf32>,
        %mul3A_1950 = arith.mulf %get3A_200, %get3A_1949 : vector<16xf32>
        %add3A_1951 = arith.addf %mul3A_1922, %mul3A_1926 : vector<16xf32>
        %add3A_1952 = arith.addf %mul3A_1930, %mul3A_1934 : vector<16xf32>
        %add3A_1953 = arith.addf %mul3A_1938, %mul3A_1942 : vector<16xf32>
        %add3A_1954 = arith.addf %mul3A_1946, %mul3A_1950 : vector<16xf32>
        %add3A_1955 = arith.addf %add3A_1951, %add3A_1952 : vector<16xf32>
        %add3A_1956 = arith.addf %add3A_1953, %add3A_1954 : vector<16xf32>
        %add3A_1957 = arith.addf %add3A_1955, %add3A_1956 : vector<16xf32>
        %eq3A_1958 = arith.constant 15 : i32
        %eq3A_1959 = vector.broadcast %eq3A_1958 : i32 to vector<16xi32>
        %eq3A_1960 = arith.cmpi eq, %iota3A, %eq3A_1959 : vector<16xi32>
        %reduce_sum3A_1961 = arith.constant true
        %reduce_sum3A_1962 = vector.broadcast %reduce_sum3A_1961 : i1 to vector<16xi1>
        %reduce_sum3A_1963 = tpu.scan <sum>, %add3A_1957 masked %reduce_sum3A_1962 : vector<16xf32>, vector<16xi1> -> vector<16xf32>
        %reduce_sum3A_1964 = vector.extract %reduce_sum3A_1963[15] : f32 from vector<16xf32>
        %broadcast_in_dim3A_1965 = vector.broadcast %reduce_sum3A_1964 : f32 to vector<16xf32>
        %select_n3A_1966 = arith.select %eq3A_1960, %broadcast_in_dim3A_1965, %select_n3A_1911 : vector<16xi1>, vector<16xf32>
        %mul3A_1967 = arith.constant 50 : i32
        %mul3A_1968 = arith.muli %add3A_153, %mul3A_1967 : i32
        %add3A_1969 = arith.addi %mul3A_126, %mul3A_1968 : i32
        %add3A_1970 = arith.constant 16 : i32
        %add3A_1971 = arith.addi %add3A_1969, %add3A_1970 : i32
        %swap3A_1972 = arith.index_cast %add3A_1971 : i32 to index
        %swap3A_1973 = tpu.vector_load %arg11[%swap3A_1972] {strides = array<i32>} : memref<864xf32, #tpu.memory_space<vmem>>, vector<16xf32>,
        tpu.vector_store %arg11[%swap3A_1972], %select_n3A_1966 {strides = array<i32>} : memref<864xf32, #tpu.memory_space<vmem>>, vector<16xf32>,
        %broadcast_in_dim3A_1974 = arith.constant 0.000000e+00 : f32
        %broadcast_in_dim3A_1975 = vector.broadcast %broadcast_in_dim3A_1974 : f32 to vector<16xf32>
        %mul3A_1976 = arith.constant 50 : i32
        %mul3A_1977 = arith.muli %add3A_153, %mul3A_1976 : i32
        %add3A_1978 = arith.addi %mul3A_124, %mul3A_1977 : i32
        %add3A_1979 = arith.constant 32 : i32
        %add3A_1980 = arith.addi %add3A_1978, %add3A_1979 : i32
        %add3A_1981 = arith.constant 0 : i32
        %add3A_1982 = arith.addi %add3A_1980, %add3A_1981 : i32
        %get3A_1983 = arith.index_cast %add3A_1982 : i32 to index
        %get3A_1984 = arith.constant 0 : index
        %get3A_1985 = tpu.vector_load %arg10[%get3A_1983, %get3A_1984] {strides = array<i32>} : memref<800x128xf32, #tpu.memory_space<vmem>>, vector<16xf32>,
        %mul3A_1986 = arith.mulf %get3A_158, %get3A_1985 : vector<16xf32>
        %get3A_1987 = arith.index_cast %add3A_1982 : i32 to index
        %get3A_1988 = arith.constant 16 : index
        %get3A_1989 = tpu.vector_load %arg10[%get3A_1987, %get3A_1988] {strides = array<i32>} : memref<800x128xf32, #tpu.memory_space<vmem>>, vector<16xf32>,
        %mul3A_1990 = arith.mulf %get3A_164, %get3A_1989 : vector<16xf32>
        %get3A_1991 = arith.index_cast %add3A_1982 : i32 to index
        %get3A_1992 = arith.constant 32 : index
        %get3A_1993 = tpu.vector_load %arg10[%get3A_1991, %get3A_1992] {strides = array<i32>} : memref<800x128xf32, #tpu.memory_space<vmem>>, vector<16xf32>,
        %mul3A_1994 = arith.mulf %get3A_170, %get3A_1993 : vector<16xf32>
        %get3A_1995 = arith.index_cast %add3A_1982 : i32 to index
        %get3A_1996 = arith.constant 48 : index
        %get3A_1997 = tpu.vector_load %arg10[%get3A_1995, %get3A_1996] {strides = array<i32>} : memref<800x128xf32, #tpu.memory_space<vmem>>, vector<16xf32>,
        %mul3A_1998 = arith.mulf %get3A_176, %get3A_1997 : vector<16xf32>
        %get3A_1999 = arith.index_cast %add3A_1982 : i32 to index
        %get3A_2000 = arith.constant 64 : index
        %get3A_2001 = tpu.vector_load %arg10[%get3A_1999, %get3A_2000] {strides = array<i32>} : memref<800x128xf32, #tpu.memory_space<vmem>>, vector<16xf32>,
        %mul3A_2002 = arith.mulf %get3A_182, %get3A_2001 : vector<16xf32>
        %get3A_2003 = arith.index_cast %add3A_1982 : i32 to index
        %get3A_2004 = arith.constant 80 : index
        %get3A_2005 = tpu.vector_load %arg10[%get3A_2003, %get3A_2004] {strides = array<i32>} : memref<800x128xf32, #tpu.memory_space<vmem>>, vector<16xf32>,
        %mul3A_2006 = arith.mulf %get3A_188, %get3A_2005 : vector<16xf32>
        %get3A_2007 = arith.index_cast %add3A_1982 : i32 to index
        %get3A_2008 = arith.constant 96 : index
        %get3A_2009 = tpu.vector_load %arg10[%get3A_2007, %get3A_2008] {strides = array<i32>} : memref<800x128xf32, #tpu.memory_space<vmem>>, vector<16xf32>,
        %mul3A_2010 = arith.mulf %get3A_194, %get3A_2009 : vector<16xf32>
        %get3A_2011 = arith.index_cast %add3A_1982 : i32 to index
        %get3A_2012 = arith.constant 112 : index
        %get3A_2013 = tpu.vector_load %arg10[%get3A_2011, %get3A_2012] {strides = array<i32>} : memref<800x128xf32, #tpu.memory_space<vmem>>, vector<16xf32>,
        %mul3A_2014 = arith.mulf %get3A_200, %get3A_2013 : vector<16xf32>
        %add3A_2015 = arith.addf %mul3A_1986, %mul3A_1990 : vector<16xf32>
        %add3A_2016 = arith.addf %mul3A_1994, %mul3A_1998 : vector<16xf32>
        %add3A_2017 = arith.addf %mul3A_2002, %mul3A_2006 : vector<16xf32>
        %add3A_2018 = arith.addf %mul3A_2010, %mul3A_2014 : vector<16xf32>
        %add3A_2019 = arith.addf %add3A_2015, %add3A_2016 : vector<16xf32>
        %add3A_2020 = arith.addf %add3A_2017, %add3A_2018 : vector<16xf32>
        %add3A_2021 = arith.addf %add3A_2019, %add3A_2020 : vector<16xf32>
        %eq3A_2022 = arith.constant 0 : i32
        %eq3A_2023 = vector.broadcast %eq3A_2022 : i32 to vector<16xi32>
        %eq3A_2024 = arith.cmpi eq, %iota3A, %eq3A_2023 : vector<16xi32>
        %reduce_sum3A_2025 = arith.constant true
        %reduce_sum3A_2026 = vector.broadcast %reduce_sum3A_2025 : i1 to vector<16xi1>
        %reduce_sum3A_2027 = tpu.scan <sum>, %add3A_2021 masked %reduce_sum3A_2026 : vector<16xf32>, vector<16xi1> -> vector<16xf32>
        %reduce_sum3A_2028 = vector.extract %reduce_sum3A_2027[15] : f32 from vector<16xf32>
        %broadcast_in_dim3A_2029 = vector.broadcast %reduce_sum3A_2028 : f32 to vector<16xf32>
        %select_n3A_2030 = arith.select %eq3A_2024, %broadcast_in_dim3A_2029, %broadcast_in_dim3A_1975 : vector<16xi1>, vector<16xf32>
        %mul3A_2031 = arith.constant 50 : i32
        %mul3A_2032 = arith.muli %add3A_153, %mul3A_2031 : i32
        %add3A_2033 = arith.addi %mul3A_124, %mul3A_2032 : i32
        %add3A_2034 = arith.constant 32 : i32
        %add3A_2035 = arith.addi %add3A_2033, %add3A_2034 : i32
        %add3A_2036 = arith.constant 1 : i32
        %add3A_2037 = arith.addi %add3A_2035, %add3A_2036 : i32
        %get3A_2038 = arith.index_cast %add3A_2037 : i32 to index
        %get3A_2039 = arith.constant 0 : index
        %get3A_2040 = tpu.vector_load %arg10[%get3A_2038, %get3A_2039] {strides = array<i32>} : memref<800x128xf32, #tpu.memory_space<vmem>>, vector<16xf32>,
        %mul3A_2041 = arith.mulf %get3A_158, %get3A_2040 : vector<16xf32>
        %get3A_2042 = arith.index_cast %add3A_2037 : i32 to index
        %get3A_2043 = arith.constant 16 : index
        %get3A_2044 = tpu.vector_load %arg10[%get3A_2042, %get3A_2043] {strides = array<i32>} : memref<800x128xf32, #tpu.memory_space<vmem>>, vector<16xf32>,
        %mul3A_2045 = arith.mulf %get3A_164, %get3A_2044 : vector<16xf32>
        %get3A_2046 = arith.index_cast %add3A_2037 : i32 to index
        %get3A_2047 = arith.constant 32 : index
        %get3A_2048 = tpu.vector_load %arg10[%get3A_2046, %get3A_2047] {strides = array<i32>} : memref<800x128xf32, #tpu.memory_space<vmem>>, vector<16xf32>,
        %mul3A_2049 = arith.mulf %get3A_170, %get3A_2048 : vector<16xf32>
        %get3A_2050 = arith.index_cast %add3A_2037 : i32 to index
        %get3A_2051 = arith.constant 48 : index
        %get3A_2052 = tpu.vector_load %arg10[%get3A_2050, %get3A_2051] {strides = array<i32>} : memref<800x128xf32, #tpu.memory_space<vmem>>, vector<16xf32>,
        %mul3A_2053 = arith.mulf %get3A_176, %get3A_2052 : vector<16xf32>
        %get3A_2054 = arith.index_cast %add3A_2037 : i32 to index
        %get3A_2055 = arith.constant 64 : index
        %get3A_2056 = tpu.vector_load %arg10[%get3A_2054, %get3A_2055] {strides = array<i32>} : memref<800x128xf32, #tpu.memory_space<vmem>>, vector<16xf32>,
        %mul3A_2057 = arith.mulf %get3A_182, %get3A_2056 : vector<16xf32>
        %get3A_2058 = arith.index_cast %add3A_2037 : i32 to index
        %get3A_2059 = arith.constant 80 : index
        %get3A_2060 = tpu.vector_load %arg10[%get3A_2058, %get3A_2059] {strides = array<i32>} : memref<800x128xf32, #tpu.memory_space<vmem>>, vector<16xf32>,
        %mul3A_2061 = arith.mulf %get3A_188, %get3A_2060 : vector<16xf32>
        %get3A_2062 = arith.index_cast %add3A_2037 : i32 to index
        %get3A_2063 = arith.constant 96 : index
        %get3A_2064 = tpu.vector_load %arg10[%get3A_2062, %get3A_2063] {strides = array<i32>} : memref<800x128xf32, #tpu.memory_space<vmem>>, vector<16xf32>,
        %mul3A_2065 = arith.mulf %get3A_194, %get3A_2064 : vector<16xf32>
        %get3A_2066 = arith.index_cast %add3A_2037 : i32 to index
        %get3A_2067 = arith.constant 112 : index
        %get3A_2068 = tpu.vector_load %arg10[%get3A_2066, %get3A_2067] {strides = array<i32>} : memref<800x128xf32, #tpu.memory_space<vmem>>, vector<16xf32>,
        %mul3A_2069 = arith.mulf %get3A_200, %get3A_2068 : vector<16xf32>
        %add3A_2070 = arith.addf %mul3A_2041, %mul3A_2045 : vector<16xf32>
        %add3A_2071 = arith.addf %mul3A_2049, %mul3A_2053 : vector<16xf32>
        %add3A_2072 = arith.addf %mul3A_2057, %mul3A_2061 : vector<16xf32>
        %add3A_2073 = arith.addf %mul3A_2065, %mul3A_2069 : vector<16xf32>
        %add3A_2074 = arith.addf %add3A_2070, %add3A_2071 : vector<16xf32>
        %add3A_2075 = arith.addf %add3A_2072, %add3A_2073 : vector<16xf32>
        %add3A_2076 = arith.addf %add3A_2074, %add3A_2075 : vector<16xf32>
        %eq3A_2077 = arith.constant 1 : i32
        %eq3A_2078 = vector.broadcast %eq3A_2077 : i32 to vector<16xi32>
        %eq3A_2079 = arith.cmpi eq, %iota3A, %eq3A_2078 : vector<16xi32>
        %reduce_sum3A_2080 = arith.constant true
        %reduce_sum3A_2081 = vector.broadcast %reduce_sum3A_2080 : i1 to vector<16xi1>
        %reduce_sum3A_2082 = tpu.scan <sum>, %add3A_2076 masked %reduce_sum3A_2081 : vector<16xf32>, vector<16xi1> -> vector<16xf32>
        %reduce_sum3A_2083 = vector.extract %reduce_sum3A_2082[15] : f32 from vector<16xf32>
        %broadcast_in_dim3A_2084 = vector.broadcast %reduce_sum3A_2083 : f32 to vector<16xf32>
        %select_n3A_2085 = arith.select %eq3A_2079, %broadcast_in_dim3A_2084, %select_n3A_2030 : vector<16xi1>, vector<16xf32>
        %mul3A_2086 = arith.constant 50 : i32
        %mul3A_2087 = arith.muli %add3A_153, %mul3A_2086 : i32
        %add3A_2088 = arith.addi %mul3A_124, %mul3A_2087 : i32
        %add3A_2089 = arith.constant 32 : i32
        %add3A_2090 = arith.addi %add3A_2088, %add3A_2089 : i32
        %add3A_2091 = arith.constant 2 : i32
        %add3A_2092 = arith.addi %add3A_2090, %add3A_2091 : i32
        %get3A_2093 = arith.index_cast %add3A_2092 : i32 to index
        %get3A_2094 = arith.constant 0 : index
        %get3A_2095 = tpu.vector_load %arg10[%get3A_2093, %get3A_2094] {strides = array<i32>} : memref<800x128xf32, #tpu.memory_space<vmem>>, vector<16xf32>,
        %mul3A_2096 = arith.mulf %get3A_158, %get3A_2095 : vector<16xf32>
        %get3A_2097 = arith.index_cast %add3A_2092 : i32 to index
        %get3A_2098 = arith.constant 16 : index
        %get3A_2099 = tpu.vector_load %arg10[%get3A_2097, %get3A_2098] {strides = array<i32>} : memref<800x128xf32, #tpu.memory_space<vmem>>, vector<16xf32>,
        %mul3A_2100 = arith.mulf %get3A_164, %get3A_2099 : vector<16xf32>
        %get3A_2101 = arith.index_cast %add3A_2092 : i32 to index
        %get3A_2102 = arith.constant 32 : index
        %get3A_2103 = tpu.vector_load %arg10[%get3A_2101, %get3A_2102] {strides = array<i32>} : memref<800x128xf32, #tpu.memory_space<vmem>>, vector<16xf32>,
        %mul3A_2104 = arith.mulf %get3A_170, %get3A_2103 : vector<16xf32>
        %get3A_2105 = arith.index_cast %add3A_2092 : i32 to index
        %get3A_2106 = arith.constant 48 : index
        %get3A_2107 = tpu.vector_load %arg10[%get3A_2105, %get3A_2106] {strides = array<i32>} : memref<800x128xf32, #tpu.memory_space<vmem>>, vector<16xf32>,
        %mul3A_2108 = arith.mulf %get3A_176, %get3A_2107 : vector<16xf32>
        %get3A_2109 = arith.index_cast %add3A_2092 : i32 to index
        %get3A_2110 = arith.constant 64 : index
        %get3A_2111 = tpu.vector_load %arg10[%get3A_2109, %get3A_2110] {strides = array<i32>} : memref<800x128xf32, #tpu.memory_space<vmem>>, vector<16xf32>,
        %mul3A_2112 = arith.mulf %get3A_182, %get3A_2111 : vector<16xf32>
        %get3A_2113 = arith.index_cast %add3A_2092 : i32 to index
        %get3A_2114 = arith.constant 80 : index
        %get3A_2115 = tpu.vector_load %arg10[%get3A_2113, %get3A_2114] {strides = array<i32>} : memref<800x128xf32, #tpu.memory_space<vmem>>, vector<16xf32>,
        %mul3A_2116 = arith.mulf %get3A_188, %get3A_2115 : vector<16xf32>
        %get3A_2117 = arith.index_cast %add3A_2092 : i32 to index
        %get3A_2118 = arith.constant 96 : index
        %get3A_2119 = tpu.vector_load %arg10[%get3A_2117, %get3A_2118] {strides = array<i32>} : memref<800x128xf32, #tpu.memory_space<vmem>>, vector<16xf32>,
        %mul3A_2120 = arith.mulf %get3A_194, %get3A_2119 : vector<16xf32>
        %get3A_2121 = arith.index_cast %add3A_2092 : i32 to index
        %get3A_2122 = arith.constant 112 : index
        %get3A_2123 = tpu.vector_load %arg10[%get3A_2121, %get3A_2122] {strides = array<i32>} : memref<800x128xf32, #tpu.memory_space<vmem>>, vector<16xf32>,
        %mul3A_2124 = arith.mulf %get3A_200, %get3A_2123 : vector<16xf32>
        %add3A_2125 = arith.addf %mul3A_2096, %mul3A_2100 : vector<16xf32>
        %add3A_2126 = arith.addf %mul3A_2104, %mul3A_2108 : vector<16xf32>
        %add3A_2127 = arith.addf %mul3A_2112, %mul3A_2116 : vector<16xf32>
        %add3A_2128 = arith.addf %mul3A_2120, %mul3A_2124 : vector<16xf32>
        %add3A_2129 = arith.addf %add3A_2125, %add3A_2126 : vector<16xf32>
        %add3A_2130 = arith.addf %add3A_2127, %add3A_2128 : vector<16xf32>
        %add3A_2131 = arith.addf %add3A_2129, %add3A_2130 : vector<16xf32>
        %eq3A_2132 = arith.constant 2 : i32
        %eq3A_2133 = vector.broadcast %eq3A_2132 : i32 to vector<16xi32>
        %eq3A_2134 = arith.cmpi eq, %iota3A, %eq3A_2133 : vector<16xi32>
        %reduce_sum3A_2135 = arith.constant true
        %reduce_sum3A_2136 = vector.broadcast %reduce_sum3A_2135 : i1 to vector<16xi1>
        %reduce_sum3A_2137 = tpu.scan <sum>, %add3A_2131 masked %reduce_sum3A_2136 : vector<16xf32>, vector<16xi1> -> vector<16xf32>
        %reduce_sum3A_2138 = vector.extract %reduce_sum3A_2137[15] : f32 from vector<16xf32>
        %broadcast_in_dim3A_2139 = vector.broadcast %reduce_sum3A_2138 : f32 to vector<16xf32>
        %select_n3A_2140 = arith.select %eq3A_2134, %broadcast_in_dim3A_2139, %select_n3A_2085 : vector<16xi1>, vector<16xf32>
        %mul3A_2141 = arith.constant 50 : i32
        %mul3A_2142 = arith.muli %add3A_153, %mul3A_2141 : i32
        %add3A_2143 = arith.addi %mul3A_124, %mul3A_2142 : i32
        %add3A_2144 = arith.constant 32 : i32
        %add3A_2145 = arith.addi %add3A_2143, %add3A_2144 : i32
        %add3A_2146 = arith.constant 3 : i32
        %add3A_2147 = arith.addi %add3A_2145, %add3A_2146 : i32
        %get3A_2148 = arith.index_cast %add3A_2147 : i32 to index
        %get3A_2149 = arith.constant 0 : index
        %get3A_2150 = tpu.vector_load %arg10[%get3A_2148, %get3A_2149] {strides = array<i32>} : memref<800x128xf32, #tpu.memory_space<vmem>>, vector<16xf32>,
        %mul3A_2151 = arith.mulf %get3A_158, %get3A_2150 : vector<16xf32>
        %get3A_2152 = arith.index_cast %add3A_2147 : i32 to index
        %get3A_2153 = arith.constant 16 : index
        %get3A_2154 = tpu.vector_load %arg10[%get3A_2152, %get3A_2153] {strides = array<i32>} : memref<800x128xf32, #tpu.memory_space<vmem>>, vector<16xf32>,
        %mul3A_2155 = arith.mulf %get3A_164, %get3A_2154 : vector<16xf32>
        %get3A_2156 = arith.index_cast %add3A_2147 : i32 to index
        %get3A_2157 = arith.constant 32 : index
        %get3A_2158 = tpu.vector_load %arg10[%get3A_2156, %get3A_2157] {strides = array<i32>} : memref<800x128xf32, #tpu.memory_space<vmem>>, vector<16xf32>,
        %mul3A_2159 = arith.mulf %get3A_170, %get3A_2158 : vector<16xf32>
        %get3A_2160 = arith.index_cast %add3A_2147 : i32 to index
        %get3A_2161 = arith.constant 48 : index
        %get3A_2162 = tpu.vector_load %arg10[%get3A_2160, %get3A_2161] {strides = array<i32>} : memref<800x128xf32, #tpu.memory_space<vmem>>, vector<16xf32>,
        %mul3A_2163 = arith.mulf %get3A_176, %get3A_2162 : vector<16xf32>
        %get3A_2164 = arith.index_cast %add3A_2147 : i32 to index
        %get3A_2165 = arith.constant 64 : index
        %get3A_2166 = tpu.vector_load %arg10[%get3A_2164, %get3A_2165] {strides = array<i32>} : memref<800x128xf32, #tpu.memory_space<vmem>>, vector<16xf32>,
        %mul3A_2167 = arith.mulf %get3A_182, %get3A_2166 : vector<16xf32>
        %get3A_2168 = arith.index_cast %add3A_2147 : i32 to index
        %get3A_2169 = arith.constant 80 : index
        %get3A_2170 = tpu.vector_load %arg10[%get3A_2168, %get3A_2169] {strides = array<i32>} : memref<800x128xf32, #tpu.memory_space<vmem>>, vector<16xf32>,
        %mul3A_2171 = arith.mulf %get3A_188, %get3A_2170 : vector<16xf32>
        %get3A_2172 = arith.index_cast %add3A_2147 : i32 to index
        %get3A_2173 = arith.constant 96 : index
        %get3A_2174 = tpu.vector_load %arg10[%get3A_2172, %get3A_2173] {strides = array<i32>} : memref<800x128xf32, #tpu.memory_space<vmem>>, vector<16xf32>,
        %mul3A_2175 = arith.mulf %get3A_194, %get3A_2174 : vector<16xf32>
        %get3A_2176 = arith.index_cast %add3A_2147 : i32 to index
        %get3A_2177 = arith.constant 112 : index
        %get3A_2178 = tpu.vector_load %arg10[%get3A_2176, %get3A_2177] {strides = array<i32>} : memref<800x128xf32, #tpu.memory_space<vmem>>, vector<16xf32>,
        %mul3A_2179 = arith.mulf %get3A_200, %get3A_2178 : vector<16xf32>
        %add3A_2180 = arith.addf %mul3A_2151, %mul3A_2155 : vector<16xf32>
        %add3A_2181 = arith.addf %mul3A_2159, %mul3A_2163 : vector<16xf32>
        %add3A_2182 = arith.addf %mul3A_2167, %mul3A_2171 : vector<16xf32>
        %add3A_2183 = arith.addf %mul3A_2175, %mul3A_2179 : vector<16xf32>
        %add3A_2184 = arith.addf %add3A_2180, %add3A_2181 : vector<16xf32>
        %add3A_2185 = arith.addf %add3A_2182, %add3A_2183 : vector<16xf32>
        %add3A_2186 = arith.addf %add3A_2184, %add3A_2185 : vector<16xf32>
        %eq3A_2187 = arith.constant 3 : i32
        %eq3A_2188 = vector.broadcast %eq3A_2187 : i32 to vector<16xi32>
        %eq3A_2189 = arith.cmpi eq, %iota3A, %eq3A_2188 : vector<16xi32>
        %reduce_sum3A_2190 = arith.constant true
        %reduce_sum3A_2191 = vector.broadcast %reduce_sum3A_2190 : i1 to vector<16xi1>
        %reduce_sum3A_2192 = tpu.scan <sum>, %add3A_2186 masked %reduce_sum3A_2191 : vector<16xf32>, vector<16xi1> -> vector<16xf32>
        %reduce_sum3A_2193 = vector.extract %reduce_sum3A_2192[15] : f32 from vector<16xf32>
        %broadcast_in_dim3A_2194 = vector.broadcast %reduce_sum3A_2193 : f32 to vector<16xf32>
        %select_n3A_2195 = arith.select %eq3A_2189, %broadcast_in_dim3A_2194, %select_n3A_2140 : vector<16xi1>, vector<16xf32>
        %mul3A_2196 = arith.constant 50 : i32
        %mul3A_2197 = arith.muli %add3A_153, %mul3A_2196 : i32
        %add3A_2198 = arith.addi %mul3A_124, %mul3A_2197 : i32
        %add3A_2199 = arith.constant 32 : i32
        %add3A_2200 = arith.addi %add3A_2198, %add3A_2199 : i32
        %add3A_2201 = arith.constant 4 : i32
        %add3A_2202 = arith.addi %add3A_2200, %add3A_2201 : i32
        %get3A_2203 = arith.index_cast %add3A_2202 : i32 to index
        %get3A_2204 = arith.constant 0 : index
        %get3A_2205 = tpu.vector_load %arg10[%get3A_2203, %get3A_2204] {strides = array<i32>} : memref<800x128xf32, #tpu.memory_space<vmem>>, vector<16xf32>,
        %mul3A_2206 = arith.mulf %get3A_158, %get3A_2205 : vector<16xf32>
        %get3A_2207 = arith.index_cast %add3A_2202 : i32 to index
        %get3A_2208 = arith.constant 16 : index
        %get3A_2209 = tpu.vector_load %arg10[%get3A_2207, %get3A_2208] {strides = array<i32>} : memref<800x128xf32, #tpu.memory_space<vmem>>, vector<16xf32>,
        %mul3A_2210 = arith.mulf %get3A_164, %get3A_2209 : vector<16xf32>
        %get3A_2211 = arith.index_cast %add3A_2202 : i32 to index
        %get3A_2212 = arith.constant 32 : index
        %get3A_2213 = tpu.vector_load %arg10[%get3A_2211, %get3A_2212] {strides = array<i32>} : memref<800x128xf32, #tpu.memory_space<vmem>>, vector<16xf32>,
        %mul3A_2214 = arith.mulf %get3A_170, %get3A_2213 : vector<16xf32>
        %get3A_2215 = arith.index_cast %add3A_2202 : i32 to index
        %get3A_2216 = arith.constant 48 : index
        %get3A_2217 = tpu.vector_load %arg10[%get3A_2215, %get3A_2216] {strides = array<i32>} : memref<800x128xf32, #tpu.memory_space<vmem>>, vector<16xf32>,
        %mul3A_2218 = arith.mulf %get3A_176, %get3A_2217 : vector<16xf32>
        %get3A_2219 = arith.index_cast %add3A_2202 : i32 to index
        %get3A_2220 = arith.constant 64 : index
        %get3A_2221 = tpu.vector_load %arg10[%get3A_2219, %get3A_2220] {strides = array<i32>} : memref<800x128xf32, #tpu.memory_space<vmem>>, vector<16xf32>,
        %mul3A_2222 = arith.mulf %get3A_182, %get3A_2221 : vector<16xf32>
        %get3A_2223 = arith.index_cast %add3A_2202 : i32 to index
        %get3A_2224 = arith.constant 80 : index
        %get3A_2225 = tpu.vector_load %arg10[%get3A_2223, %get3A_2224] {strides = array<i32>} : memref<800x128xf32, #tpu.memory_space<vmem>>, vector<16xf32>,
        %mul3A_2226 = arith.mulf %get3A_188, %get3A_2225 : vector<16xf32>
        %get3A_2227 = arith.index_cast %add3A_2202 : i32 to index
        %get3A_2228 = arith.constant 96 : index
        %get3A_2229 = tpu.vector_load %arg10[%get3A_2227, %get3A_2228] {strides = array<i32>} : memref<800x128xf32, #tpu.memory_space<vmem>>, vector<16xf32>,
        %mul3A_2230 = arith.mulf %get3A_194, %get3A_2229 : vector<16xf32>
        %get3A_2231 = arith.index_cast %add3A_2202 : i32 to index
        %get3A_2232 = arith.constant 112 : index
        %get3A_2233 = tpu.vector_load %arg10[%get3A_2231, %get3A_2232] {strides = array<i32>} : memref<800x128xf32, #tpu.memory_space<vmem>>, vector<16xf32>,
        %mul3A_2234 = arith.mulf %get3A_200, %get3A_2233 : vector<16xf32>
        %add3A_2235 = arith.addf %mul3A_2206, %mul3A_2210 : vector<16xf32>
        %add3A_2236 = arith.addf %mul3A_2214, %mul3A_2218 : vector<16xf32>
        %add3A_2237 = arith.addf %mul3A_2222, %mul3A_2226 : vector<16xf32>
        %add3A_2238 = arith.addf %mul3A_2230, %mul3A_2234 : vector<16xf32>
        %add3A_2239 = arith.addf %add3A_2235, %add3A_2236 : vector<16xf32>
        %add3A_2240 = arith.addf %add3A_2237, %add3A_2238 : vector<16xf32>
        %add3A_2241 = arith.addf %add3A_2239, %add3A_2240 : vector<16xf32>
        %eq3A_2242 = arith.constant 4 : i32
        %eq3A_2243 = vector.broadcast %eq3A_2242 : i32 to vector<16xi32>
        %eq3A_2244 = arith.cmpi eq, %iota3A, %eq3A_2243 : vector<16xi32>
        %reduce_sum3A_2245 = arith.constant true
        %reduce_sum3A_2246 = vector.broadcast %reduce_sum3A_2245 : i1 to vector<16xi1>
        %reduce_sum3A_2247 = tpu.scan <sum>, %add3A_2241 masked %reduce_sum3A_2246 : vector<16xf32>, vector<16xi1> -> vector<16xf32>
        %reduce_sum3A_2248 = vector.extract %reduce_sum3A_2247[15] : f32 from vector<16xf32>
        %broadcast_in_dim3A_2249 = vector.broadcast %reduce_sum3A_2248 : f32 to vector<16xf32>
        %select_n3A_2250 = arith.select %eq3A_2244, %broadcast_in_dim3A_2249, %select_n3A_2195 : vector<16xi1>, vector<16xf32>
        %mul3A_2251 = arith.constant 50 : i32
        %mul3A_2252 = arith.muli %add3A_153, %mul3A_2251 : i32
        %add3A_2253 = arith.addi %mul3A_124, %mul3A_2252 : i32
        %add3A_2254 = arith.constant 32 : i32
        %add3A_2255 = arith.addi %add3A_2253, %add3A_2254 : i32
        %add3A_2256 = arith.constant 5 : i32
        %add3A_2257 = arith.addi %add3A_2255, %add3A_2256 : i32
        %get3A_2258 = arith.index_cast %add3A_2257 : i32 to index
        %get3A_2259 = arith.constant 0 : index
        %get3A_2260 = tpu.vector_load %arg10[%get3A_2258, %get3A_2259] {strides = array<i32>} : memref<800x128xf32, #tpu.memory_space<vmem>>, vector<16xf32>,
        %mul3A_2261 = arith.mulf %get3A_158, %get3A_2260 : vector<16xf32>
        %get3A_2262 = arith.index_cast %add3A_2257 : i32 to index
        %get3A_2263 = arith.constant 16 : index
        %get3A_2264 = tpu.vector_load %arg10[%get3A_2262, %get3A_2263] {strides = array<i32>} : memref<800x128xf32, #tpu.memory_space<vmem>>, vector<16xf32>,
        %mul3A_2265 = arith.mulf %get3A_164, %get3A_2264 : vector<16xf32>
        %get3A_2266 = arith.index_cast %add3A_2257 : i32 to index
        %get3A_2267 = arith.constant 32 : index
        %get3A_2268 = tpu.vector_load %arg10[%get3A_2266, %get3A_2267] {strides = array<i32>} : memref<800x128xf32, #tpu.memory_space<vmem>>, vector<16xf32>,
        %mul3A_2269 = arith.mulf %get3A_170, %get3A_2268 : vector<16xf32>
        %get3A_2270 = arith.index_cast %add3A_2257 : i32 to index
        %get3A_2271 = arith.constant 48 : index
        %get3A_2272 = tpu.vector_load %arg10[%get3A_2270, %get3A_2271] {strides = array<i32>} : memref<800x128xf32, #tpu.memory_space<vmem>>, vector<16xf32>,
        %mul3A_2273 = arith.mulf %get3A_176, %get3A_2272 : vector<16xf32>
        %get3A_2274 = arith.index_cast %add3A_2257 : i32 to index
        %get3A_2275 = arith.constant 64 : index
        %get3A_2276 = tpu.vector_load %arg10[%get3A_2274, %get3A_2275] {strides = array<i32>} : memref<800x128xf32, #tpu.memory_space<vmem>>, vector<16xf32>,
        %mul3A_2277 = arith.mulf %get3A_182, %get3A_2276 : vector<16xf32>
        %get3A_2278 = arith.index_cast %add3A_2257 : i32 to index
        %get3A_2279 = arith.constant 80 : index
        %get3A_2280 = tpu.vector_load %arg10[%get3A_2278, %get3A_2279] {strides = array<i32>} : memref<800x128xf32, #tpu.memory_space<vmem>>, vector<16xf32>,
        %mul3A_2281 = arith.mulf %get3A_188, %get3A_2280 : vector<16xf32>
        %get3A_2282 = arith.index_cast %add3A_2257 : i32 to index
        %get3A_2283 = arith.constant 96 : index
        %get3A_2284 = tpu.vector_load %arg10[%get3A_2282, %get3A_2283] {strides = array<i32>} : memref<800x128xf32, #tpu.memory_space<vmem>>, vector<16xf32>,
        %mul3A_2285 = arith.mulf %get3A_194, %get3A_2284 : vector<16xf32>
        %get3A_2286 = arith.index_cast %add3A_2257 : i32 to index
        %get3A_2287 = arith.constant 112 : index
        %get3A_2288 = tpu.vector_load %arg10[%get3A_2286, %get3A_2287] {strides = array<i32>} : memref<800x128xf32, #tpu.memory_space<vmem>>, vector<16xf32>,
        %mul3A_2289 = arith.mulf %get3A_200, %get3A_2288 : vector<16xf32>
        %add3A_2290 = arith.addf %mul3A_2261, %mul3A_2265 : vector<16xf32>
        %add3A_2291 = arith.addf %mul3A_2269, %mul3A_2273 : vector<16xf32>
        %add3A_2292 = arith.addf %mul3A_2277, %mul3A_2281 : vector<16xf32>
        %add3A_2293 = arith.addf %mul3A_2285, %mul3A_2289 : vector<16xf32>
        %add3A_2294 = arith.addf %add3A_2290, %add3A_2291 : vector<16xf32>
        %add3A_2295 = arith.addf %add3A_2292, %add3A_2293 : vector<16xf32>
        %add3A_2296 = arith.addf %add3A_2294, %add3A_2295 : vector<16xf32>
        %eq3A_2297 = arith.constant 5 : i32
        %eq3A_2298 = vector.broadcast %eq3A_2297 : i32 to vector<16xi32>
        %eq3A_2299 = arith.cmpi eq, %iota3A, %eq3A_2298 : vector<16xi32>
        %reduce_sum3A_2300 = arith.constant true
        %reduce_sum3A_2301 = vector.broadcast %reduce_sum3A_2300 : i1 to vector<16xi1>
        %reduce_sum3A_2302 = tpu.scan <sum>, %add3A_2296 masked %reduce_sum3A_2301 : vector<16xf32>, vector<16xi1> -> vector<16xf32>
        %reduce_sum3A_2303 = vector.extract %reduce_sum3A_2302[15] : f32 from vector<16xf32>
        %broadcast_in_dim3A_2304 = vector.broadcast %reduce_sum3A_2303 : f32 to vector<16xf32>
        %select_n3A_2305 = arith.select %eq3A_2299, %broadcast_in_dim3A_2304, %select_n3A_2250 : vector<16xi1>, vector<16xf32>
        %mul3A_2306 = arith.constant 50 : i32
        %mul3A_2307 = arith.muli %add3A_153, %mul3A_2306 : i32
        %add3A_2308 = arith.addi %mul3A_124, %mul3A_2307 : i32
        %add3A_2309 = arith.constant 32 : i32
        %add3A_2310 = arith.addi %add3A_2308, %add3A_2309 : i32
        %add3A_2311 = arith.constant 6 : i32
        %add3A_2312 = arith.addi %add3A_2310, %add3A_2311 : i32
        %get3A_2313 = arith.index_cast %add3A_2312 : i32 to index
        %get3A_2314 = arith.constant 0 : index
        %get3A_2315 = tpu.vector_load %arg10[%get3A_2313, %get3A_2314] {strides = array<i32>} : memref<800x128xf32, #tpu.memory_space<vmem>>, vector<16xf32>,
        %mul3A_2316 = arith.mulf %get3A_158, %get3A_2315 : vector<16xf32>
        %get3A_2317 = arith.index_cast %add3A_2312 : i32 to index
        %get3A_2318 = arith.constant 16 : index
        %get3A_2319 = tpu.vector_load %arg10[%get3A_2317, %get3A_2318] {strides = array<i32>} : memref<800x128xf32, #tpu.memory_space<vmem>>, vector<16xf32>,
        %mul3A_2320 = arith.mulf %get3A_164, %get3A_2319 : vector<16xf32>
        %get3A_2321 = arith.index_cast %add3A_2312 : i32 to index
        %get3A_2322 = arith.constant 32 : index
        %get3A_2323 = tpu.vector_load %arg10[%get3A_2321, %get3A_2322] {strides = array<i32>} : memref<800x128xf32, #tpu.memory_space<vmem>>, vector<16xf32>,
        %mul3A_2324 = arith.mulf %get3A_170, %get3A_2323 : vector<16xf32>
        %get3A_2325 = arith.index_cast %add3A_2312 : i32 to index
        %get3A_2326 = arith.constant 48 : index
        %get3A_2327 = tpu.vector_load %arg10[%get3A_2325, %get3A_2326] {strides = array<i32>} : memref<800x128xf32, #tpu.memory_space<vmem>>, vector<16xf32>,
        %mul3A_2328 = arith.mulf %get3A_176, %get3A_2327 : vector<16xf32>
        %get3A_2329 = arith.index_cast %add3A_2312 : i32 to index
        %get3A_2330 = arith.constant 64 : index
        %get3A_2331 = tpu.vector_load %arg10[%get3A_2329, %get3A_2330] {strides = array<i32>} : memref<800x128xf32, #tpu.memory_space<vmem>>, vector<16xf32>,
        %mul3A_2332 = arith.mulf %get3A_182, %get3A_2331 : vector<16xf32>
        %get3A_2333 = arith.index_cast %add3A_2312 : i32 to index
        %get3A_2334 = arith.constant 80 : index
        %get3A_2335 = tpu.vector_load %arg10[%get3A_2333, %get3A_2334] {strides = array<i32>} : memref<800x128xf32, #tpu.memory_space<vmem>>, vector<16xf32>,
        %mul3A_2336 = arith.mulf %get3A_188, %get3A_2335 : vector<16xf32>
        %get3A_2337 = arith.index_cast %add3A_2312 : i32 to index
        %get3A_2338 = arith.constant 96 : index
        %get3A_2339 = tpu.vector_load %arg10[%get3A_2337, %get3A_2338] {strides = array<i32>} : memref<800x128xf32, #tpu.memory_space<vmem>>, vector<16xf32>,
        %mul3A_2340 = arith.mulf %get3A_194, %get3A_2339 : vector<16xf32>
        %get3A_2341 = arith.index_cast %add3A_2312 : i32 to index
        %get3A_2342 = arith.constant 112 : index
        %get3A_2343 = tpu.vector_load %arg10[%get3A_2341, %get3A_2342] {strides = array<i32>} : memref<800x128xf32, #tpu.memory_space<vmem>>, vector<16xf32>,
        %mul3A_2344 = arith.mulf %get3A_200, %get3A_2343 : vector<16xf32>
        %add3A_2345 = arith.addf %mul3A_2316, %mul3A_2320 : vector<16xf32>
        %add3A_2346 = arith.addf %mul3A_2324, %mul3A_2328 : vector<16xf32>
        %add3A_2347 = arith.addf %mul3A_2332, %mul3A_2336 : vector<16xf32>
        %add3A_2348 = arith.addf %mul3A_2340, %mul3A_2344 : vector<16xf32>
        %add3A_2349 = arith.addf %add3A_2345, %add3A_2346 : vector<16xf32>
        %add3A_2350 = arith.addf %add3A_2347, %add3A_2348 : vector<16xf32>
        %add3A_2351 = arith.addf %add3A_2349, %add3A_2350 : vector<16xf32>
        %eq3A_2352 = arith.constant 6 : i32
        %eq3A_2353 = vector.broadcast %eq3A_2352 : i32 to vector<16xi32>
        %eq3A_2354 = arith.cmpi eq, %iota3A, %eq3A_2353 : vector<16xi32>
        %reduce_sum3A_2355 = arith.constant true
        %reduce_sum3A_2356 = vector.broadcast %reduce_sum3A_2355 : i1 to vector<16xi1>
        %reduce_sum3A_2357 = tpu.scan <sum>, %add3A_2351 masked %reduce_sum3A_2356 : vector<16xf32>, vector<16xi1> -> vector<16xf32>
        %reduce_sum3A_2358 = vector.extract %reduce_sum3A_2357[15] : f32 from vector<16xf32>
        %broadcast_in_dim3A_2359 = vector.broadcast %reduce_sum3A_2358 : f32 to vector<16xf32>
        %select_n3A_2360 = arith.select %eq3A_2354, %broadcast_in_dim3A_2359, %select_n3A_2305 : vector<16xi1>, vector<16xf32>
        %mul3A_2361 = arith.constant 50 : i32
        %mul3A_2362 = arith.muli %add3A_153, %mul3A_2361 : i32
        %add3A_2363 = arith.addi %mul3A_124, %mul3A_2362 : i32
        %add3A_2364 = arith.constant 32 : i32
        %add3A_2365 = arith.addi %add3A_2363, %add3A_2364 : i32
        %add3A_2366 = arith.constant 7 : i32
        %add3A_2367 = arith.addi %add3A_2365, %add3A_2366 : i32
        %get3A_2368 = arith.index_cast %add3A_2367 : i32 to index
        %get3A_2369 = arith.constant 0 : index
        %get3A_2370 = tpu.vector_load %arg10[%get3A_2368, %get3A_2369] {strides = array<i32>} : memref<800x128xf32, #tpu.memory_space<vmem>>, vector<16xf32>,
        %mul3A_2371 = arith.mulf %get3A_158, %get3A_2370 : vector<16xf32>
        %get3A_2372 = arith.index_cast %add3A_2367 : i32 to index
        %get3A_2373 = arith.constant 16 : index
        %get3A_2374 = tpu.vector_load %arg10[%get3A_2372, %get3A_2373] {strides = array<i32>} : memref<800x128xf32, #tpu.memory_space<vmem>>, vector<16xf32>,
        %mul3A_2375 = arith.mulf %get3A_164, %get3A_2374 : vector<16xf32>
        %get3A_2376 = arith.index_cast %add3A_2367 : i32 to index
        %get3A_2377 = arith.constant 32 : index
        %get3A_2378 = tpu.vector_load %arg10[%get3A_2376, %get3A_2377] {strides = array<i32>} : memref<800x128xf32, #tpu.memory_space<vmem>>, vector<16xf32>,
        %mul3A_2379 = arith.mulf %get3A_170, %get3A_2378 : vector<16xf32>
        %get3A_2380 = arith.index_cast %add3A_2367 : i32 to index
        %get3A_2381 = arith.constant 48 : index
        %get3A_2382 = tpu.vector_load %arg10[%get3A_2380, %get3A_2381] {strides = array<i32>} : memref<800x128xf32, #tpu.memory_space<vmem>>, vector<16xf32>,
        %mul3A_2383 = arith.mulf %get3A_176, %get3A_2382 : vector<16xf32>
        %get3A_2384 = arith.index_cast %add3A_2367 : i32 to index
        %get3A_2385 = arith.constant 64 : index
        %get3A_2386 = tpu.vector_load %arg10[%get3A_2384, %get3A_2385] {strides = array<i32>} : memref<800x128xf32, #tpu.memory_space<vmem>>, vector<16xf32>,
        %mul3A_2387 = arith.mulf %get3A_182, %get3A_2386 : vector<16xf32>
        %get3A_2388 = arith.index_cast %add3A_2367 : i32 to index
        %get3A_2389 = arith.constant 80 : index
        %get3A_2390 = tpu.vector_load %arg10[%get3A_2388, %get3A_2389] {strides = array<i32>} : memref<800x128xf32, #tpu.memory_space<vmem>>, vector<16xf32>,
        %mul3A_2391 = arith.mulf %get3A_188, %get3A_2390 : vector<16xf32>
        %get3A_2392 = arith.index_cast %add3A_2367 : i32 to index
        %get3A_2393 = arith.constant 96 : index
        %get3A_2394 = tpu.vector_load %arg10[%get3A_2392, %get3A_2393] {strides = array<i32>} : memref<800x128xf32, #tpu.memory_space<vmem>>, vector<16xf32>,
        %mul3A_2395 = arith.mulf %get3A_194, %get3A_2394 : vector<16xf32>
        %get3A_2396 = arith.index_cast %add3A_2367 : i32 to index
        %get3A_2397 = arith.constant 112 : index
        %get3A_2398 = tpu.vector_load %arg10[%get3A_2396, %get3A_2397] {strides = array<i32>} : memref<800x128xf32, #tpu.memory_space<vmem>>, vector<16xf32>,
        %mul3A_2399 = arith.mulf %get3A_200, %get3A_2398 : vector<16xf32>
        %add3A_2400 = arith.addf %mul3A_2371, %mul3A_2375 : vector<16xf32>
        %add3A_2401 = arith.addf %mul3A_2379, %mul3A_2383 : vector<16xf32>
        %add3A_2402 = arith.addf %mul3A_2387, %mul3A_2391 : vector<16xf32>
        %add3A_2403 = arith.addf %mul3A_2395, %mul3A_2399 : vector<16xf32>
        %add3A_2404 = arith.addf %add3A_2400, %add3A_2401 : vector<16xf32>
        %add3A_2405 = arith.addf %add3A_2402, %add3A_2403 : vector<16xf32>
        %add3A_2406 = arith.addf %add3A_2404, %add3A_2405 : vector<16xf32>
        %eq3A_2407 = arith.constant 7 : i32
        %eq3A_2408 = vector.broadcast %eq3A_2407 : i32 to vector<16xi32>
        %eq3A_2409 = arith.cmpi eq, %iota3A, %eq3A_2408 : vector<16xi32>
        %reduce_sum3A_2410 = arith.constant true
        %reduce_sum3A_2411 = vector.broadcast %reduce_sum3A_2410 : i1 to vector<16xi1>
        %reduce_sum3A_2412 = tpu.scan <sum>, %add3A_2406 masked %reduce_sum3A_2411 : vector<16xf32>, vector<16xi1> -> vector<16xf32>
        %reduce_sum3A_2413 = vector.extract %reduce_sum3A_2412[15] : f32 from vector<16xf32>
        %broadcast_in_dim3A_2414 = vector.broadcast %reduce_sum3A_2413 : f32 to vector<16xf32>
        %select_n3A_2415 = arith.select %eq3A_2409, %broadcast_in_dim3A_2414, %select_n3A_2360 : vector<16xi1>, vector<16xf32>
        %mul3A_2416 = arith.constant 50 : i32
        %mul3A_2417 = arith.muli %add3A_153, %mul3A_2416 : i32
        %add3A_2418 = arith.addi %mul3A_124, %mul3A_2417 : i32
        %add3A_2419 = arith.constant 32 : i32
        %add3A_2420 = arith.addi %add3A_2418, %add3A_2419 : i32
        %add3A_2421 = arith.constant 8 : i32
        %add3A_2422 = arith.addi %add3A_2420, %add3A_2421 : i32
        %get3A_2423 = arith.index_cast %add3A_2422 : i32 to index
        %get3A_2424 = arith.constant 0 : index
        %get3A_2425 = tpu.vector_load %arg10[%get3A_2423, %get3A_2424] {strides = array<i32>} : memref<800x128xf32, #tpu.memory_space<vmem>>, vector<16xf32>,
        %mul3A_2426 = arith.mulf %get3A_158, %get3A_2425 : vector<16xf32>
        %get3A_2427 = arith.index_cast %add3A_2422 : i32 to index
        %get3A_2428 = arith.constant 16 : index
        %get3A_2429 = tpu.vector_load %arg10[%get3A_2427, %get3A_2428] {strides = array<i32>} : memref<800x128xf32, #tpu.memory_space<vmem>>, vector<16xf32>,
        %mul3A_2430 = arith.mulf %get3A_164, %get3A_2429 : vector<16xf32>
        %get3A_2431 = arith.index_cast %add3A_2422 : i32 to index
        %get3A_2432 = arith.constant 32 : index
        %get3A_2433 = tpu.vector_load %arg10[%get3A_2431, %get3A_2432] {strides = array<i32>} : memref<800x128xf32, #tpu.memory_space<vmem>>, vector<16xf32>,
        %mul3A_2434 = arith.mulf %get3A_170, %get3A_2433 : vector<16xf32>
        %get3A_2435 = arith.index_cast %add3A_2422 : i32 to index
        %get3A_2436 = arith.constant 48 : index
        %get3A_2437 = tpu.vector_load %arg10[%get3A_2435, %get3A_2436] {strides = array<i32>} : memref<800x128xf32, #tpu.memory_space<vmem>>, vector<16xf32>,
        %mul3A_2438 = arith.mulf %get3A_176, %get3A_2437 : vector<16xf32>
        %get3A_2439 = arith.index_cast %add3A_2422 : i32 to index
        %get3A_2440 = arith.constant 64 : index
        %get3A_2441 = tpu.vector_load %arg10[%get3A_2439, %get3A_2440] {strides = array<i32>} : memref<800x128xf32, #tpu.memory_space<vmem>>, vector<16xf32>,
        %mul3A_2442 = arith.mulf %get3A_182, %get3A_2441 : vector<16xf32>
        %get3A_2443 = arith.index_cast %add3A_2422 : i32 to index
        %get3A_2444 = arith.constant 80 : index
        %get3A_2445 = tpu.vector_load %arg10[%get3A_2443, %get3A_2444] {strides = array<i32>} : memref<800x128xf32, #tpu.memory_space<vmem>>, vector<16xf32>,
        %mul3A_2446 = arith.mulf %get3A_188, %get3A_2445 : vector<16xf32>
        %get3A_2447 = arith.index_cast %add3A_2422 : i32 to index
        %get3A_2448 = arith.constant 96 : index
        %get3A_2449 = tpu.vector_load %arg10[%get3A_2447, %get3A_2448] {strides = array<i32>} : memref<800x128xf32, #tpu.memory_space<vmem>>, vector<16xf32>,
        %mul3A_2450 = arith.mulf %get3A_194, %get3A_2449 : vector<16xf32>
        %get3A_2451 = arith.index_cast %add3A_2422 : i32 to index
        %get3A_2452 = arith.constant 112 : index
        %get3A_2453 = tpu.vector_load %arg10[%get3A_2451, %get3A_2452] {strides = array<i32>} : memref<800x128xf32, #tpu.memory_space<vmem>>, vector<16xf32>,
        %mul3A_2454 = arith.mulf %get3A_200, %get3A_2453 : vector<16xf32>
        %add3A_2455 = arith.addf %mul3A_2426, %mul3A_2430 : vector<16xf32>
        %add3A_2456 = arith.addf %mul3A_2434, %mul3A_2438 : vector<16xf32>
        %add3A_2457 = arith.addf %mul3A_2442, %mul3A_2446 : vector<16xf32>
        %add3A_2458 = arith.addf %mul3A_2450, %mul3A_2454 : vector<16xf32>
        %add3A_2459 = arith.addf %add3A_2455, %add3A_2456 : vector<16xf32>
        %add3A_2460 = arith.addf %add3A_2457, %add3A_2458 : vector<16xf32>
        %add3A_2461 = arith.addf %add3A_2459, %add3A_2460 : vector<16xf32>
        %eq3A_2462 = arith.constant 8 : i32
        %eq3A_2463 = vector.broadcast %eq3A_2462 : i32 to vector<16xi32>
        %eq3A_2464 = arith.cmpi eq, %iota3A, %eq3A_2463 : vector<16xi32>
        %reduce_sum3A_2465 = arith.constant true
        %reduce_sum3A_2466 = vector.broadcast %reduce_sum3A_2465 : i1 to vector<16xi1>
        %reduce_sum3A_2467 = tpu.scan <sum>, %add3A_2461 masked %reduce_sum3A_2466 : vector<16xf32>, vector<16xi1> -> vector<16xf32>
        %reduce_sum3A_2468 = vector.extract %reduce_sum3A_2467[15] : f32 from vector<16xf32>
        %broadcast_in_dim3A_2469 = vector.broadcast %reduce_sum3A_2468 : f32 to vector<16xf32>
        %select_n3A_2470 = arith.select %eq3A_2464, %broadcast_in_dim3A_2469, %select_n3A_2415 : vector<16xi1>, vector<16xf32>
        %mul3A_2471 = arith.constant 50 : i32
        %mul3A_2472 = arith.muli %add3A_153, %mul3A_2471 : i32
        %add3A_2473 = arith.addi %mul3A_124, %mul3A_2472 : i32
        %add3A_2474 = arith.constant 32 : i32
        %add3A_2475 = arith.addi %add3A_2473, %add3A_2474 : i32
        %add3A_2476 = arith.constant 9 : i32
        %add3A_2477 = arith.addi %add3A_2475, %add3A_2476 : i32
        %get3A_2478 = arith.index_cast %add3A_2477 : i32 to index
        %get3A_2479 = arith.constant 0 : index
        %get3A_2480 = tpu.vector_load %arg10[%get3A_2478, %get3A_2479] {strides = array<i32>} : memref<800x128xf32, #tpu.memory_space<vmem>>, vector<16xf32>,
        %mul3A_2481 = arith.mulf %get3A_158, %get3A_2480 : vector<16xf32>
        %get3A_2482 = arith.index_cast %add3A_2477 : i32 to index
        %get3A_2483 = arith.constant 16 : index
        %get3A_2484 = tpu.vector_load %arg10[%get3A_2482, %get3A_2483] {strides = array<i32>} : memref<800x128xf32, #tpu.memory_space<vmem>>, vector<16xf32>,
        %mul3A_2485 = arith.mulf %get3A_164, %get3A_2484 : vector<16xf32>
        %get3A_2486 = arith.index_cast %add3A_2477 : i32 to index
        %get3A_2487 = arith.constant 32 : index
        %get3A_2488 = tpu.vector_load %arg10[%get3A_2486, %get3A_2487] {strides = array<i32>} : memref<800x128xf32, #tpu.memory_space<vmem>>, vector<16xf32>,
        %mul3A_2489 = arith.mulf %get3A_170, %get3A_2488 : vector<16xf32>
        %get3A_2490 = arith.index_cast %add3A_2477 : i32 to index
        %get3A_2491 = arith.constant 48 : index
        %get3A_2492 = tpu.vector_load %arg10[%get3A_2490, %get3A_2491] {strides = array<i32>} : memref<800x128xf32, #tpu.memory_space<vmem>>, vector<16xf32>,
        %mul3A_2493 = arith.mulf %get3A_176, %get3A_2492 : vector<16xf32>
        %get3A_2494 = arith.index_cast %add3A_2477 : i32 to index
        %get3A_2495 = arith.constant 64 : index
        %get3A_2496 = tpu.vector_load %arg10[%get3A_2494, %get3A_2495] {strides = array<i32>} : memref<800x128xf32, #tpu.memory_space<vmem>>, vector<16xf32>,
        %mul3A_2497 = arith.mulf %get3A_182, %get3A_2496 : vector<16xf32>
        %get3A_2498 = arith.index_cast %add3A_2477 : i32 to index
        %get3A_2499 = arith.constant 80 : index
        %get3A_2500 = tpu.vector_load %arg10[%get3A_2498, %get3A_2499] {strides = array<i32>} : memref<800x128xf32, #tpu.memory_space<vmem>>, vector<16xf32>,
        %mul3A_2501 = arith.mulf %get3A_188, %get3A_2500 : vector<16xf32>
        %get3A_2502 = arith.index_cast %add3A_2477 : i32 to index
        %get3A_2503 = arith.constant 96 : index
        %get3A_2504 = tpu.vector_load %arg10[%get3A_2502, %get3A_2503] {strides = array<i32>} : memref<800x128xf32, #tpu.memory_space<vmem>>, vector<16xf32>,
        %mul3A_2505 = arith.mulf %get3A_194, %get3A_2504 : vector<16xf32>
        %get3A_2506 = arith.index_cast %add3A_2477 : i32 to index
        %get3A_2507 = arith.constant 112 : index
        %get3A_2508 = tpu.vector_load %arg10[%get3A_2506, %get3A_2507] {strides = array<i32>} : memref<800x128xf32, #tpu.memory_space<vmem>>, vector<16xf32>,
        %mul3A_2509 = arith.mulf %get3A_200, %get3A_2508 : vector<16xf32>
        %add3A_2510 = arith.addf %mul3A_2481, %mul3A_2485 : vector<16xf32>
        %add3A_2511 = arith.addf %mul3A_2489, %mul3A_2493 : vector<16xf32>
        %add3A_2512 = arith.addf %mul3A_2497, %mul3A_2501 : vector<16xf32>
        %add3A_2513 = arith.addf %mul3A_2505, %mul3A_2509 : vector<16xf32>
        %add3A_2514 = arith.addf %add3A_2510, %add3A_2511 : vector<16xf32>
        %add3A_2515 = arith.addf %add3A_2512, %add3A_2513 : vector<16xf32>
        %add3A_2516 = arith.addf %add3A_2514, %add3A_2515 : vector<16xf32>
        %eq3A_2517 = arith.constant 9 : i32
        %eq3A_2518 = vector.broadcast %eq3A_2517 : i32 to vector<16xi32>
        %eq3A_2519 = arith.cmpi eq, %iota3A, %eq3A_2518 : vector<16xi32>
        %reduce_sum3A_2520 = arith.constant true
        %reduce_sum3A_2521 = vector.broadcast %reduce_sum3A_2520 : i1 to vector<16xi1>
        %reduce_sum3A_2522 = tpu.scan <sum>, %add3A_2516 masked %reduce_sum3A_2521 : vector<16xf32>, vector<16xi1> -> vector<16xf32>
        %reduce_sum3A_2523 = vector.extract %reduce_sum3A_2522[15] : f32 from vector<16xf32>
        %broadcast_in_dim3A_2524 = vector.broadcast %reduce_sum3A_2523 : f32 to vector<16xf32>
        %select_n3A_2525 = arith.select %eq3A_2519, %broadcast_in_dim3A_2524, %select_n3A_2470 : vector<16xi1>, vector<16xf32>
        %mul3A_2526 = arith.constant 50 : i32
        %mul3A_2527 = arith.muli %add3A_153, %mul3A_2526 : i32
        %add3A_2528 = arith.addi %mul3A_124, %mul3A_2527 : i32
        %add3A_2529 = arith.constant 32 : i32
        %add3A_2530 = arith.addi %add3A_2528, %add3A_2529 : i32
        %add3A_2531 = arith.constant 10 : i32
        %add3A_2532 = arith.addi %add3A_2530, %add3A_2531 : i32
        %get3A_2533 = arith.index_cast %add3A_2532 : i32 to index
        %get3A_2534 = arith.constant 0 : index
        %get3A_2535 = tpu.vector_load %arg10[%get3A_2533, %get3A_2534] {strides = array<i32>} : memref<800x128xf32, #tpu.memory_space<vmem>>, vector<16xf32>,
        %mul3A_2536 = arith.mulf %get3A_158, %get3A_2535 : vector<16xf32>
        %get3A_2537 = arith.index_cast %add3A_2532 : i32 to index
        %get3A_2538 = arith.constant 16 : index
        %get3A_2539 = tpu.vector_load %arg10[%get3A_2537, %get3A_2538] {strides = array<i32>} : memref<800x128xf32, #tpu.memory_space<vmem>>, vector<16xf32>,
        %mul3A_2540 = arith.mulf %get3A_164, %get3A_2539 : vector<16xf32>
        %get3A_2541 = arith.index_cast %add3A_2532 : i32 to index
        %get3A_2542 = arith.constant 32 : index
        %get3A_2543 = tpu.vector_load %arg10[%get3A_2541, %get3A_2542] {strides = array<i32>} : memref<800x128xf32, #tpu.memory_space<vmem>>, vector<16xf32>,
        %mul3A_2544 = arith.mulf %get3A_170, %get3A_2543 : vector<16xf32>
        %get3A_2545 = arith.index_cast %add3A_2532 : i32 to index
        %get3A_2546 = arith.constant 48 : index
        %get3A_2547 = tpu.vector_load %arg10[%get3A_2545, %get3A_2546] {strides = array<i32>} : memref<800x128xf32, #tpu.memory_space<vmem>>, vector<16xf32>,
        %mul3A_2548 = arith.mulf %get3A_176, %get3A_2547 : vector<16xf32>
        %get3A_2549 = arith.index_cast %add3A_2532 : i32 to index
        %get3A_2550 = arith.constant 64 : index
        %get3A_2551 = tpu.vector_load %arg10[%get3A_2549, %get3A_2550] {strides = array<i32>} : memref<800x128xf32, #tpu.memory_space<vmem>>, vector<16xf32>,
        %mul3A_2552 = arith.mulf %get3A_182, %get3A_2551 : vector<16xf32>
        %get3A_2553 = arith.index_cast %add3A_2532 : i32 to index
        %get3A_2554 = arith.constant 80 : index
        %get3A_2555 = tpu.vector_load %arg10[%get3A_2553, %get3A_2554] {strides = array<i32>} : memref<800x128xf32, #tpu.memory_space<vmem>>, vector<16xf32>,
        %mul3A_2556 = arith.mulf %get3A_188, %get3A_2555 : vector<16xf32>
        %get3A_2557 = arith.index_cast %add3A_2532 : i32 to index
        %get3A_2558 = arith.constant 96 : index
        %get3A_2559 = tpu.vector_load %arg10[%get3A_2557, %get3A_2558] {strides = array<i32>} : memref<800x128xf32, #tpu.memory_space<vmem>>, vector<16xf32>,
        %mul3A_2560 = arith.mulf %get3A_194, %get3A_2559 : vector<16xf32>
        %get3A_2561 = arith.index_cast %add3A_2532 : i32 to index
        %get3A_2562 = arith.constant 112 : index
        %get3A_2563 = tpu.vector_load %arg10[%get3A_2561, %get3A_2562] {strides = array<i32>} : memref<800x128xf32, #tpu.memory_space<vmem>>, vector<16xf32>,
        %mul3A_2564 = arith.mulf %get3A_200, %get3A_2563 : vector<16xf32>
        %add3A_2565 = arith.addf %mul3A_2536, %mul3A_2540 : vector<16xf32>
        %add3A_2566 = arith.addf %mul3A_2544, %mul3A_2548 : vector<16xf32>
        %add3A_2567 = arith.addf %mul3A_2552, %mul3A_2556 : vector<16xf32>
        %add3A_2568 = arith.addf %mul3A_2560, %mul3A_2564 : vector<16xf32>
        %add3A_2569 = arith.addf %add3A_2565, %add3A_2566 : vector<16xf32>
        %add3A_2570 = arith.addf %add3A_2567, %add3A_2568 : vector<16xf32>
        %add3A_2571 = arith.addf %add3A_2569, %add3A_2570 : vector<16xf32>
        %eq3A_2572 = arith.constant 10 : i32
        %eq3A_2573 = vector.broadcast %eq3A_2572 : i32 to vector<16xi32>
        %eq3A_2574 = arith.cmpi eq, %iota3A, %eq3A_2573 : vector<16xi32>
        %reduce_sum3A_2575 = arith.constant true
        %reduce_sum3A_2576 = vector.broadcast %reduce_sum3A_2575 : i1 to vector<16xi1>
        %reduce_sum3A_2577 = tpu.scan <sum>, %add3A_2571 masked %reduce_sum3A_2576 : vector<16xf32>, vector<16xi1> -> vector<16xf32>
        %reduce_sum3A_2578 = vector.extract %reduce_sum3A_2577[15] : f32 from vector<16xf32>
        %broadcast_in_dim3A_2579 = vector.broadcast %reduce_sum3A_2578 : f32 to vector<16xf32>
        %select_n3A_2580 = arith.select %eq3A_2574, %broadcast_in_dim3A_2579, %select_n3A_2525 : vector<16xi1>, vector<16xf32>
        %mul3A_2581 = arith.constant 50 : i32
        %mul3A_2582 = arith.muli %add3A_153, %mul3A_2581 : i32
        %add3A_2583 = arith.addi %mul3A_124, %mul3A_2582 : i32
        %add3A_2584 = arith.constant 32 : i32
        %add3A_2585 = arith.addi %add3A_2583, %add3A_2584 : i32
        %add3A_2586 = arith.constant 11 : i32
        %add3A_2587 = arith.addi %add3A_2585, %add3A_2586 : i32
        %get3A_2588 = arith.index_cast %add3A_2587 : i32 to index
        %get3A_2589 = arith.constant 0 : index
        %get3A_2590 = tpu.vector_load %arg10[%get3A_2588, %get3A_2589] {strides = array<i32>} : memref<800x128xf32, #tpu.memory_space<vmem>>, vector<16xf32>,
        %mul3A_2591 = arith.mulf %get3A_158, %get3A_2590 : vector<16xf32>
        %get3A_2592 = arith.index_cast %add3A_2587 : i32 to index
        %get3A_2593 = arith.constant 16 : index
        %get3A_2594 = tpu.vector_load %arg10[%get3A_2592, %get3A_2593] {strides = array<i32>} : memref<800x128xf32, #tpu.memory_space<vmem>>, vector<16xf32>,
        %mul3A_2595 = arith.mulf %get3A_164, %get3A_2594 : vector<16xf32>
        %get3A_2596 = arith.index_cast %add3A_2587 : i32 to index
        %get3A_2597 = arith.constant 32 : index
        %get3A_2598 = tpu.vector_load %arg10[%get3A_2596, %get3A_2597] {strides = array<i32>} : memref<800x128xf32, #tpu.memory_space<vmem>>, vector<16xf32>,
        %mul3A_2599 = arith.mulf %get3A_170, %get3A_2598 : vector<16xf32>
        %get3A_2600 = arith.index_cast %add3A_2587 : i32 to index
        %get3A_2601 = arith.constant 48 : index
        %get3A_2602 = tpu.vector_load %arg10[%get3A_2600, %get3A_2601] {strides = array<i32>} : memref<800x128xf32, #tpu.memory_space<vmem>>, vector<16xf32>,
        %mul3A_2603 = arith.mulf %get3A_176, %get3A_2602 : vector<16xf32>
        %get3A_2604 = arith.index_cast %add3A_2587 : i32 to index
        %get3A_2605 = arith.constant 64 : index
        %get3A_2606 = tpu.vector_load %arg10[%get3A_2604, %get3A_2605] {strides = array<i32>} : memref<800x128xf32, #tpu.memory_space<vmem>>, vector<16xf32>,
        %mul3A_2607 = arith.mulf %get3A_182, %get3A_2606 : vector<16xf32>
        %get3A_2608 = arith.index_cast %add3A_2587 : i32 to index
        %get3A_2609 = arith.constant 80 : index
        %get3A_2610 = tpu.vector_load %arg10[%get3A_2608, %get3A_2609] {strides = array<i32>} : memref<800x128xf32, #tpu.memory_space<vmem>>, vector<16xf32>,
        %mul3A_2611 = arith.mulf %get3A_188, %get3A_2610 : vector<16xf32>
        %get3A_2612 = arith.index_cast %add3A_2587 : i32 to index
        %get3A_2613 = arith.constant 96 : index
        %get3A_2614 = tpu.vector_load %arg10[%get3A_2612, %get3A_2613] {strides = array<i32>} : memref<800x128xf32, #tpu.memory_space<vmem>>, vector<16xf32>,
        %mul3A_2615 = arith.mulf %get3A_194, %get3A_2614 : vector<16xf32>
        %get3A_2616 = arith.index_cast %add3A_2587 : i32 to index
        %get3A_2617 = arith.constant 112 : index
        %get3A_2618 = tpu.vector_load %arg10[%get3A_2616, %get3A_2617] {strides = array<i32>} : memref<800x128xf32, #tpu.memory_space<vmem>>, vector<16xf32>,
        %mul3A_2619 = arith.mulf %get3A_200, %get3A_2618 : vector<16xf32>
        %add3A_2620 = arith.addf %mul3A_2591, %mul3A_2595 : vector<16xf32>
        %add3A_2621 = arith.addf %mul3A_2599, %mul3A_2603 : vector<16xf32>
        %add3A_2622 = arith.addf %mul3A_2607, %mul3A_2611 : vector<16xf32>
        %add3A_2623 = arith.addf %mul3A_2615, %mul3A_2619 : vector<16xf32>
        %add3A_2624 = arith.addf %add3A_2620, %add3A_2621 : vector<16xf32>
        %add3A_2625 = arith.addf %add3A_2622, %add3A_2623 : vector<16xf32>
        %add3A_2626 = arith.addf %add3A_2624, %add3A_2625 : vector<16xf32>
        %eq3A_2627 = arith.constant 11 : i32
        %eq3A_2628 = vector.broadcast %eq3A_2627 : i32 to vector<16xi32>
        %eq3A_2629 = arith.cmpi eq, %iota3A, %eq3A_2628 : vector<16xi32>
        %reduce_sum3A_2630 = arith.constant true
        %reduce_sum3A_2631 = vector.broadcast %reduce_sum3A_2630 : i1 to vector<16xi1>
        %reduce_sum3A_2632 = tpu.scan <sum>, %add3A_2626 masked %reduce_sum3A_2631 : vector<16xf32>, vector<16xi1> -> vector<16xf32>
        %reduce_sum3A_2633 = vector.extract %reduce_sum3A_2632[15] : f32 from vector<16xf32>
        %broadcast_in_dim3A_2634 = vector.broadcast %reduce_sum3A_2633 : f32 to vector<16xf32>
        %select_n3A_2635 = arith.select %eq3A_2629, %broadcast_in_dim3A_2634, %select_n3A_2580 : vector<16xi1>, vector<16xf32>
        %mul3A_2636 = arith.constant 50 : i32
        %mul3A_2637 = arith.muli %add3A_153, %mul3A_2636 : i32
        %add3A_2638 = arith.addi %mul3A_124, %mul3A_2637 : i32
        %add3A_2639 = arith.constant 32 : i32
        %add3A_2640 = arith.addi %add3A_2638, %add3A_2639 : i32
        %add3A_2641 = arith.constant 12 : i32
        %add3A_2642 = arith.addi %add3A_2640, %add3A_2641 : i32
        %get3A_2643 = arith.index_cast %add3A_2642 : i32 to index
        %get3A_2644 = arith.constant 0 : index
        %get3A_2645 = tpu.vector_load %arg10[%get3A_2643, %get3A_2644] {strides = array<i32>} : memref<800x128xf32, #tpu.memory_space<vmem>>, vector<16xf32>,
        %mul3A_2646 = arith.mulf %get3A_158, %get3A_2645 : vector<16xf32>
        %get3A_2647 = arith.index_cast %add3A_2642 : i32 to index
        %get3A_2648 = arith.constant 16 : index
        %get3A_2649 = tpu.vector_load %arg10[%get3A_2647, %get3A_2648] {strides = array<i32>} : memref<800x128xf32, #tpu.memory_space<vmem>>, vector<16xf32>,
        %mul3A_2650 = arith.mulf %get3A_164, %get3A_2649 : vector<16xf32>
        %get3A_2651 = arith.index_cast %add3A_2642 : i32 to index
        %get3A_2652 = arith.constant 32 : index
        %get3A_2653 = tpu.vector_load %arg10[%get3A_2651, %get3A_2652] {strides = array<i32>} : memref<800x128xf32, #tpu.memory_space<vmem>>, vector<16xf32>,
        %mul3A_2654 = arith.mulf %get3A_170, %get3A_2653 : vector<16xf32>
        %get3A_2655 = arith.index_cast %add3A_2642 : i32 to index
        %get3A_2656 = arith.constant 48 : index
        %get3A_2657 = tpu.vector_load %arg10[%get3A_2655, %get3A_2656] {strides = array<i32>} : memref<800x128xf32, #tpu.memory_space<vmem>>, vector<16xf32>,
        %mul3A_2658 = arith.mulf %get3A_176, %get3A_2657 : vector<16xf32>
        %get3A_2659 = arith.index_cast %add3A_2642 : i32 to index
        %get3A_2660 = arith.constant 64 : index
        %get3A_2661 = tpu.vector_load %arg10[%get3A_2659, %get3A_2660] {strides = array<i32>} : memref<800x128xf32, #tpu.memory_space<vmem>>, vector<16xf32>,
        %mul3A_2662 = arith.mulf %get3A_182, %get3A_2661 : vector<16xf32>
        %get3A_2663 = arith.index_cast %add3A_2642 : i32 to index
        %get3A_2664 = arith.constant 80 : index
        %get3A_2665 = tpu.vector_load %arg10[%get3A_2663, %get3A_2664] {strides = array<i32>} : memref<800x128xf32, #tpu.memory_space<vmem>>, vector<16xf32>,
        %mul3A_2666 = arith.mulf %get3A_188, %get3A_2665 : vector<16xf32>
        %get3A_2667 = arith.index_cast %add3A_2642 : i32 to index
        %get3A_2668 = arith.constant 96 : index
        %get3A_2669 = tpu.vector_load %arg10[%get3A_2667, %get3A_2668] {strides = array<i32>} : memref<800x128xf32, #tpu.memory_space<vmem>>, vector<16xf32>,
        %mul3A_2670 = arith.mulf %get3A_194, %get3A_2669 : vector<16xf32>
        %get3A_2671 = arith.index_cast %add3A_2642 : i32 to index
        %get3A_2672 = arith.constant 112 : index
        %get3A_2673 = tpu.vector_load %arg10[%get3A_2671, %get3A_2672] {strides = array<i32>} : memref<800x128xf32, #tpu.memory_space<vmem>>, vector<16xf32>,
        %mul3A_2674 = arith.mulf %get3A_200, %get3A_2673 : vector<16xf32>
        %add3A_2675 = arith.addf %mul3A_2646, %mul3A_2650 : vector<16xf32>
        %add3A_2676 = arith.addf %mul3A_2654, %mul3A_2658 : vector<16xf32>
        %add3A_2677 = arith.addf %mul3A_2662, %mul3A_2666 : vector<16xf32>
        %add3A_2678 = arith.addf %mul3A_2670, %mul3A_2674 : vector<16xf32>
        %add3A_2679 = arith.addf %add3A_2675, %add3A_2676 : vector<16xf32>
        %add3A_2680 = arith.addf %add3A_2677, %add3A_2678 : vector<16xf32>
        %add3A_2681 = arith.addf %add3A_2679, %add3A_2680 : vector<16xf32>
        %eq3A_2682 = arith.constant 12 : i32
        %eq3A_2683 = vector.broadcast %eq3A_2682 : i32 to vector<16xi32>
        %eq3A_2684 = arith.cmpi eq, %iota3A, %eq3A_2683 : vector<16xi32>
        %reduce_sum3A_2685 = arith.constant true
        %reduce_sum3A_2686 = vector.broadcast %reduce_sum3A_2685 : i1 to vector<16xi1>
        %reduce_sum3A_2687 = tpu.scan <sum>, %add3A_2681 masked %reduce_sum3A_2686 : vector<16xf32>, vector<16xi1> -> vector<16xf32>
        %reduce_sum3A_2688 = vector.extract %reduce_sum3A_2687[15] : f32 from vector<16xf32>
        %broadcast_in_dim3A_2689 = vector.broadcast %reduce_sum3A_2688 : f32 to vector<16xf32>
        %select_n3A_2690 = arith.select %eq3A_2684, %broadcast_in_dim3A_2689, %select_n3A_2635 : vector<16xi1>, vector<16xf32>
        %mul3A_2691 = arith.constant 50 : i32
        %mul3A_2692 = arith.muli %add3A_153, %mul3A_2691 : i32
        %add3A_2693 = arith.addi %mul3A_124, %mul3A_2692 : i32
        %add3A_2694 = arith.constant 32 : i32
        %add3A_2695 = arith.addi %add3A_2693, %add3A_2694 : i32
        %add3A_2696 = arith.constant 13 : i32
        %add3A_2697 = arith.addi %add3A_2695, %add3A_2696 : i32
        %get3A_2698 = arith.index_cast %add3A_2697 : i32 to index
        %get3A_2699 = arith.constant 0 : index
        %get3A_2700 = tpu.vector_load %arg10[%get3A_2698, %get3A_2699] {strides = array<i32>} : memref<800x128xf32, #tpu.memory_space<vmem>>, vector<16xf32>,
        %mul3A_2701 = arith.mulf %get3A_158, %get3A_2700 : vector<16xf32>
        %get3A_2702 = arith.index_cast %add3A_2697 : i32 to index
        %get3A_2703 = arith.constant 16 : index
        %get3A_2704 = tpu.vector_load %arg10[%get3A_2702, %get3A_2703] {strides = array<i32>} : memref<800x128xf32, #tpu.memory_space<vmem>>, vector<16xf32>,
        %mul3A_2705 = arith.mulf %get3A_164, %get3A_2704 : vector<16xf32>
        %get3A_2706 = arith.index_cast %add3A_2697 : i32 to index
        %get3A_2707 = arith.constant 32 : index
        %get3A_2708 = tpu.vector_load %arg10[%get3A_2706, %get3A_2707] {strides = array<i32>} : memref<800x128xf32, #tpu.memory_space<vmem>>, vector<16xf32>,
        %mul3A_2709 = arith.mulf %get3A_170, %get3A_2708 : vector<16xf32>
        %get3A_2710 = arith.index_cast %add3A_2697 : i32 to index
        %get3A_2711 = arith.constant 48 : index
        %get3A_2712 = tpu.vector_load %arg10[%get3A_2710, %get3A_2711] {strides = array<i32>} : memref<800x128xf32, #tpu.memory_space<vmem>>, vector<16xf32>,
        %mul3A_2713 = arith.mulf %get3A_176, %get3A_2712 : vector<16xf32>
        %get3A_2714 = arith.index_cast %add3A_2697 : i32 to index
        %get3A_2715 = arith.constant 64 : index
        %get3A_2716 = tpu.vector_load %arg10[%get3A_2714, %get3A_2715] {strides = array<i32>} : memref<800x128xf32, #tpu.memory_space<vmem>>, vector<16xf32>,
        %mul3A_2717 = arith.mulf %get3A_182, %get3A_2716 : vector<16xf32>
        %get3A_2718 = arith.index_cast %add3A_2697 : i32 to index
        %get3A_2719 = arith.constant 80 : index
        %get3A_2720 = tpu.vector_load %arg10[%get3A_2718, %get3A_2719] {strides = array<i32>} : memref<800x128xf32, #tpu.memory_space<vmem>>, vector<16xf32>,
        %mul3A_2721 = arith.mulf %get3A_188, %get3A_2720 : vector<16xf32>
        %get3A_2722 = arith.index_cast %add3A_2697 : i32 to index
        %get3A_2723 = arith.constant 96 : index
        %get3A_2724 = tpu.vector_load %arg10[%get3A_2722, %get3A_2723] {strides = array<i32>} : memref<800x128xf32, #tpu.memory_space<vmem>>, vector<16xf32>,
        %mul3A_2725 = arith.mulf %get3A_194, %get3A_2724 : vector<16xf32>
        %get3A_2726 = arith.index_cast %add3A_2697 : i32 to index
        %get3A_2727 = arith.constant 112 : index
        %get3A_2728 = tpu.vector_load %arg10[%get3A_2726, %get3A_2727] {strides = array<i32>} : memref<800x128xf32, #tpu.memory_space<vmem>>, vector<16xf32>,
        %mul3A_2729 = arith.mulf %get3A_200, %get3A_2728 : vector<16xf32>
        %add3A_2730 = arith.addf %mul3A_2701, %mul3A_2705 : vector<16xf32>
        %add3A_2731 = arith.addf %mul3A_2709, %mul3A_2713 : vector<16xf32>
        %add3A_2732 = arith.addf %mul3A_2717, %mul3A_2721 : vector<16xf32>
        %add3A_2733 = arith.addf %mul3A_2725, %mul3A_2729 : vector<16xf32>
        %add3A_2734 = arith.addf %add3A_2730, %add3A_2731 : vector<16xf32>
        %add3A_2735 = arith.addf %add3A_2732, %add3A_2733 : vector<16xf32>
        %add3A_2736 = arith.addf %add3A_2734, %add3A_2735 : vector<16xf32>
        %eq3A_2737 = arith.constant 13 : i32
        %eq3A_2738 = vector.broadcast %eq3A_2737 : i32 to vector<16xi32>
        %eq3A_2739 = arith.cmpi eq, %iota3A, %eq3A_2738 : vector<16xi32>
        %reduce_sum3A_2740 = arith.constant true
        %reduce_sum3A_2741 = vector.broadcast %reduce_sum3A_2740 : i1 to vector<16xi1>
        %reduce_sum3A_2742 = tpu.scan <sum>, %add3A_2736 masked %reduce_sum3A_2741 : vector<16xf32>, vector<16xi1> -> vector<16xf32>
        %reduce_sum3A_2743 = vector.extract %reduce_sum3A_2742[15] : f32 from vector<16xf32>
        %broadcast_in_dim3A_2744 = vector.broadcast %reduce_sum3A_2743 : f32 to vector<16xf32>
        %select_n3A_2745 = arith.select %eq3A_2739, %broadcast_in_dim3A_2744, %select_n3A_2690 : vector<16xi1>, vector<16xf32>
        %mul3A_2746 = arith.constant 50 : i32
        %mul3A_2747 = arith.muli %add3A_153, %mul3A_2746 : i32
        %add3A_2748 = arith.addi %mul3A_124, %mul3A_2747 : i32
        %add3A_2749 = arith.constant 32 : i32
        %add3A_2750 = arith.addi %add3A_2748, %add3A_2749 : i32
        %add3A_2751 = arith.constant 14 : i32
        %add3A_2752 = arith.addi %add3A_2750, %add3A_2751 : i32
        %get3A_2753 = arith.index_cast %add3A_2752 : i32 to index
        %get3A_2754 = arith.constant 0 : index
        %get3A_2755 = tpu.vector_load %arg10[%get3A_2753, %get3A_2754] {strides = array<i32>} : memref<800x128xf32, #tpu.memory_space<vmem>>, vector<16xf32>,
        %mul3A_2756 = arith.mulf %get3A_158, %get3A_2755 : vector<16xf32>
        %get3A_2757 = arith.index_cast %add3A_2752 : i32 to index
        %get3A_2758 = arith.constant 16 : index
        %get3A_2759 = tpu.vector_load %arg10[%get3A_2757, %get3A_2758] {strides = array<i32>} : memref<800x128xf32, #tpu.memory_space<vmem>>, vector<16xf32>,
        %mul3A_2760 = arith.mulf %get3A_164, %get3A_2759 : vector<16xf32>
        %get3A_2761 = arith.index_cast %add3A_2752 : i32 to index
        %get3A_2762 = arith.constant 32 : index
        %get3A_2763 = tpu.vector_load %arg10[%get3A_2761, %get3A_2762] {strides = array<i32>} : memref<800x128xf32, #tpu.memory_space<vmem>>, vector<16xf32>,
        %mul3A_2764 = arith.mulf %get3A_170, %get3A_2763 : vector<16xf32>
        %get3A_2765 = arith.index_cast %add3A_2752 : i32 to index
        %get3A_2766 = arith.constant 48 : index
        %get3A_2767 = tpu.vector_load %arg10[%get3A_2765, %get3A_2766] {strides = array<i32>} : memref<800x128xf32, #tpu.memory_space<vmem>>, vector<16xf32>,
        %mul3A_2768 = arith.mulf %get3A_176, %get3A_2767 : vector<16xf32>
        %get3A_2769 = arith.index_cast %add3A_2752 : i32 to index
        %get3A_2770 = arith.constant 64 : index
        %get3A_2771 = tpu.vector_load %arg10[%get3A_2769, %get3A_2770] {strides = array<i32>} : memref<800x128xf32, #tpu.memory_space<vmem>>, vector<16xf32>,
        %mul3A_2772 = arith.mulf %get3A_182, %get3A_2771 : vector<16xf32>
        %get3A_2773 = arith.index_cast %add3A_2752 : i32 to index
        %get3A_2774 = arith.constant 80 : index
        %get3A_2775 = tpu.vector_load %arg10[%get3A_2773, %get3A_2774] {strides = array<i32>} : memref<800x128xf32, #tpu.memory_space<vmem>>, vector<16xf32>,
        %mul3A_2776 = arith.mulf %get3A_188, %get3A_2775 : vector<16xf32>
        %get3A_2777 = arith.index_cast %add3A_2752 : i32 to index
        %get3A_2778 = arith.constant 96 : index
        %get3A_2779 = tpu.vector_load %arg10[%get3A_2777, %get3A_2778] {strides = array<i32>} : memref<800x128xf32, #tpu.memory_space<vmem>>, vector<16xf32>,
        %mul3A_2780 = arith.mulf %get3A_194, %get3A_2779 : vector<16xf32>
        %get3A_2781 = arith.index_cast %add3A_2752 : i32 to index
        %get3A_2782 = arith.constant 112 : index
        %get3A_2783 = tpu.vector_load %arg10[%get3A_2781, %get3A_2782] {strides = array<i32>} : memref<800x128xf32, #tpu.memory_space<vmem>>, vector<16xf32>,
        %mul3A_2784 = arith.mulf %get3A_200, %get3A_2783 : vector<16xf32>
        %add3A_2785 = arith.addf %mul3A_2756, %mul3A_2760 : vector<16xf32>
        %add3A_2786 = arith.addf %mul3A_2764, %mul3A_2768 : vector<16xf32>
        %add3A_2787 = arith.addf %mul3A_2772, %mul3A_2776 : vector<16xf32>
        %add3A_2788 = arith.addf %mul3A_2780, %mul3A_2784 : vector<16xf32>
        %add3A_2789 = arith.addf %add3A_2785, %add3A_2786 : vector<16xf32>
        %add3A_2790 = arith.addf %add3A_2787, %add3A_2788 : vector<16xf32>
        %add3A_2791 = arith.addf %add3A_2789, %add3A_2790 : vector<16xf32>
        %eq3A_2792 = arith.constant 14 : i32
        %eq3A_2793 = vector.broadcast %eq3A_2792 : i32 to vector<16xi32>
        %eq3A_2794 = arith.cmpi eq, %iota3A, %eq3A_2793 : vector<16xi32>
        %reduce_sum3A_2795 = arith.constant true
        %reduce_sum3A_2796 = vector.broadcast %reduce_sum3A_2795 : i1 to vector<16xi1>
        %reduce_sum3A_2797 = tpu.scan <sum>, %add3A_2791 masked %reduce_sum3A_2796 : vector<16xf32>, vector<16xi1> -> vector<16xf32>
        %reduce_sum3A_2798 = vector.extract %reduce_sum3A_2797[15] : f32 from vector<16xf32>
        %broadcast_in_dim3A_2799 = vector.broadcast %reduce_sum3A_2798 : f32 to vector<16xf32>
        %select_n3A_2800 = arith.select %eq3A_2794, %broadcast_in_dim3A_2799, %select_n3A_2745 : vector<16xi1>, vector<16xf32>
        %mul3A_2801 = arith.constant 50 : i32
        %mul3A_2802 = arith.muli %add3A_153, %mul3A_2801 : i32
        %add3A_2803 = arith.addi %mul3A_124, %mul3A_2802 : i32
        %add3A_2804 = arith.constant 32 : i32
        %add3A_2805 = arith.addi %add3A_2803, %add3A_2804 : i32
        %add3A_2806 = arith.constant 15 : i32
        %add3A_2807 = arith.addi %add3A_2805, %add3A_2806 : i32
        %get3A_2808 = arith.index_cast %add3A_2807 : i32 to index
        %get3A_2809 = arith.constant 0 : index
        %get3A_2810 = tpu.vector_load %arg10[%get3A_2808, %get3A_2809] {strides = array<i32>} : memref<800x128xf32, #tpu.memory_space<vmem>>, vector<16xf32>,
        %mul3A_2811 = arith.mulf %get3A_158, %get3A_2810 : vector<16xf32>
        %get3A_2812 = arith.index_cast %add3A_2807 : i32 to index
        %get3A_2813 = arith.constant 16 : index
        %get3A_2814 = tpu.vector_load %arg10[%get3A_2812, %get3A_2813] {strides = array<i32>} : memref<800x128xf32, #tpu.memory_space<vmem>>, vector<16xf32>,
        %mul3A_2815 = arith.mulf %get3A_164, %get3A_2814 : vector<16xf32>
        %get3A_2816 = arith.index_cast %add3A_2807 : i32 to index
        %get3A_2817 = arith.constant 32 : index
        %get3A_2818 = tpu.vector_load %arg10[%get3A_2816, %get3A_2817] {strides = array<i32>} : memref<800x128xf32, #tpu.memory_space<vmem>>, vector<16xf32>,
        %mul3A_2819 = arith.mulf %get3A_170, %get3A_2818 : vector<16xf32>
        %get3A_2820 = arith.index_cast %add3A_2807 : i32 to index
        %get3A_2821 = arith.constant 48 : index
        %get3A_2822 = tpu.vector_load %arg10[%get3A_2820, %get3A_2821] {strides = array<i32>} : memref<800x128xf32, #tpu.memory_space<vmem>>, vector<16xf32>,
        %mul3A_2823 = arith.mulf %get3A_176, %get3A_2822 : vector<16xf32>
        %get3A_2824 = arith.index_cast %add3A_2807 : i32 to index
        %get3A_2825 = arith.constant 64 : index
        %get3A_2826 = tpu.vector_load %arg10[%get3A_2824, %get3A_2825] {strides = array<i32>} : memref<800x128xf32, #tpu.memory_space<vmem>>, vector<16xf32>,
        %mul3A_2827 = arith.mulf %get3A_182, %get3A_2826 : vector<16xf32>
        %get3A_2828 = arith.index_cast %add3A_2807 : i32 to index
        %get3A_2829 = arith.constant 80 : index
        %get3A_2830 = tpu.vector_load %arg10[%get3A_2828, %get3A_2829] {strides = array<i32>} : memref<800x128xf32, #tpu.memory_space<vmem>>, vector<16xf32>,
        %mul3A_2831 = arith.mulf %get3A_188, %get3A_2830 : vector<16xf32>
        %get3A_2832 = arith.index_cast %add3A_2807 : i32 to index
        %get3A_2833 = arith.constant 96 : index
        %get3A_2834 = tpu.vector_load %arg10[%get3A_2832, %get3A_2833] {strides = array<i32>} : memref<800x128xf32, #tpu.memory_space<vmem>>, vector<16xf32>,
        %mul3A_2835 = arith.mulf %get3A_194, %get3A_2834 : vector<16xf32>
        %get3A_2836 = arith.index_cast %add3A_2807 : i32 to index
        %get3A_2837 = arith.constant 112 : index
        %get3A_2838 = tpu.vector_load %arg10[%get3A_2836, %get3A_2837] {strides = array<i32>} : memref<800x128xf32, #tpu.memory_space<vmem>>, vector<16xf32>,
        %mul3A_2839 = arith.mulf %get3A_200, %get3A_2838 : vector<16xf32>
        %add3A_2840 = arith.addf %mul3A_2811, %mul3A_2815 : vector<16xf32>
        %add3A_2841 = arith.addf %mul3A_2819, %mul3A_2823 : vector<16xf32>
        %add3A_2842 = arith.addf %mul3A_2827, %mul3A_2831 : vector<16xf32>
        %add3A_2843 = arith.addf %mul3A_2835, %mul3A_2839 : vector<16xf32>
        %add3A_2844 = arith.addf %add3A_2840, %add3A_2841 : vector<16xf32>
        %add3A_2845 = arith.addf %add3A_2842, %add3A_2843 : vector<16xf32>
        %add3A_2846 = arith.addf %add3A_2844, %add3A_2845 : vector<16xf32>
        %eq3A_2847 = arith.constant 15 : i32
        %eq3A_2848 = vector.broadcast %eq3A_2847 : i32 to vector<16xi32>
        %eq3A_2849 = arith.cmpi eq, %iota3A, %eq3A_2848 : vector<16xi32>
        %reduce_sum3A_2850 = arith.constant true
        %reduce_sum3A_2851 = vector.broadcast %reduce_sum3A_2850 : i1 to vector<16xi1>
        %reduce_sum3A_2852 = tpu.scan <sum>, %add3A_2846 masked %reduce_sum3A_2851 : vector<16xf32>, vector<16xi1> -> vector<16xf32>
        %reduce_sum3A_2853 = vector.extract %reduce_sum3A_2852[15] : f32 from vector<16xf32>
        %broadcast_in_dim3A_2854 = vector.broadcast %reduce_sum3A_2853 : f32 to vector<16xf32>
        %select_n3A_2855 = arith.select %eq3A_2849, %broadcast_in_dim3A_2854, %select_n3A_2800 : vector<16xi1>, vector<16xf32>
        %mul3A_2856 = arith.constant 50 : i32
        %mul3A_2857 = arith.muli %add3A_153, %mul3A_2856 : i32
        %add3A_2858 = arith.addi %mul3A_126, %mul3A_2857 : i32
        %add3A_2859 = arith.constant 32 : i32
        %add3A_2860 = arith.addi %add3A_2858, %add3A_2859 : i32
        %swap3A_2861 = arith.index_cast %add3A_2860 : i32 to index
        %swap3A_2862 = tpu.vector_load %arg11[%swap3A_2861] {strides = array<i32>} : memref<864xf32, #tpu.memory_space<vmem>>, vector<16xf32>,
        tpu.vector_store %arg11[%swap3A_2861], %select_n3A_2855 {strides = array<i32>} : memref<864xf32, #tpu.memory_space<vmem>>, vector<16xf32>,
        %broadcast_in_dim3A_2863 = arith.constant 0.000000e+00 : f32
        %broadcast_in_dim3A_2864 = vector.broadcast %broadcast_in_dim3A_2863 : f32 to vector<16xf32>
        %mul3A_2865 = arith.constant 50 : i32
        %mul3A_2866 = arith.muli %add3A_153, %mul3A_2865 : i32
        %add3A_2867 = arith.addi %mul3A_124, %mul3A_2866 : i32
        %add3A_2868 = arith.constant 48 : i32
        %add3A_2869 = arith.addi %add3A_2867, %add3A_2868 : i32
        %add3A_2870 = arith.constant 0 : i32
        %add3A_2871 = arith.addi %add3A_2869, %add3A_2870 : i32
        %get3A_2872 = arith.index_cast %add3A_2871 : i32 to index
        %get3A_2873 = arith.constant 0 : index
        %get3A_2874 = tpu.vector_load %arg10[%get3A_2872, %get3A_2873] {strides = array<i32>} : memref<800x128xf32, #tpu.memory_space<vmem>>, vector<16xf32>,
        %mul3A_2875 = arith.mulf %get3A_158, %get3A_2874 : vector<16xf32>
        %get3A_2876 = arith.index_cast %add3A_2871 : i32 to index
        %get3A_2877 = arith.constant 16 : index
        %get3A_2878 = tpu.vector_load %arg10[%get3A_2876, %get3A_2877] {strides = array<i32>} : memref<800x128xf32, #tpu.memory_space<vmem>>, vector<16xf32>,
        %mul3A_2879 = arith.mulf %get3A_164, %get3A_2878 : vector<16xf32>
        %get3A_2880 = arith.index_cast %add3A_2871 : i32 to index
        %get3A_2881 = arith.constant 32 : index
        %get3A_2882 = tpu.vector_load %arg10[%get3A_2880, %get3A_2881] {strides = array<i32>} : memref<800x128xf32, #tpu.memory_space<vmem>>, vector<16xf32>,
        %mul3A_2883 = arith.mulf %get3A_170, %get3A_2882 : vector<16xf32>
        %get3A_2884 = arith.index_cast %add3A_2871 : i32 to index
        %get3A_2885 = arith.constant 48 : index
        %get3A_2886 = tpu.vector_load %arg10[%get3A_2884, %get3A_2885] {strides = array<i32>} : memref<800x128xf32, #tpu.memory_space<vmem>>, vector<16xf32>,
        %mul3A_2887 = arith.mulf %get3A_176, %get3A_2886 : vector<16xf32>
        %get3A_2888 = arith.index_cast %add3A_2871 : i32 to index
        %get3A_2889 = arith.constant 64 : index
        %get3A_2890 = tpu.vector_load %arg10[%get3A_2888, %get3A_2889] {strides = array<i32>} : memref<800x128xf32, #tpu.memory_space<vmem>>, vector<16xf32>,
        %mul3A_2891 = arith.mulf %get3A_182, %get3A_2890 : vector<16xf32>
        %get3A_2892 = arith.index_cast %add3A_2871 : i32 to index
        %get3A_2893 = arith.constant 80 : index
        %get3A_2894 = tpu.vector_load %arg10[%get3A_2892, %get3A_2893] {strides = array<i32>} : memref<800x128xf32, #tpu.memory_space<vmem>>, vector<16xf32>,
        %mul3A_2895 = arith.mulf %get3A_188, %get3A_2894 : vector<16xf32>
        %get3A_2896 = arith.index_cast %add3A_2871 : i32 to index
        %get3A_2897 = arith.constant 96 : index
        %get3A_2898 = tpu.vector_load %arg10[%get3A_2896, %get3A_2897] {strides = array<i32>} : memref<800x128xf32, #tpu.memory_space<vmem>>, vector<16xf32>,
        %mul3A_2899 = arith.mulf %get3A_194, %get3A_2898 : vector<16xf32>
        %get3A_2900 = arith.index_cast %add3A_2871 : i32 to index
        %get3A_2901 = arith.constant 112 : index
        %get3A_2902 = tpu.vector_load %arg10[%get3A_2900, %get3A_2901] {strides = array<i32>} : memref<800x128xf32, #tpu.memory_space<vmem>>, vector<16xf32>,
        %mul3A_2903 = arith.mulf %get3A_200, %get3A_2902 : vector<16xf32>
        %add3A_2904 = arith.addf %mul3A_2875, %mul3A_2879 : vector<16xf32>
        %add3A_2905 = arith.addf %mul3A_2883, %mul3A_2887 : vector<16xf32>
        %add3A_2906 = arith.addf %mul3A_2891, %mul3A_2895 : vector<16xf32>
        %add3A_2907 = arith.addf %mul3A_2899, %mul3A_2903 : vector<16xf32>
        %add3A_2908 = arith.addf %add3A_2904, %add3A_2905 : vector<16xf32>
        %add3A_2909 = arith.addf %add3A_2906, %add3A_2907 : vector<16xf32>
        %add3A_2910 = arith.addf %add3A_2908, %add3A_2909 : vector<16xf32>
        %eq3A_2911 = arith.constant 0 : i32
        %eq3A_2912 = vector.broadcast %eq3A_2911 : i32 to vector<16xi32>
        %eq3A_2913 = arith.cmpi eq, %iota3A, %eq3A_2912 : vector<16xi32>
        %reduce_sum3A_2914 = arith.constant true
        %reduce_sum3A_2915 = vector.broadcast %reduce_sum3A_2914 : i1 to vector<16xi1>
        %reduce_sum3A_2916 = tpu.scan <sum>, %add3A_2910 masked %reduce_sum3A_2915 : vector<16xf32>, vector<16xi1> -> vector<16xf32>
        %reduce_sum3A_2917 = vector.extract %reduce_sum3A_2916[15] : f32 from vector<16xf32>
        %broadcast_in_dim3A_2918 = vector.broadcast %reduce_sum3A_2917 : f32 to vector<16xf32>
        %select_n3A_2919 = arith.select %eq3A_2913, %broadcast_in_dim3A_2918, %broadcast_in_dim3A_2864 : vector<16xi1>, vector<16xf32>
        %mul3A_2920 = arith.constant 50 : i32
        %mul3A_2921 = arith.muli %add3A_153, %mul3A_2920 : i32
        %add3A_2922 = arith.addi %mul3A_124, %mul3A_2921 : i32
        %add3A_2923 = arith.constant 48 : i32
        %add3A_2924 = arith.addi %add3A_2922, %add3A_2923 : i32
        %add3A_2925 = arith.constant 1 : i32
        %add3A_2926 = arith.addi %add3A_2924, %add3A_2925 : i32
        %get3A_2927 = arith.index_cast %add3A_2926 : i32 to index
        %get3A_2928 = arith.constant 0 : index
        %get3A_2929 = tpu.vector_load %arg10[%get3A_2927, %get3A_2928] {strides = array<i32>} : memref<800x128xf32, #tpu.memory_space<vmem>>, vector<16xf32>,
        %mul3A_2930 = arith.mulf %get3A_158, %get3A_2929 : vector<16xf32>
        %get3A_2931 = arith.index_cast %add3A_2926 : i32 to index
        %get3A_2932 = arith.constant 16 : index
        %get3A_2933 = tpu.vector_load %arg10[%get3A_2931, %get3A_2932] {strides = array<i32>} : memref<800x128xf32, #tpu.memory_space<vmem>>, vector<16xf32>,
        %mul3A_2934 = arith.mulf %get3A_164, %get3A_2933 : vector<16xf32>
        %get3A_2935 = arith.index_cast %add3A_2926 : i32 to index
        %get3A_2936 = arith.constant 32 : index
        %get3A_2937 = tpu.vector_load %arg10[%get3A_2935, %get3A_2936] {strides = array<i32>} : memref<800x128xf32, #tpu.memory_space<vmem>>, vector<16xf32>,
        %mul3A_2938 = arith.mulf %get3A_170, %get3A_2937 : vector<16xf32>
        %get3A_2939 = arith.index_cast %add3A_2926 : i32 to index
        %get3A_2940 = arith.constant 48 : index
        %get3A_2941 = tpu.vector_load %arg10[%get3A_2939, %get3A_2940] {strides = array<i32>} : memref<800x128xf32, #tpu.memory_space<vmem>>, vector<16xf32>,
        %mul3A_2942 = arith.mulf %get3A_176, %get3A_2941 : vector<16xf32>
        %get3A_2943 = arith.index_cast %add3A_2926 : i32 to index
        %get3A_2944 = arith.constant 64 : index
        %get3A_2945 = tpu.vector_load %arg10[%get3A_2943, %get3A_2944] {strides = array<i32>} : memref<800x128xf32, #tpu.memory_space<vmem>>, vector<16xf32>,
        %mul3A_2946 = arith.mulf %get3A_182, %get3A_2945 : vector<16xf32>
        %get3A_2947 = arith.index_cast %add3A_2926 : i32 to index
        %get3A_2948 = arith.constant 80 : index
        %get3A_2949 = tpu.vector_load %arg10[%get3A_2947, %get3A_2948] {strides = array<i32>} : memref<800x128xf32, #tpu.memory_space<vmem>>, vector<16xf32>,
        %mul3A_2950 = arith.mulf %get3A_188, %get3A_2949 : vector<16xf32>
        %get3A_2951 = arith.index_cast %add3A_2926 : i32 to index
        %get3A_2952 = arith.constant 96 : index
        %get3A_2953 = tpu.vector_load %arg10[%get3A_2951, %get3A_2952] {strides = array<i32>} : memref<800x128xf32, #tpu.memory_space<vmem>>, vector<16xf32>,
        %mul3A_2954 = arith.mulf %get3A_194, %get3A_2953 : vector<16xf32>
        %get3A_2955 = arith.index_cast %add3A_2926 : i32 to index
        %get3A_2956 = arith.constant 112 : index
        %get3A_2957 = tpu.vector_load %arg10[%get3A_2955, %get3A_2956] {strides = array<i32>} : memref<800x128xf32, #tpu.memory_space<vmem>>, vector<16xf32>,
        %mul3A_2958 = arith.mulf %get3A_200, %get3A_2957 : vector<16xf32>
        %add3A_2959 = arith.addf %mul3A_2930, %mul3A_2934 : vector<16xf32>
        %add3A_2960 = arith.addf %mul3A_2938, %mul3A_2942 : vector<16xf32>
        %add3A_2961 = arith.addf %mul3A_2946, %mul3A_2950 : vector<16xf32>
        %add3A_2962 = arith.addf %mul3A_2954, %mul3A_2958 : vector<16xf32>
        %add3A_2963 = arith.addf %add3A_2959, %add3A_2960 : vector<16xf32>
        %add3A_2964 = arith.addf %add3A_2961, %add3A_2962 : vector<16xf32>
        %add3A_2965 = arith.addf %add3A_2963, %add3A_2964 : vector<16xf32>
        %eq3A_2966 = arith.constant 1 : i32
        %eq3A_2967 = vector.broadcast %eq3A_2966 : i32 to vector<16xi32>
        %eq3A_2968 = arith.cmpi eq, %iota3A, %eq3A_2967 : vector<16xi32>
        %reduce_sum3A_2969 = arith.constant true
        %reduce_sum3A_2970 = vector.broadcast %reduce_sum3A_2969 : i1 to vector<16xi1>
        %reduce_sum3A_2971 = tpu.scan <sum>, %add3A_2965 masked %reduce_sum3A_2970 : vector<16xf32>, vector<16xi1> -> vector<16xf32>
        %reduce_sum3A_2972 = vector.extract %reduce_sum3A_2971[15] : f32 from vector<16xf32>
        %broadcast_in_dim3A_2973 = vector.broadcast %reduce_sum3A_2972 : f32 to vector<16xf32>
        %select_n3A_2974 = arith.select %eq3A_2968, %broadcast_in_dim3A_2973, %select_n3A_2919 : vector<16xi1>, vector<16xf32>
        %mul3A_2975 = arith.constant 50 : i32
        %mul3A_2976 = arith.muli %add3A_153, %mul3A_2975 : i32
        %add3A_2977 = arith.addi %mul3A_126, %mul3A_2976 : i32
        %add3A_2978 = arith.constant 48 : i32
        %add3A_2979 = arith.addi %add3A_2977, %add3A_2978 : i32
        %swap3A_2980 = arith.index_cast %add3A_2979 : i32 to index
        %swap3A_2981 = tpu.vector_load %arg11[%swap3A_2980] {strides = array<i32>} : memref<864xf32, #tpu.memory_space<vmem>>, vector<16xf32>,
        tpu.vector_store %arg11[%swap3A_2980], %select_n3A_2974 {strides = array<i32>} : memref<864xf32, #tpu.memory_space<vmem>>, vector<16xf32>,
      }
      %scan3A_135 = arith.constant 4 : i32
      %mul3A_136 = arith.constant 128 : i32
      %mul3A_137 = arith.muli %add3A, %mul3A_136 : i32
      %mul3A_138 = arith.constant 4 : i32
      %mul3A_139 = arith.muli %add3A_102, %mul3A_138 : i32
      %add3A_140 = arith.addi %mul3A_137, %mul3A_139 : i32
      %mul3A_141 = arith.constant 50 : i32
      %mul3A_142 = arith.muli %add3A_140, %mul3A_141 : i32
      %dma_start3A_143 = tpu.memref_slice %arg11[%mul3A_126] : memref<864xf32, #tpu.memory_space<vmem>> -> memref<200xf32, #tpu.memory_space<vmem>>
      %dma_start3A_144 = tpu.memref_slice %arg6[%mul3A_142] : memref<204800xf32, #tpu.memory_space<hbm>> -> memref<200xf32, #tpu.memory_space<hbm>>
      %dma_start3A_145 = tpu.memref_slice %arg13[%rem3A_103] : memref<4x!tpu.dma_semaphore, #tpu.memory_space<semaphore_mem>> -> memref<1x!tpu.dma_semaphore, #tpu.memory_space<semaphore_mem>>
      %dma_start3A_146 = tpu.memref_squeeze %dma_start3A_145 : memref<1x!tpu.dma_semaphore, #tpu.memory_space<semaphore_mem>> -> memref<!tpu.dma_semaphore, #tpu.memory_space<semaphore_mem>>
      %dma_start3A_147 = tpu.memref_slice %arg6[%mul3A_142] : memref<204800xf32, #tpu.memory_space<hbm>> -> memref<200xf32, #tpu.memory_space<hbm>>
      %dma_start3A_148 = tpu.memref_slice %arg11[%mul3A_126] : memref<864xf32, #tpu.memory_space<vmem>> -> memref<200xf32, #tpu.memory_space<vmem>>
      tpu.enqueue_dma source(%dma_start3A_148 : memref<200xf32, #tpu.memory_space<vmem>>) target(%dma_start3A_147 : memref<200xf32, #tpu.memory_space<hbm>>) target_semaphore(%dma_start3A_146 : memref<!tpu.dma_semaphore, #tpu.memory_space<semaphore_mem>>)
    }
    %scan3A_53 = arith.constant 32 : i32
    %dma_wait3A_54 = arith.constant 0 : i32
    %dma_wait3A_55 = arith.constant 0 : i32
    %dma_wait3A_56 = tpu.memref_slice %arg11[%dma_wait3A_55] : memref<864xf32, #tpu.memory_space<vmem>> -> memref<200xf32, #tpu.memory_space<vmem>>
    %dma_wait3A_57 = arith.constant 0 : i32
    %dma_wait3A_58 = tpu.memref_slice %arg6[%dma_wait3A_57] : memref<204800xf32, #tpu.memory_space<hbm>> -> memref<200xf32, #tpu.memory_space<hbm>>
    %dma_wait3A_59 = tpu.memref_slice %arg13[%dma_wait3A_54] : memref<4x!tpu.dma_semaphore, #tpu.memory_space<semaphore_mem>> -> memref<1x!tpu.dma_semaphore, #tpu.memory_space<semaphore_mem>>
    %dma_wait3A_60 = tpu.memref_squeeze %dma_wait3A_59 : memref<1x!tpu.dma_semaphore, #tpu.memory_space<semaphore_mem>> -> memref<!tpu.dma_semaphore, #tpu.memory_space<semaphore_mem>>
    %dma_wait3A_61 = arith.constant 0 : i32
    %dma_wait3A_62 = tpu.memref_slice %arg6[%dma_wait3A_61] : memref<204800xf32, #tpu.memory_space<hbm>> -> memref<200xf32, #tpu.memory_space<hbm>>
    %dma_wait3A_63 = arith.constant 0 : i32
    %dma_wait3A_64 = tpu.memref_slice %arg11[%dma_wait3A_63] : memref<864xf32, #tpu.memory_space<vmem>> -> memref<200xf32, #tpu.memory_space<vmem>>
    tpu.wait_dma2 semaphore(%dma_wait3A_60 : memref<!tpu.dma_semaphore, #tpu.memory_space<semaphore_mem>>) src(%dma_wait3A_64 : memref<200xf32, #tpu.memory_space<vmem>>) dst(%dma_wait3A_62 : memref<200xf32, #tpu.memory_space<hbm>>)
    %dma_wait3A_65 = arith.constant 1 : i32
    %dma_wait3A_66 = arith.constant 216 : i32
    %dma_wait3A_67 = tpu.memref_slice %arg11[%dma_wait3A_66] : memref<864xf32, #tpu.memory_space<vmem>> -> memref<200xf32, #tpu.memory_space<vmem>>
    %dma_wait3A_68 = arith.constant 0 : i32
    %dma_wait3A_69 = tpu.memref_slice %arg6[%dma_wait3A_68] : memref<204800xf32, #tpu.memory_space<hbm>> -> memref<200xf32, #tpu.memory_space<hbm>>
    %dma_wait3A_70 = tpu.memref_slice %arg13[%dma_wait3A_65] : memref<4x!tpu.dma_semaphore, #tpu.memory_space<semaphore_mem>> -> memref<1x!tpu.dma_semaphore, #tpu.memory_space<semaphore_mem>>
    %dma_wait3A_71 = tpu.memref_squeeze %dma_wait3A_70 : memref<1x!tpu.dma_semaphore, #tpu.memory_space<semaphore_mem>> -> memref<!tpu.dma_semaphore, #tpu.memory_space<semaphore_mem>>
    %dma_wait3A_72 = arith.constant 0 : i32
    %dma_wait3A_73 = tpu.memref_slice %arg6[%dma_wait3A_72] : memref<204800xf32, #tpu.memory_space<hbm>> -> memref<200xf32, #tpu.memory_space<hbm>>
    %dma_wait3A_74 = arith.constant 216 : i32
    %dma_wait3A_75 = tpu.memref_slice %arg11[%dma_wait3A_74] : memref<864xf32, #tpu.memory_space<vmem>> -> memref<200xf32, #tpu.memory_space<vmem>>
    tpu.wait_dma2 semaphore(%dma_wait3A_71 : memref<!tpu.dma_semaphore, #tpu.memory_space<semaphore_mem>>) src(%dma_wait3A_75 : memref<200xf32, #tpu.memory_space<vmem>>) dst(%dma_wait3A_73 : memref<200xf32, #tpu.memory_space<hbm>>)
    %dma_wait3A_76 = arith.constant 2 : i32
    %dma_wait3A_77 = arith.constant 432 : i32
    %dma_wait3A_78 = tpu.memref_slice %arg11[%dma_wait3A_77] : memref<864xf32, #tpu.memory_space<vmem>> -> memref<200xf32, #tpu.memory_space<vmem>>
    %dma_wait3A_79 = arith.constant 0 : i32
    %dma_wait3A_80 = tpu.memref_slice %arg6[%dma_wait3A_79] : memref<204800xf32, #tpu.memory_space<hbm>> -> memref<200xf32, #tpu.memory_space<hbm>>
    %dma_wait3A_81 = tpu.memref_slice %arg13[%dma_wait3A_76] : memref<4x!tpu.dma_semaphore, #tpu.memory_space<semaphore_mem>> -> memref<1x!tpu.dma_semaphore, #tpu.memory_space<semaphore_mem>>
    %dma_wait3A_82 = tpu.memref_squeeze %dma_wait3A_81 : memref<1x!tpu.dma_semaphore, #tpu.memory_space<semaphore_mem>> -> memref<!tpu.dma_semaphore, #tpu.memory_space<semaphore_mem>>
    %dma_wait3A_83 = arith.constant 0 : i32
    %dma_wait3A_84 = tpu.memref_slice %arg6[%dma_wait3A_83] : memref<204800xf32, #tpu.memory_space<hbm>> -> memref<200xf32, #tpu.memory_space<hbm>>
    %dma_wait3A_85 = arith.constant 432 : i32
    %dma_wait3A_86 = tpu.memref_slice %arg11[%dma_wait3A_85] : memref<864xf32, #tpu.memory_space<vmem>> -> memref<200xf32, #tpu.memory_space<vmem>>
    tpu.wait_dma2 semaphore(%dma_wait3A_82 : memref<!tpu.dma_semaphore, #tpu.memory_space<semaphore_mem>>) src(%dma_wait3A_86 : memref<200xf32, #tpu.memory_space<vmem>>) dst(%dma_wait3A_84 : memref<200xf32, #tpu.memory_space<hbm>>)
    %dma_wait3A_87 = arith.constant 3 : i32
    %dma_wait3A_88 = arith.constant 648 : i32
    %dma_wait3A_89 = tpu.memref_slice %arg11[%dma_wait3A_88] : memref<864xf32, #tpu.memory_space<vmem>> -> memref<200xf32, #tpu.memory_space<vmem>>
    %dma_wait3A_90 = arith.constant 0 : i32
    %dma_wait3A_91 = tpu.memref_slice %arg6[%dma_wait3A_90] : memref<204800xf32, #tpu.memory_space<hbm>> -> memref<200xf32, #tpu.memory_space<hbm>>
    %dma_wait3A_92 = tpu.memref_slice %arg13[%dma_wait3A_87] : memref<4x!tpu.dma_semaphore, #tpu.memory_space<semaphore_mem>> -> memref<1x!tpu.dma_semaphore, #tpu.memory_space<semaphore_mem>>
    %dma_wait3A_93 = tpu.memref_squeeze %dma_wait3A_92 : memref<1x!tpu.dma_semaphore, #tpu.memory_space<semaphore_mem>> -> memref<!tpu.dma_semaphore, #tpu.memory_space<semaphore_mem>>
    %dma_wait3A_94 = arith.constant 0 : i32
    %dma_wait3A_95 = tpu.memref_slice %arg6[%dma_wait3A_94] : memref<204800xf32, #tpu.memory_space<hbm>> -> memref<200xf32, #tpu.memory_space<hbm>>
    %dma_wait3A_96 = arith.constant 648 : i32
    %dma_wait3A_97 = tpu.memref_slice %arg11[%dma_wait3A_96] : memref<864xf32, #tpu.memory_space<vmem>> -> memref<200xf32, #tpu.memory_space<vmem>>
    tpu.wait_dma2 semaphore(%dma_wait3A_93 : memref<!tpu.dma_semaphore, #tpu.memory_space<semaphore_mem>>) src(%dma_wait3A_97 : memref<200xf32, #tpu.memory_space<vmem>>) dst(%dma_wait3A_95 : memref<200xf32, #tpu.memory_space<hbm>>)
    return
  }
}

</mosaic_0001>

<sc_bundles>
// kernel: kernel.3.cloned.1.call-start
scs
__scs_entry_jumppad:
0x0: {  	(pc) =	sbr.rel $0x88, $3  }
0x1: {  	(tag) =	ssettag $0x0;
	lr =	simm.s32 $0x1  }
0x2: {  	[smem:$0x3F9D] =	sst lr;
	_ =	strace $0xD0000000  }
0x3: {  	_ = 	snop  }
0x4: {  	_ = 	snop  }
0x5: {  	_ = 	snop  }
0x6: {  	_ = 	snop  }
0x7: {  	_ = 	snop  }
__scs_overlays_trampoline_lowered:
0x8: {  	[smem:$0x3FAC] =	sst s0  }
0x9: {  	[smem:$0x3FAD] =	sst s1  }
0xa: {  	[smem:$0x3FAE] =	sst s2  }
0xb: {  	[smem:$0x3FAF] =	sst s3  }
0xc: {  	[smem:$0x3FB0] =	sst s4  }
0xd: {  	[smem:$0x3FB1] =	sst s5  }
0xe: {  	[smem:$0x3FB2] =	sst s6  }
0xf: {  	[smem:$0x3FB3] =	sst s7  }
0x10: {  	[smem:$0x3FB4] =	sst s8  }
0x11: {  	[smem:$0x3FB5] =	sst s9;
	s0 =	simm.s32 @!p0 $0x0  }
0x12: {  	s1 =	sld [smem:$0x3F9B];
	s0 =	simm.s32 @p0 $0x1  }
0x13: {  	[smem:$0x3FB6] =	sst s0;
	s0 =	simm.s32 @!p1 $0x0  }
0x14: {  	s2 =	sld [smem:$0x3F9A];
	s0 =	simm.s32 @p1 $0x1  }
0x15: {  	[smem:$0x3FB7] =	sst s0;
	s0 =	simm.s32 @!p2 $0x0  }
0x16: {  	s3 =	sld [smem:$0x3FDB];
	s0 =	simm.s32 @p2 $0x1  }
0x17: {  	s4 =	simm.s32 $0x1BF5;
	[smem:$0x3FB9] =	sst s0  }
0x18: {  	s0 =	sld [smem:$0x3F9C];
	_ =	swait.ge [sflag:s4], $0x0  }
0x19: {  	s7 =	sld [smem:$0x3F9D]  }
0x1a: {  	s8 =	sadd.s32 $0xFFFFE003, lr  }
0x1b: {  	s9 =	sadd.s32 $0xFFFFFEF7, lr;
	s5 =	simm.s32 $0xFFFFFFFF;
	p2 =	slt.u32 s8, $0xFFFFF086  }
0x1c: {  	p1 =	slt.u32 s9, $0xF7A;
	s5 =	simm.s32 @!p2 $0x0  }
0x1d: {  	s5 =	simm.s32 @p1 $0x1;
	p0 =	seq.s32 s7, s2  }
0x1e: {  	s7 =	smul.u32 @!p0 $0xF7A, s2;
	p2 =	seq.s32 @!p0 s5, $0x0  }
0x1f: {  	s9 =	smul.u32 $0xF7A, s1;
	s8 =	simm.s32 @!p0 $0x1BF5;
	p2 =	por !p2, p0  }
0x20: {  	[sflag:s8] =	ssyncset.s32 @!p0 $0xFFFFF086;
	s6 =	sadd.s32 @!p0 s3, s7;
	s7 =	simm.s32 @!p0 $0x108  }
0x21: {  	s3 =	sadd.s32 s3, s9;
	s6 =	sadd.s32 @!p0 $0x88, s6;
	s7 =	simm.s32 @p2 $0x1082  }
0x22: {  	[simem:s7], [sflag:s8] =	dma.local @!p0 [hbm:s6], $0xF7A  }
0x23: {  	s9 =	sor.u32 $0xD0000000, s2;
	s6 =	simm.s32 $0x108;
	_ =	swait.ge @!p0 [sflag:s8], $0x0  }
0x24: {  	s3 =	sadd.s32 $0x88, s3;
	s6 =	simm.s32 @!p1 $0x1082;
	[sflag:s4] =	ssyncset.s32 $0xFFFFF086  }
0x25: {  	[simem:s6], [sflag:s4] =	dma.local [hbm:s3], $0xF7A  }
0x26: {  	[smem:$0x3F9D] =	sst s1;
	(tag) =	ssettag s2;
	_ =	strace s9  }
0x27: {  	s1 =	sld [smem:$0x3FAD]  }
0x28: {  	s2 =	sld [smem:$0x3FAE]  }
0x29: {  	s4 =	sld [smem:$0x3FB0]  }
0x2a: {  	p0 =	seq.s32 s5, $0x0;
	s5 =	sld [smem:$0x3FB1]  }
0x2b: {  	s6 =	sld [smem:$0x3FB2]  }
0x2c: {  	s7 =	sld [smem:$0x3FB3]  }
0x2d: {  	s3 =	simm.s32 $0x108;
	s8 =	sld [smem:$0x3FB4]  }
0x2e: {  	s3 =	simm.s32 @!p0 $0x1082;
	s9 =	sld [smem:$0x3FB5]  }
0x2f: {  	lr =	sadd.s32 s0, s3;
	s0 =	sld [smem:$0x3FAC]  }
0x30: {  	s3 =	sld [smem:$0x3FAF]  }
0x31: {  	[smem:$0x3FB8] =	sst s10  }
0x32: {  	s10 =	sld [smem:$0x3FB6];
	_ =	sdelay $0x3  }
0x33: {  	p0 =	seq.s32 s10, $0x1;
	s10 =	sld [smem:$0x3FB8];
	_ =	sdelay $0x3  }
0x34: {  	[smem:$0x3FB8] =	sst s10  }
0x35: {  	s10 =	sld [smem:$0x3FB7];
	_ =	sdelay $0x3  }
0x36: {  	p1 =	seq.s32 s10, $0x1;
	s10 =	sld [smem:$0x3FB8];
	_ =	sdelay $0x3  }
0x37: {  	[smem:$0x3FB8] =	sst s10  }
0x38: {  	s10 =	sld [smem:$0x3FB9]  }
0x39: {  	_ = 	snop;
	(pc) =	sbr.ind lr, $3  }
0x3a: {  	_ = 	snop  }
0x3b: {  	_ = 	snop  }
0x3c: {  	p2 =	seq.s32 s10, $0x1;
	s10 =	sld [smem:$0x3FB8]  }
0x3d: {  	_ =	shalt  }
0x3e: {  	_ =	shalt  }
0x3f: {  	_ =	shalt  }
0x40: {  	_ =	shalt  }
0x41: {  	_ =	shalt  }
0x42: {  	_ =	shalt  }
0x43: {  	_ =	shalt  }
0x44: {  	_ =	shalt  }
0x45: {  	_ =	shalt  }
0x46: {  	_ =	shalt  }
0x47: {  	_ =	shalt  }
0x48: {  	_ =	shalt  }
0x49: {  	_ =	shalt  }
0x4a: {  	_ =	shalt  }
0x4b: {  	_ =	shalt  }
0x4c: {  	_ =	shalt  }
0x4d: {  	_ =	shalt  }
0x4e: {  	_ =	shalt  }
0x4f: {  	_ =	shalt  }
0x50: {  	_ =	shalt  }
0x51: {  	_ =	shalt  }
0x52: {  	_ =	shalt  }
0x53: {  	_ =	shalt  }
0x54: {  	_ =	shalt  }
0x55: {  	_ =	shalt  }
0x56: {  	_ =	shalt  }
0x57: {  	_ =	shalt  }
0x58: {  	_ =	shalt  }
0x59: {  	_ =	shalt  }
0x5a: {  	_ =	shalt  }
0x5b: {  	_ =	shalt  }
0x5c: {  	_ =	shalt  }
0x5d: {  	_ =	shalt  }
0x5e: {  	_ =	shalt  }
0x5f: {  	_ =	shalt  }
0x60: {  	_ =	shalt  }
0x61: {  	_ =	shalt  }
0x62: {  	_ =	shalt  }
0x63: {  	_ =	shalt  }
0x64: {  	_ =	shalt  }
0x65: {  	_ =	shalt  }
0x66: {  	_ =	shalt  }
0x67: {  	_ =	shalt  }
0x68: {  	_ =	shalt  }
0x69: {  	_ =	shalt  }
0x6a: {  	_ =	shalt  }
0x6b: {  	_ =	shalt  }
0x6c: {  	_ =	shalt  }
0x6d: {  	_ =	shalt  }
0x6e: {  	_ =	shalt  }
0x6f: {  	_ =	shalt  }
0x70: {  	_ =	shalt  }
0x71: {  	_ =	shalt  }
0x72: {  	_ =	shalt  }
0x73: {  	_ =	shalt  }
0x74: {  	_ =	shalt  }
0x75: {  	_ =	shalt  }
0x76: {  	_ =	shalt  }
0x77: {  	_ =	shalt  }
0x78: {  	_ =	shalt  }
0x79: {  	_ =	shalt  }
0x7a: {  	_ =	shalt  }
0x7b: {  	_ =	shalt  }
0x7c: {  	_ =	shalt  }
0x7d: {  	_ =	shalt  }
0x7e: {  	_ =	shalt  }
0x7f: {  	_ =	shalt  }
0x80: {  	_ =	shalt  }
0x81: {  	_ =	shalt  }
0x82: {  	_ =	shalt  }
0x83: {  	_ =	shalt  }
0x84: {  	_ =	shalt  }
0x85: {  	_ =	shalt  }
0x86: {  	_ =	shalt  }
0x87: {  	_ =	shalt  }
.Lfunc_end0:
.L_simem_size_0:
called_computation_lowered:
.L_overlay_start_0:
0x88: {  	s2 =	sld [smem:$0x3FD9]  }
0x89: {  	s3 =	sld [smem:$0x3FFE];
	_ =	sdelay $0x1  }
0x8a: {  	s1 =	srdreg.scid  }
0x8b: {  	s0 =	sand.u32 $0x1, s1  }
0x8c: {  	s17 =	sshll.u32 s0, $0xA;
	s2 =	sadd.s32 s3, s2  }
0x8d: {  	s2 =	sadd.s32 s2, s17  }
0x8e: {  	[smem:$0x3FC4] =	sst s2  }
0x8f: {  	_ = 	snop  }
0x90: {  	s2 =	sld [smem:$0x3FC9]  }
0x91: {  	s18 =	sld [smem:$0x3FC7]  }
0x92: {  	s4 =	sld [smem:$0x3FC6]  }
0x93: {  	s5 =	sld [smem:$0x3FD0];
	(tm) =	ssettm $0x1  }
0x94: {  	s6 =	sld [smem:$0x3FFB];
	_ =	sdelay $0x3  }
0x95: {  	_ =	strace s6  }
0x96: {  	s6 =	sld [smem:$0x3FFC];
	_ =	sdelay $0x3  }
0x97: {  	_ =	strace s6  }
0x98: {  	s6 =	sld [smem:$0x3FFD];
	_ =	sdelay $0x3  }
0x99: {  	_ =	strace s6  }
0x9a: {  	_ =	strace $0x8FFFFFFF  }
0x9b: {  	s19 =	sld [smem:$0x3FDB];
	_ =	sdelay $0x1  }
0x9c: {  	s7 =	simm.s32 $_scs_section_size  }
0x9d: {  	s8 =	simm.s32 $_size__tile_overlayer_lowered;
	s9 =	simm.s32 $_tile_overlayer_lowered  }
0x9e: {  	s22 =	simm.s32 $0x1BFF;
	s21 =	sshll.u32 s9, $0x1;
	s6 =	sadd.s32 s7, s19  }
0x9f: {  	s10 =	simm.s32 $0x0;
	s20 =	sshll.u32 s8, $0x1;
	s8 =	sadd.s32 s21, s6  }
0xa0: {  	[timem:s10], [sflag:s22] =	dma.local [hbm:s8], s20  }
0xa1: {  	_ =	swait.ge [sflag:s22], s20  }
0xa2: {  	s7 =	ssub.s32 $0x0, s20;
	[sflag:s22] =	ssyncset.done $0x0  }
0xa3: {  	[sflag:s22] =	ssyncadd.s32 s7;
	_ =	sdelay $0x1  }
0xa4: {  	s23 =	simm.s32 $0x1B8B  }
0xa5: {  	_ =	swait.ge [sflag:s23], $0x1  }
0xa6: {  	[sflag:s23] =	ssyncset.done $0x0  }
0xa7: {  	s25 =	simm.s32 $0x1B8E;
	s24 =	sld [smem:$0x3FFE];
	[sflag:s23] =	ssyncadd.s32 $0xFFFFFFFF  }
0xa8: {  	s26 =	simm.s32 $execute0_lowered;
	[smem:$0x3FD2] =	sst s25  }
0xa9: {  	s8 =	sshll.u32 s26, $0x1;
	_ =	strace $0x80000046;
	[dreg:$0x1] =	wrdreg $0xFFFFFFFF  }
0xaa: {  	s28 =	simm.s32 $_size_execute0_lowered;
	s6 =	sadd.s32 s6, s8;
	[dreg:$0x0] =	wrdreg $0x0  }
0xab: {  	s8 =	sshll.u32 s28, $0x1;
	[dreg:$0x2] =	wrdreg s6  }
0xac: {  	[dreg:$0x3] =	wrdreg s8  }
0xad: {  	[dreg:$0x4] =	wrdreg $0xC0  }
0xae: {  	_ =	task [dreg:s10], $0x5FFFF  }
0xaf: {  	[dreg:$0x1] =	wrdreg $0xFFFFFFFF  }
0xb0: {  	[dreg:$0x0] =	wrdreg $0x60  }
0xb1: {  	[dreg:$0x2] =	wrdreg s2  }
0xb2: {  	[dreg:$0x3] =	wrdreg s5  }
0xb3: {  	[dreg:$0x4] =	wrdreg s18  }
0xb4: {  	[dreg:$0x5] =	wrdreg s4  }
0xb5: {  	[dreg:$0x6] =	wrdreg s24  }
0xb6: {  	[dreg:$0x7] =	wrdreg $0x9  }
0xb7: {  	_ =	task.clear_ibuf [dreg:s10], $0x8FFFF;
	_ =	strace $0x90000046  }
0xb8: {  	s29 =	simm.s32 $0x9;
	_ =	strace $0x80000048  }
0xb9: {  	_ =	swait.ge [sflag:s29], $0x1  }
0xba: {  	[sflag:s29] =	ssyncadd.s32 $0xFFFFFFFF  }
0xbb: {  	_ =	strace $0x90000048  }
0xbc: {  	_ =	sfence  }
0xbd: {  	s30 =	sld [smem:$0x0];
	_ =	sdelay $0x2  }
0xbe: {  	s31 =	sshll.u32 s1, $0xD;
	s1 =	sshrl.u32 s1, $0x2  }
0xbf: {  	s3 =	sand.u32 $0x4000, s31;
	s1 =	sadd.s32 s1, s30  }
0xc0: {  	s0 =	sor.u32 s3, s0;
	s1 =	sshll.u32 s1, $0x11  }
0xc1: {  	s0 =	sor.u32 s1, s0  }
0xc2: {  	s0 =	sadd.s32 $0x8F2B, s0  }
0xc3: {  	[sflag:s0] =	ssyncadd.remote.s32 $0x1  }
0xc4: {  	_ =	sfence.sel $0xFFFF  }
0xc5: {  	[dreg:$0x0] =	wrdreg $0xFFFFFFFF;
	(pc) =	sbr.abs _section_cstart, $3  }
0xc6: {  	[dreg:$0x1] =	wrdreg $0xFFFFFFFF  }
0xc7: {  	_ =	task.clear_ibuf [dreg:s10], $0x2FFFF;
	_ =	strace $0x9FFFFFFF  }
0xc8: {  	(tm) =	ssettm $0x7FFFFFFF  }
0xc9: {  	_ =	shalt  }
tec
execute0_lowered:
.L_overlay_start_1:
0x0: {  	(tag) =	ssettag $0x1  }
0x1: {  	s0 =	rddreg [dreg:$0x0]  }
0x2: {  	s8 =	rddreg [dreg:$0x1]  }
0x3: {  	s1 =	rddreg [dreg:$0x2]  }
0x4: {  	s2 =	rddreg [dreg:$0x3]  }
0x5: {  	s5 =	rddreg [dreg:$0x4]  }
0x6: {  	s4 =	simm.s32 $0x0;
	s6 =	srdreg.scid;
	s3 =	stileid.u32  }
0x7: {  	s11 =	simm.s32 $0x80;
	s12 =	simm.s32 $0x1980;
	s13 =	simm.s32 $0x1  }
0x8: {  	s14 =	simm.s32 $0xC8;
	s15 =	simm.s32 $0x5980;
	s16 =	simm.s32 $0x148  }
0x9: {  	s17 =	simm.s32 $0xBD80;
	s18 =	simm.s32 $0x210;
	s19 =	simm.s32 $0x12180  }
0xa: {  	s20 =	simm.s32 $0x5;
	s21 =	simm.s32 $0x6;
	s22 =	simm.s32 $0x7  }
0xb: {  	vm0 =	vmmov $0x1;
	s23 =	simm.s32 $0x8;
	s24 =	simm.s32 $0x0;
	s6 =	sand.u32 $0x1, s6  }
0xc: {  	vm1 =	vmmov $0x3;
	vm2 =	vmmov $0x7;
	vm3 =	vmmov $0xf;
	[smem:$0x7FF] =	sst s4;
	s7 =	sshll.u32 s3, $0x1;
	s9 =	ssub.s32 $0x2, s6  }
0xd: {  	vm4 =	vmmov $0x1f;
	vm5 =	vmmov $0x3f;
	vm6 =	vmmov $0x7f;
	s5 =	sadd.s32 $0x400, s5;
	s7 =	sor.u32 s6, s7;
	s31 =	sshrl.u32 s9, $0x1  }
0xe: {  	vm7 =	vmmov $0xff;
	vm8 =	vmmov $0x1ff;
	vm9 =	vmmov $0x3ff;
	s10 =	smul.u32 $0x320, s7;
	s6 =	sshll.u32 s7, $0x7;
	s7 =	sshll.u32 s7, $0x4  }
0xf: {  	vm10 =	vmmov $0x7ff;
	vm11 =	vmmov $0xfff;
	vm12 =	vmmov $0x1fff;
	_ =	strace $0x80000047;
	s9 =	ssub.s32 s9, s31;
	s7 =	sadd.s32 s0, s7  }
0x10: {  	vm13 =	vmmov $0x3fff;
	vm14 =	vmmov $0x7fff;
	vm15 =	vcmask $0x308;
	s8 =	sadd.s32 s8, s10;
	s9 =	smax.u32 s9, $0x1;
	s10 =	simm.s32 $0x9  }
.LBB2_1:
0x11: {  	[tilespmem:s4], [sflag:$0x9] =	stream.linear.gather [hbm4b:s7+s4], $0x80, $0x38;
	[tilespmem:$0x1ED00] =	vst v63  }
0x12: {  	_ =	swait.ge [sflag:s10], $0x80  }
0x13: {  	[sflag:s10] =	ssyncset.done $0x0  }
0x14: {  	[sflag:s10] =	ssyncadd.s32 $0xFFFFFF80  }
0x15: {  	[tilespmem:s11], [sflag:$0x9] =	stream.linear.gather [hbm4b:s8+s4], $0x1900, $0x38;
	[tilespmem:$0x1ED00] =	vst v63  }
0x16: {  	_ =	swait.ge [sflag:s10], $0x1900  }
0x17: {  	[sflag:s10] =	ssyncset.done $0x0  }
0x18: {  	[sflag:s10] =	ssyncadd.s32 $0xFFFFE700  }
0x19: {  	[tilespmem:s12], [sflag:$0x1] =	stream.indirect.gather [hbm4b:s1+s11], $0x80, s4, s11, $0xb8;
	[tilespmem:$0x1ED00] =	vst v63  }
0x1a: {  	_ =	swait.ge [sflag:s13], $0x4000  }
0x1b: {  	[sflag:s13] =	ssyncset.done $0x0  }
0x1c: {  	[sflag:s13] =	ssyncadd.s32 $0xFFFFC000  }
0x1d: {  	[tilespmem:s15], [sflag:$0x1] =	stream.indirect.gather [hbm4b:s2+s14], $0x80, s11, s14, $0xb8;
	[tilespmem:$0x1ED00] =	vst v63  }
0x1e: {  	_ = 	snop  }
0x1f: {  	[tilespmem:s17], [sflag:$0x2] =	stream.indirect.gather [hbm4b:s2+s14], $0x80, s16, s14, $0xb8;
	[tilespmem:$0x1ED00] =	vst v63  }
0x20: {  	s25 =	simm.s32 $0x0  }
0x21: {  	[tilespmem:s19], [sflag:$0x3] =	stream.indirect.gather [hbm4b:s2+s14], $0x80, s18, s14, $0xb8;
	[tilespmem:$0x1ED00] =	vst v63  }
.LBB2_2:
0x22: {  	p0 =	sgt.u32 s25, $0x1C  }
0x23: {  	s0 =	sadd.s32 @!p0 $0x3, s25  }
0x24: {  	s28 =	sand.u32 @!p0 $0x3, s0;
	s0 =	smul.u32 @!p0 $0x320, s0  }
0x25: {  	s26 =	smul.u32 @!p0 $0x19000, s28  }
0x26: {  	s30 =	simm.s32 @!p0 $0xC8;
	s28 =	sadd.s32 @!p0 $0x1, s28  }
0x27: {  	s0 =	sshra.s32 @!p0 s0, $0x2;
	s29 =	sshrl.u32 @!p0 s26, $0x2;
	s26 =	sand.u32 $0x3, s25  }
0x28: {  	s0 =	sadd.s32 @!p0 $0x80, s0;
	s29 =	sadd.s32 @!p0 $0x5980, s29;
	s31 =	sadd.s32 $0x1, s26  }
0x29: {  	[tilespmem:s29], [sflag:s28] =	stream.indirect.gather @!p0 [hbm4b:s2+s30], $0x80, s0, s30, $0xb8;
	[tilespmem:$0x1ED00] =	vst v63  }
0x2a: {  	p0 =	slt.u32 s25, $0x4;
	s29 =	sshll.u32 s25, $0x9;
	_ =	swait.ge [sflag:s31], $0x6400  }
0x2b: {  	s28 =	smul.u32 $0x360, s26;
	s29 =	sand.u32 $0x3FFFFE00, s29;
	[sflag:s31] =	ssyncset.done $0x0  }
0x2c: {  	s0 =	sadd.s32 @!p0 $0x5, s26;
	[sflag:s31] =	ssyncadd.s32 $0xFFFF9C00;
	s31 =	sadd.s32 $0x1980, s29  }
0x2d: {  	s28 =	sshrl.u32 s28, $0x2;
	_ =	swait.ge @!p0 [sflag:s0], $0xC8;
	v0 =	vmov s31  }
0x2e: {  	s28 =	sadd.s32 $0x1E980, s28;
	[sflag:s0] =	ssyncset.done @!p0 $0x0  }
0x2f: {  	s30 =	simm.s32 $0x0;
	s29 =	smul.u32 $0xC8, s26;
	v1 =	vmov s28;
	[sflag:s0] =	ssyncadd.s32 @!p0 $0xFFFFFF38  }
.LBB2_3:
0x30: {  	s0 =	sshll.u32 s30, $0x7  }
0x31: {  	s0 =	sand.u32 $0x3FFFFF80, s0  }
0x32: {  	v9 =	vld.idx.msk [tilespmem:v0+s0+$0x0 ss:$0x1], $0xffff  }
0x33: {  	v8 =	vld.idx.msk [tilespmem:v0+s0+$0x10 ss:$0x1], $0xffff  }
0x34: {  	v7 =	vld.idx.msk [tilespmem:v0+s0+$0x20 ss:$0x1], $0xffff  }
0x35: {  	s31 =	smul.u32 $0x32, s30;
	v6 =	vld.idx.msk [tilespmem:v0+s0+$0x30 ss:$0x1], $0xffff  }
0x36: {  	v2 =	vld.idx.msk [tilespmem:v0+s0+$0x40 ss:$0x1], $0xffff  }
0x37: {  	v3 =	vld.idx.msk [tilespmem:v0+s0+$0x50 ss:$0x1], $0xffff;
	s3 =	sadd.s32 s29, s31  }
0x38: {  	v4 =	vld.idx.msk [tilespmem:v0+s0+$0x60 ss:$0x1], $0xffff;
	s3 =	sshll.u32 s3, $0x7  }
0x39: {  	v5 =	vld.idx.msk [tilespmem:v0+s0+$0x70 ss:$0x1], $0xffff;
	s3 =	sand.u32 $0x3FFFFF80, s3  }
0x3a: {  	v10 =	vld [tilespmem:s3+$0x5980]  }
0x3b: {  	v11 =	vld [tilespmem:s3+$0x5990]  }
0x3c: {  	v12 =	vld [tilespmem:s3+$0x59A0]  }
0x3d: {  	v13 =	vld [tilespmem:s3+$0x59B0]  }
0x3e: {  	v14 =	vld [tilespmem:s3+$0x59C0]  }
0x3f: {  	v15 =	vld [tilespmem:s3+$0x59D0]  }
0x40: {  	v16 =	vld [tilespmem:s3+$0x59E0]  }
0x41: {  	v17 =	vld [tilespmem:s3+$0x59F0]  }
0x42: {  	v18 =	vld [tilespmem:s3+$0x5A00]  }
0x43: {  	v19 =	vld [tilespmem:s3+$0x5A10]  }
0x44: {  	v20 =	vld [tilespmem:s3+$0x5A20]  }
0x45: {  	v21 =	vld [tilespmem:s3+$0x5A30]  }
0x46: {  	v22 =	vld [tilespmem:s3+$0x5A40]  }
0x47: {  	v23 =	vld [tilespmem:s3+$0x5A50]  }
0x48: {  	v24 =	vld [tilespmem:s3+$0x5A60]  }
0x49: {  	v25 =	vld [tilespmem:s3+$0x5A70]  }
0x4a: {  	v26 =	vld [tilespmem:s3+$0x5A80]  }
0x4b: {  	v27 =	vld [tilespmem:s3+$0x5A90]  }
0x4c: {  	v28 =	vld [tilespmem:s3+$0x5AA0]  }
0x4d: {  	v29 =	vld [tilespmem:s3+$0x5AB0]  }
0x4e: {  	v30 =	vld [tilespmem:s3+$0x5AC0]  }
0x4f: {  	v31 =	vld [tilespmem:s3+$0x5AD0]  }
0x50: {  	v32 =	vld [tilespmem:s3+$0x5AE0]  }
0x51: {  	v33 =	vld [tilespmem:s3+$0x5AF0]  }
0x52: {  	v34 =	vld [tilespmem:s3+$0x5B00]  }
0x53: {  	v35 =	vld [tilespmem:s3+$0x5B10]  }
0x54: {  	v36 =	vld [tilespmem:s3+$0x5B20]  }
0x55: {  	v37 =	vld [tilespmem:s3+$0x5B30]  }
0x56: {  	v38 =	vld [tilespmem:s3+$0x5B40]  }
0x57: {  	v39 =	vld [tilespmem:s3+$0x5B50]  }
0x58: {  	v40 =	vld [tilespmem:s3+$0x5B60]  }
0x59: {  	v41 =	vld [tilespmem:s3+$0x5B70]  }
0x5a: {  	v42 =	vld [tilespmem:s3+$0x5B80]  }
0x5b: {  	v43 =	vld [tilespmem:s3+$0x5B90]  }
0x5c: {  	v44 =	vld [tilespmem:s3+$0x5BA0]  }
0x5d: {  	v45 =	vld [tilespmem:s3+$0x5BB0]  }
0x5e: {  	v46 =	vld [tilespmem:s3+$0x5BC0]  }
0x5f: {  	v47 =	vld [tilespmem:s3+$0x5BD0]  }
0x60: {  	v48 =	vld [tilespmem:s3+$0x5BE0]  }
0x61: {  	v49 =	vld [tilespmem:s3+$0x5BF0]  }
0x62: {  	v50 =	vld [tilespmem:s3+$0x5C00]  }
0x63: {  	v51 =	vld [tilespmem:s3+$0x5C10]  }
0x64: {  	v52 =	vld [tilespmem:s3+$0x5C20]  }
0x65: {  	v53 =	vld [tilespmem:s3+$0x5C30]  }
0x66: {  	v54 =	vld [tilespmem:s3+$0x5C40]  }
0x67: {  	v55 =	vld [tilespmem:s3+$0x5C50]  }
0x68: {  	v56 =	vld [tilespmem:s3+$0x5C60]  }
0x69: {  	v57 =	vld [tilespmem:s3+$0x5C70]  }
0x6a: {  	v58 =	vld [tilespmem:s3+$0x5C80]  }
0x6b: {  	v59 =	vld [tilespmem:s3+$0x5C90];
	v10 =	vmul.f32 v10, v9;
	v12 =	vmul.f32 v12, v7  }
0x6c: {  	v60 =	vld [tilespmem:s3+$0x5CA0];
	v13 =	vmul.f32 v13, v6;
	v14 =	vmul.f32 v14, v2  }
0x6d: {  	v61 =	vld [tilespmem:s3+$0x5CB0];
	v15 =	vmul.f32 v15, v3;
	v16 =	vmul.f32 v16, v4  }
0x6e: {  	v17 =	vmul.f32 v17, v5;
	v62 =	vadd.f32 v13, v12;
	v12 =	vmul.f32 v18, v9;
	v18 =	vld [tilespmem:s3+$0x5CC0]  }
0x6f: {  	v11 =	vmul.f32 v11, v8;
	v14 =	vadd.f32 v15, v14;
	v15 =	vmul.f32 v20, v7;
	v20 =	vld [tilespmem:s3+$0x5CD0]  }
0x70: {  	v63 =	vmul.f32 v21, v6;
	v16 =	vadd.f32 v17, v16;
	v17 =	vmul.f32 v22, v2;
	v22 =	vld [tilespmem:s3+$0x5CE0]  }
0x71: {  	v21 =	vmul.f32 v23, v3;
	v10 =	vadd.f32 v11, v10;
	v11 =	vmul.f32 v24, v4;
	v24 =	vld [tilespmem:s3+$0x5CF0]  }
0x72: {  	v13 =	vmul.f32 v19, v8;
	v19 =	vld [tilespmem:s3+$0x5D00]  }
0x73: {  	v10 =	vadd.f32 v62, v10;
	v62 =	vmul.f32 v25, v5;
	v25 =	vadd.f32 v21, v17;
	v17 =	vld [tilespmem:s3+$0x5D10]  }
0x74: {  	v14 =	vadd.f32 v16, v14;
	v16 =	vld [tilespmem:s3+$0x5D20]  }
0x75: {  	v23 =	vmul.f32 v29, v6;
	v21 =	vld [tilespmem:s3+$0x5D30]  }
0x76: {  	v12 =	vadd.f32 v13, v12;
	v63 =	vadd.f32 v63, v15;
	v15 =	vmul.f32 v27, v8;
	v27 =	vld [tilespmem:s3+$0x5D50]  }
0x77: {  	v13 =	vmul.f32 v26, v9;
	v26 =	vmul.f32 v31, v3;
	v31 =	vld [tilespmem:s3+$0x5D70]  }
0x78: {  	v11 =	vadd.f32 v62, v11;
	v12 =	vadd.f32 v63, v12;
	v63 =	vmul.f32 v33, v5;
	v33 =	vld [tilespmem:s3+$0x5D80]  }
0x79: {  	v10 =	vadd.f32 v14, v10;
	v62 =	vmul.f32 v32, v4;
	v32 =	vmul.f32 v37, v6;
	v37 =	vld [tilespmem:s3+$0x5DA0]  }
0x7a: {  	v14 =	vmul.f32 v28, v7;
	v13 =	vadd.f32 v15, v13;
	v15 =	vmul.f32 v34, v9;
	v34 =	vld [tilespmem:s3+$0x5DE0]  }
0x7b: {  	v29 =	vmul.f32 v38, v2;
	v18 =	vmul.f32 v18, v2;
	v11 =	vadd.f32 v11, v25;
	v25 =	vld [tilespmem:s3+$0x5D40]  }
0x7c: {  	v20 =	vmul.f32 v20, v3;
	v14 =	vadd.f32 v23, v14;
	v23 =	vmul.f32 v35, v8;
	v35 =	vld [tilespmem:s3+$0x5D90]  }
0x7d: {  	v28 =	vadd.f32 v63, v62;
	v62 =	vmul.f32 v39, v3;
	v63 =	vmul.f32 v40, v4;
	v39 =	vld [tilespmem:s3+$0x5DF0]  }
0x7e: {  	v40 =	vmul.f32 v41, v5;
	v11 =	vadd.f32 v11, v12;
	v12 =	vmul.f32 v30, v2;
	v30 =	vld [tilespmem:s3+$0x5D60]  }
0x7f: {  	v22 =	vmul.f32 v22, v4;
	v24 =	vmul.f32 v24, v5;
	v15 =	vadd.f32 v23, v15;
	v23 =	vld [tilespmem:s3+$0x5DD0]  }
0x80: {  	v19 =	vmul.f32 v19, v9;
	v13 =	vadd.f32 v14, v13;
	v14 =	vadd.f32 v40, v63;
	v40 =	vld [tilespmem:s3+$0x5E00]  }
0x81: {  	v17 =	vmul.f32 v17, v8;
	v18 =	vadd.f32 v20, v18;
	v63 =	vmul.f32 v44, v7;
	v44 =	vld [tilespmem:s3+$0x5E20]  }
0x82: {  	v22 =	vadd.f32 v24, v22;
	v29 =	vadd.f32 v62, v29;
	v62 =	vmul.f32 v43, v8;
	v43 =	vld [tilespmem:s3+$0x5E60]  }
0x83: {  	v17 =	vadd.f32 v17, v19;
	v19 =	vld [tilespmem:s3+$0x5F10]  }
0x84: {  	v45 =	vmul.f32 v45, v6;
	v18 =	vadd.f32 v22, v18;
	v22 =	vld [tilespmem:s3+$0x5F30]  }
0x85: {  	v48 =	vmul.f32 v48, v4;
	v14 =	vadd.f32 v14, v29;
	v29 =	vld [tilespmem:s3+$0x5E10]  }
0x86: {  	v12 =	vadd.f32 v26, v12;
	v26 =	vmul.f32 v36, v7;
	v36 =	vadd.f32 v45, v63;
	v45 =	vld [tilespmem:s3+$0x5E70]  }
0x87: {  	v63 =	vmul.f32 v51, v8;
	v51 =	vmul.f32 v35, v8;
	v35 =	vld [tilespmem:s3+$0x5F80]  }
0x88: {  	v49 =	vmul.f32 v49, v5;
	v52 =	vmul.f32 v52, v7;
	v41 =	vadd.f32 v32, v26;
	v26 =	vld [tilespmem:s3+$0x5DB0]  }
0x89: {  	v53 =	vmul.f32 v53, v6;
	v32 =	vld [tilespmem:s3+$0x5DC0];
	v12 =	vadd.f32 v28, v12;
	v28 =	vmul.f32 v42, v9  }
0x8a: {  	v54 =	vmul.f32 v54, v2;
	v15 =	vadd.f32 v41, v15;
	v41 =	vadd.f32 v49, v48;
	v48 =	vld [tilespmem:s3+$0x5E40]  }
0x8b: {  	v55 =	vmul.f32 v55, v3;
	v28 =	vadd.f32 v62, v28;
	v62 =	vmul.f32 v50, v9;
	v50 =	vld [tilespmem:s3+$0x5E50]  }
0x8c: {  	v56 =	vmul.f32 v56, v4;
	v57 =	vmul.f32 v57, v5;
	v49 =	vld [tilespmem:s3+$0x5E90]  }
0x8d: {  	v13 =	vadd.f32 v12, v13;
	v12 =	vadd.f32 v14, v15;
	v14 =	vmul.f32 v46, v2;
	v46 =	vld [tilespmem:s3+$0x5E30]  }
0x8e: {  	v58 =	vmul.f32 v58, v9;
	v15 =	vmul.f32 v47, v3;
	v47 =	vld [tilespmem:s3+$0x5ED0]  }
0x8f: {  	v38 =	vadd.f32 v63, v62;
	v63 =	vmul.f32 v60, v7;
	v60 =	vmul.f32 v27, v3;
	v27 =	vld [tilespmem:s3+$0x5EF0]  }
0x90: {  	v42 =	vadd.f32 v55, v54;
	v62 =	vmul.f32 v59, v8;
	v59 =	vmul.f32 v25, v2;
	v25 =	vld [tilespmem:s3+$0x5F20]  }
0x91: {  	v28 =	vadd.f32 v36, v28;
	v36 =	vadd.f32 v57, v56;
	v54 =	vmul.f32 v32, v2;
	v32 =	vld [tilespmem:s3+$0x5F60]  }
0x92: {  	v16 =	vmul.f32 v16, v7;
	v14 =	vadd.f32 v15, v14;
	v15 =	vadd.f32 v53, v52;
	v52 =	vld [tilespmem:s3+$0x5EA0]  }
0x93: {  	v31 =	vmul.f32 v31, v5;
	v30 =	vmul.f32 v30, v4;
	v36 =	vadd.f32 v36, v42;
	v42 =	vld [tilespmem:s3+$0x5EC0]  }
0x94: {  	v55 =	vmul.f32 v34, v4;
	v57 =	vadd.f32 v62, v58;
	v58 =	vmul.f32 v21, v6;
	v21 =	vld [tilespmem:s3+$0x5EE0]  }
0x95: {  	v23 =	vmul.f32 v23, v3;
	v19 =	vmul.f32 v19, v8;
	v62 =	vadd.f32 v31, v30;
	v31 =	vld [tilespmem:s3+$0x5F40]  }
0x96: {  	v22 =	vmul.f32 v22, v6;
	v29 =	vmul.f32 v29, v8;
	v30 =	vld [tilespmem:s3+$0x5F70]  }
0x97: {  	v56 =	vmul.f32 v61, v6;
	v53 =	vmul.f32 v37, v7;
	v37 =	vld [tilespmem:s3+$0x5FD0]  }
0x98: {  	v26 =	vmul.f32 v26, v6;
	v14 =	vadd.f32 v41, v14;
	v38 =	vadd.f32 v15, v38;
	v41 =	vld [tilespmem:s3+$0x5E80]  }
0x99: {  	v61 =	vadd.f32 v60, v59;
	v16 =	vadd.f32 v58, v16;
	v58 =	vmul.f32 v44, v7;
	v44 =	vld [tilespmem:s3+$0x5FA0]  }
0x9a: {  	v60 =	vmul.f32 v48, v2;
	v15 =	vadd.f32 v14, v28;
	v14 =	vadd.f32 v36, v38;
	v36 =	vld [tilespmem:s3+$0x5EB0]  }
0x9b: {  	v49 =	vmul.f32 v49, v8;
	v20 =	vadd.f32 v62, v61;
	v25 =	vmul.f32 v25, v7;
	v38 =	vld [tilespmem:s3+$0x5F00]  }
0x9c: {  	v28 =	vadd.f32 v56, v63;
	v63 =	vmul.f32 v33, v9;
	v56 =	vmul.f32 v39, v5;
	v39 =	vld [tilespmem:s3+$0x5F90]  }
0x9d: {  	v61 =	vmul.f32 v50, v3;
	v62 =	vmul.f32 v43, v4;
	v22 =	vadd.f32 v22, v25;
	v25 =	vld [tilespmem:s3+$0x6070]  }
0x9e: {  	v17 =	vadd.f32 v16, v17;
	v24 =	vadd.f32 v51, v63;
	v63 =	vmul.f32 v45, v5;
	v45 =	vld [tilespmem:s3+$0x5FB0]  }
0x9f: {  	v59 =	vmul.f32 v46, v6;
	v28 =	vadd.f32 v28, v57;
	v57 =	vmul.f32 v40, v9;
	v40 =	vld [tilespmem:s3+$0x5FF0]  }
0xa0: {  	v27 =	vmul.f32 v27, v5;
	v17 =	vadd.f32 v20, v17;
	v20 =	vadd.f32 v23, v54;
	v54 =	vld [tilespmem:s3+$0x6020]  }
0xa1: {  	v32 =	vmul.f32 v32, v4;
	v21 =	vmul.f32 v21, v4;
	v33 =	vadd.f32 v56, v55;
	v56 =	vld [tilespmem:s3+$0x6030]  }
0xa2: {  	v30 =	vmul.f32 v30, v5;
	v51 =	vmul.f32 v42, v2;
	v42 =	vld [tilespmem:s3+$0x6040]  }
0xa3: {  	v34 =	vadd.f32 v61, v60;
	v50 =	vmul.f32 v52, v7;
	v23 =	vadd.f32 v59, v58;
	v58 =	vld [tilespmem:s3+$0x6050]  }
0xa4: {  	v52 =	vmul.f32 v47, v3;
	v59 =	vld [tilespmem:s3+$0x6060];
	v21 =	vadd.f32 v27, v21;
	v60 =	vadd.f32 v30, v32  }
0xa5: {  	v48 =	vmul.f32 v41, v9;
	v41 =	vld [tilespmem:s3+$0x6000];
	v16 =	vadd.f32 v18, v28;
	v18 =	vadd.f32 v26, v53  }
0xa6: {  	v30 =	vld [tilespmem:s3+$0x6080];
	v44 =	vmul.f32 v44, v7;
	v26 =	vadd.f32 v29, v57;
	v20 =	vadd.f32 v33, v20  }
0xa7: {  	v32 =	vld [tilespmem:s3+$0x60A0];
	v57 =	vmul.f32 v31, v2;
	v36 =	vmul.f32 v36, v6;
	v33 =	vadd.f32 v49, v48  }
0xa8: {  	v28 =	vld [tilespmem:s3+$0x5F50];
	v55 =	vmul.f32 v38, v9;
	v48 =	vmul.f32 v37, v3;
	v18 =	vadd.f32 v18, v24  }
0xa9: {  	v29 =	vld [tilespmem:s3+$0x5FC0];
	v24 =	vadd.f32 v63, v62;
	v62 =	vmul.f32 v35, v9;
	v63 =	vmul.f32 v39, v8  }
0xaa: {  	v53 =	vld [tilespmem:s3+$0x6010];
	v23 =	vadd.f32 v23, v26;
	v25 =	vmul.f32 v25, v5;
	v46 =	vmul.f32 v45, v6  }
0xab: {  	v49 =	vld [tilespmem:s3+$0x60C0];
	v19 =	vadd.f32 v19, v55;
	v54 =	vmul.f32 v54, v7;
	v55 =	vmul.f32 v56, v6  }
0xac: {  	v26 =	vld [tilespmem:s3+$0x5FE0];
	v31 =	vmul.f32 v58, v3;
	v59 =	vmul.f32 v59, v4;
	v24 =	vadd.f32 v24, v34  }
0xad: {  	v56 =	vld [tilespmem:s3+$0x60F0];
	v18 =	vadd.f32 v20, v18;
	v20 =	vadd.f32 v36, v50;
	v50 =	vmul.f32 v40, v5  }
0xae: {  	v58 =	vld [tilespmem:s3+$0x6100];
	v43 =	vmul.f32 v30, v9;
	v28 =	vmul.f32 v28, v3;
	v19 =	vadd.f32 v22, v19  }
0xaf: {  	v36 =	vld [tilespmem:s3+$0x60B0];
	v47 =	vmul.f32 v29, v2;
	v29 =	vadd.f32 v55, v54;
	v25 =	vadd.f32 v25, v59  }
0xb0: {  	v22 =	vld [tilespmem:s3+$0x6090];
	v23 =	vadd.f32 v24, v23;
	v24 =	vadd.f32 v52, v51;
	v51 =	vmul.f32 v41, v9  }
0xb1: {  	v20 =	vadd.f32 v20, v33;
	v52 =	vmul.f32 v53, v8;
	v53 =	vld [tilespmem:s3+$0x60E0];
	v49 =	vmul.f32 v49, v2  }
0xb2: {  	v27 =	vadd.f32 v28, v57;
	v26 =	vmul.f32 v26, v4;
	v28 =	vld [tilespmem:s3+$0x60D0];
	v21 =	vadd.f32 v21, v24  }
0xb3: {  	v57 =	vmul.f32 v42, v2;
	v24 =	vadd.f32 v48, v47;
	v35 =	vadd.f32 v52, v51;
	v47 =	vld [tilespmem:s3+$0x6150]  }
0xb4: {  	v54 =	vmul.f32 v56, v5;
	v61 =	vadd.f32 v60, v27;
	v27 =	vadd.f32 v63, v62;
	v60 =	vld [tilespmem:s3+$0x6110]  }
0xb5: {  	(xrf2) =	vadd.scan.msk.f32 $0xffff, v10;
	v55 =	vmul.f32 v58, v9;
	v26 =	vadd.f32 v50, v26;
	v62 =	vadd.f32 v31, v57;
	v63 =	vld [tilespmem:s3+$0x6130]  }
0xb6: {  	(xrf2) =	vadd.scan.msk.f32 $0xffff, v11;
	v48 =	vmul.f32 v36, v6;
	v50 =	vld [tilespmem:s3+$0x6160];
	v20 =	vadd.f32 v21, v20;
	v21 =	vadd.f32 v46, v44  }
0xb7: {  	(xrf2) =	vadd.scan.msk.f32 $0xffff, v13;
	v40 =	vadd.f32 v29, v35;
	v44 =	vld [tilespmem:s3+$0x6140];
	v45 =	vmul.f32 v22, v8;
	v19 =	vadd.f32 v61, v19  }
0xb8: {  	(xrf2) =	vadd.scan.msk.f32 $0xffff, v12;
	v46 =	vmul.f32 v32, v7;
	v61 =	vld [tilespmem:s3+$0x6120];
	v39 =	vadd.f32 v26, v24;
	v10 =	vadd.f32 v25, v62  }
0xb9: {  	(xrf2) =	vadd.scan.msk.f32 $0xffff, v15;
	v52 =	vmul.f32 v53, v4;
	v53 =	vld [tilespmem:s3+$0x6170];
	v21 =	vadd.f32 v21, v27;
	v13 =	vadd.f32 v45, v43  }
0xba: {  	(xrf2) =	vadd.scan.msk.f32 $0xffff, v14;
	v51 =	vmul.f32 v28, v3;
	v12 =	vadd.f32 v48, v46;
	v10 =	vadd.f32 v10, v40  }
0xbb: {  	(xrf2) =	vadd.scan.msk.f32 $0xffff, v16;
	v14 =	vadd.f32 v54, v52;
	v11 =	vadd.f32 v39, v21;
	v56 =	vmul.f32 v60, v8  }
0xbc: {  	(xrf2) =	vadd.scan.msk.f32 $0xffff, v17;
	v15 =	vadd.f32 v51, v49;
	v58 =	vmul.f32 v63, v6;
	v60 =	vmul.f32 v47, v3  }
0xbd: {  	(xrf2) =	vadd.scan.msk.f32 $0xffff, v18;
	v12 =	vadd.f32 v12, v13;
	v59 =	vmul.f32 v44, v2;
	v57 =	vmul.f32 v61, v7  }
0xbe: {  	(xrf2) =	vadd.scan.msk.f32 $0xffff, v23;
	v14 =	vadd.f32 v14, v15;
	v61 =	vmul.f32 v50, v4;
	v62 =	vmul.f32 v53, v5  }
0xbf: {  	v63, _, _ =	vpop (xrf2);
	(xrf2) =	vadd.scan.msk.f32 $0xffff, v20;
	v16 =	vadd.f32 v56, v55;
	v13 =	vadd.f32 v60, v59  }
0xc0: {  	v28, _, _ =	vpop (xrf2);
	(xrf2) =	vadd.scan.msk.f32 $0xffff, v19;
	v17 =	vadd.f32 v58, v57;
	v15 =	vadd.f32 v62, v61  }
0xc1: {  	v29 =	vbroadcast v63, $0xF;
	v30 =	vbroadcast v28, $0xF;
	v31, _, _ =	vpop (xrf2);
	(xrf2) =	vadd.scan.msk.f32 $0xffff, v11;
	v32 =	vadd.f32 v14, v12  }
0xc2: {  	v33 =	vbroadcast v31, $0xF;
	v34, _, _ =	vpop (xrf2);
	(xrf2) =	vadd.scan.msk.f32 $0xffff, v10;
	v35 =	vadd.f32 v17, v16;
	v13 =	vadd.f32 v15, v13  }
0xc3: {  	v36 =	vsel vm0, v29, v30;
	v14 =	vbroadcast v34, $0xF;
	v37, _, _ =	vpop (xrf2);
	(xrf2) =	vadd.scan.msk.f32 $0xffff, v32  }
0xc4: {  	v38 =	vsel vm1, v36, v33;
	v39 =	vbroadcast v37, $0xF;
	v40, _, _ =	vpop (xrf2);
	v10 =	vadd.f32 v13, v35  }
0xc5: {  	v11 =	vsel vm2, v38, v14;
	v41 =	vbroadcast v40, $0xF;
	v42, _, _ =	vpop (xrf2)  }
0xc6: {  	v11 =	vsel vm3, v11, v39;
	v43 =	vbroadcast v42, $0xF;
	v44, _, _ =	vpop (xrf2);
	(xrf2) =	vadd.scan.msk.f32 $0xffff, v10  }
0xc7: {  	v45 =	vsel vm4, v11, v41;
	v46 =	vbroadcast v44, $0xF;
	v47, _, _ =	vpop (xrf2)  }
0xc8: {  	v48 =	vbroadcast v47, $0xF;
	v49, _, _ =	vpop (xrf2);
	v10 =	vsel vm5, v45, v43  }
0xc9: {  	v50 =	vbroadcast v49, $0xF;
	v51, _, _ =	vpop (xrf2);
	v10 =	vsel vm6, v10, v46  }
0xca: {  	v52 =	vbroadcast v51, $0xF;
	v53, _, _ =	vpop (xrf2);
	v10 =	vsel vm7, v10, v48  }
0xcb: {  	v54 =	vbroadcast v53, $0xF;
	v55, _, _ =	vpop (xrf2);
	v10 =	vsel vm8, v10, v50  }
0xcc: {  	v56 =	vbroadcast v55, $0xF;
	v57, _, _ =	vpop (xrf2);
	v10 =	vsel vm9, v10, v52  }
0xcd: {  	v58 =	vbroadcast v57, $0xF;
	v10 =	vsel vm10, v10, v54;
	v59, _, _ =	vpop (xrf2)  }
0xce: {  	v10 =	vsel vm11, v10, v56;
	v60 =	vbroadcast v59, $0xF  }
0xcf: {  	v10 =	vsel vm12, v10, v58  }
0xd0: {  	v10 =	vsel vm13, v10, v60;
	v61, _, _ =	vpop (xrf2)  }
0xd1: {  	v10 =	vsel vm14, v10, v61  }
0xd2: {  	[tilespmem:v1+s31+$0x0 ss:$0x1] =	vst.idx.msk $0xffff, v10  }
0xd3: {  	v10 =	vld [tilespmem:s3+$0x6180]  }
0xd4: {  	v11 =	vld [tilespmem:s3+$0x6190]  }
0xd5: {  	v62 =	vld [tilespmem:s3+$0x61A0]  }
0xd6: {  	v63 =	vld [tilespmem:s3+$0x61B0]  }
0xd7: {  	v60 =	vld [tilespmem:s3+$0x61C0]  }
0xd8: {  	v61 =	vld [tilespmem:s3+$0x61D0]  }
0xd9: {  	v16 =	vld [tilespmem:s3+$0x61E0]  }
0xda: {  	v17 =	vld [tilespmem:s3+$0x61F0]  }
0xdb: {  	v18 =	vld [tilespmem:s3+$0x6200]  }
0xdc: {  	v19 =	vld [tilespmem:s3+$0x6210]  }
0xdd: {  	v20 =	vld [tilespmem:s3+$0x6220]  }
0xde: {  	v21 =	vld [tilespmem:s3+$0x6230]  }
0xdf: {  	v22 =	vld [tilespmem:s3+$0x6240]  }
0xe0: {  	v23 =	vld [tilespmem:s3+$0x6250]  }
0xe1: {  	v24 =	vld [tilespmem:s3+$0x6260]  }
0xe2: {  	v25 =	vld [tilespmem:s3+$0x6270]  }
0xe3: {  	v26 =	vld [tilespmem:s3+$0x6280]  }
0xe4: {  	v27 =	vld [tilespmem:s3+$0x6290]  }
0xe5: {  	v28 =	vld [tilespmem:s3+$0x62A0]  }
0xe6: {  	v29 =	vld [tilespmem:s3+$0x62B0]  }
0xe7: {  	v30 =	vld [tilespmem:s3+$0x62C0]  }
0xe8: {  	v31 =	vld [tilespmem:s3+$0x62D0]  }
0xe9: {  	v32 =	vld [tilespmem:s3+$0x62E0]  }
0xea: {  	v33 =	vld [tilespmem:s3+$0x62F0]  }
0xeb: {  	v34 =	vld [tilespmem:s3+$0x6300]  }
0xec: {  	v35 =	vld [tilespmem:s3+$0x6310]  }
0xed: {  	v36 =	vld [tilespmem:s3+$0x6320]  }
0xee: {  	v37 =	vld [tilespmem:s3+$0x6330]  }
0xef: {  	v38 =	vld [tilespmem:s3+$0x6340]  }
0xf0: {  	v39 =	vld [tilespmem:s3+$0x6350]  }
0xf1: {  	v40 =	vld [tilespmem:s3+$0x6360]  }
0xf2: {  	v41 =	vld [tilespmem:s3+$0x6370]  }
0xf3: {  	v42 =	vld [tilespmem:s3+$0x6380]  }
0xf4: {  	v43 =	vld [tilespmem:s3+$0x6390]  }
0xf5: {  	v44 =	vld [tilespmem:s3+$0x63A0]  }
0xf6: {  	v45 =	vld [tilespmem:s3+$0x63B0]  }
0xf7: {  	v46 =	vld [tilespmem:s3+$0x63C0]  }
0xf8: {  	v47 =	vld [tilespmem:s3+$0x63D0]  }
0xf9: {  	v48 =	vld [tilespmem:s3+$0x63E0]  }
0xfa: {  	v49 =	vld [tilespmem:s3+$0x63F0]  }
0xfb: {  	v50 =	vld [tilespmem:s3+$0x6400]  }
0xfc: {  	v51 =	vld [tilespmem:s3+$0x6410]  }
0xfd: {  	v52 =	vld [tilespmem:s3+$0x6420]  }
0xfe: {  	v53 =	vld [tilespmem:s3+$0x6430]  }
0xff: {  	v54 =	vld [tilespmem:s3+$0x6440]  }
0x100: {  	v55 =	vld [tilespmem:s3+$0x6450]  }
0x101: {  	v56 =	vld [tilespmem:s3+$0x6460]  }
0x102: {  	v57 =	vld [tilespmem:s3+$0x6470]  }
0x103: {  	v58 =	vld [tilespmem:s3+$0x6480]  }
0x104: {  	v59 =	vld [tilespmem:s3+$0x6490];
	v10 =	vmul.f32 v10, v9;
	v12 =	vmul.f32 v62, v7  }
0x105: {  	v13 =	vmul.f32 v63, v6;
	v14 =	vmul.f32 v60, v2;
	v60 =	vld [tilespmem:s3+$0x64A0]  }
0x106: {  	v15 =	vmul.f32 v61, v3;
	v16 =	vmul.f32 v16, v4;
	v61 =	vld [tilespmem:s3+$0x64B0]  }
0x107: {  	v17 =	vmul.f32 v17, v5;
	v62 =	vadd.f32 v13, v12;
	v12 =	vmul.f32 v18, v9;
	v18 =	vld [tilespmem:s3+$0x64C0]  }
0x108: {  	v11 =	vmul.f32 v11, v8;
	v14 =	vadd.f32 v15, v14;
	v15 =	vmul.f32 v20, v7;
	v20 =	vld [tilespmem:s3+$0x64D0]  }
0x109: {  	v63 =	vmul.f32 v21, v6;
	v16 =	vadd.f32 v17, v16;
	v17 =	vmul.f32 v22, v2;
	v22 =	vld [tilespmem:s3+$0x64E0]  }
0x10a: {  	v21 =	vmul.f32 v23, v3;
	v10 =	vadd.f32 v11, v10;
	v11 =	vmul.f32 v24, v4;
	v24 =	vld [tilespmem:s3+$0x64F0]  }
0x10b: {  	v13 =	vmul.f32 v19, v8;
	v19 =	vld [tilespmem:s3+$0x6500]  }
0x10c: {  	v10 =	vadd.f32 v62, v10;
	v62 =	vmul.f32 v25, v5;
	v25 =	vadd.f32 v21, v17;
	v17 =	vld [tilespmem:s3+$0x6510]  }
0x10d: {  	v14 =	vadd.f32 v16, v14;
	v16 =	vld [tilespmem:s3+$0x6520]  }
0x10e: {  	v23 =	vmul.f32 v29, v6;
	v21 =	vld [tilespmem:s3+$0x6530]  }
0x10f: {  	v12 =	vadd.f32 v13, v12;
	v63 =	vadd.f32 v63, v15;
	v15 =	vmul.f32 v27, v8;
	v27 =	vld [tilespmem:s3+$0x6550]  }
0x110: {  	v13 =	vmul.f32 v26, v9;
	v26 =	vmul.f32 v31, v3;
	v31 =	vld [tilespmem:s3+$0x6570]  }
0x111: {  	v11 =	vadd.f32 v62, v11;
	v12 =	vadd.f32 v63, v12;
	v63 =	vmul.f32 v33, v5;
	v33 =	vld [tilespmem:s3+$0x6580]  }
0x112: {  	v10 =	vadd.f32 v14, v10;
	v62 =	vmul.f32 v32, v4;
	v32 =	vmul.f32 v37, v6;
	v37 =	vld [tilespmem:s3+$0x65A0]  }
0x113: {  	v14 =	vmul.f32 v28, v7;
	v13 =	vadd.f32 v15, v13;
	v15 =	vmul.f32 v34, v9;
	v34 =	vld [tilespmem:s3+$0x65E0]  }
0x114: {  	v29 =	vmul.f32 v38, v2;
	v18 =	vmul.f32 v18, v2;
	v11 =	vadd.f32 v11, v25;
	v25 =	vld [tilespmem:s3+$0x6540]  }
0x115: {  	v20 =	vmul.f32 v20, v3;
	v14 =	vadd.f32 v23, v14;
	v23 =	vmul.f32 v35, v8;
	v35 =	vld [tilespmem:s3+$0x6590]  }
0x116: {  	v28 =	vadd.f32 v63, v62;
	v62 =	vmul.f32 v39, v3;
	v63 =	vmul.f32 v40, v4;
	v39 =	vld [tilespmem:s3+$0x65F0]  }
0x117: {  	v40 =	vmul.f32 v41, v5;
	v11 =	vadd.f32 v11, v12;
	v12 =	vmul.f32 v30, v2;
	v30 =	vld [tilespmem:s3+$0x6560]  }
0x118: {  	v22 =	vmul.f32 v22, v4;
	v24 =	vmul.f32 v24, v5;
	v15 =	vadd.f32 v23, v15;
	v23 =	vld [tilespmem:s3+$0x65D0]  }
0x119: {  	v19 =	vmul.f32 v19, v9;
	v13 =	vadd.f32 v14, v13;
	v14 =	vadd.f32 v40, v63;
	v40 =	vld [tilespmem:s3+$0x6600]  }
0x11a: {  	v17 =	vmul.f32 v17, v8;
	v18 =	vadd.f32 v20, v18;
	v63 =	vmul.f32 v44, v7;
	v44 =	vld [tilespmem:s3+$0x6620]  }
0x11b: {  	v22 =	vadd.f32 v24, v22;
	v29 =	vadd.f32 v62, v29;
	v62 =	vmul.f32 v43, v8;
	v43 =	vld [tilespmem:s3+$0x6660]  }
0x11c: {  	v17 =	vadd.f32 v17, v19;
	v19 =	vld [tilespmem:s3+$0x6710]  }
0x11d: {  	v45 =	vmul.f32 v45, v6;
	v18 =	vadd.f32 v22, v18;
	v22 =	vld [tilespmem:s3+$0x6730]  }
0x11e: {  	v48 =	vmul.f32 v48, v4;
	v14 =	vadd.f32 v14, v29;
	v29 =	vld [tilespmem:s3+$0x6610]  }
0x11f: {  	v12 =	vadd.f32 v26, v12;
	v26 =	vmul.f32 v36, v7;
	v36 =	vadd.f32 v45, v63;
	v45 =	vld [tilespmem:s3+$0x6670]  }
0x120: {  	v63 =	vmul.f32 v51, v8;
	v51 =	vmul.f32 v35, v8;
	v35 =	vld [tilespmem:s3+$0x6780]  }
0x121: {  	v49 =	vmul.f32 v49, v5;
	v52 =	vmul.f32 v52, v7;
	v41 =	vadd.f32 v32, v26;
	v26 =	vld [tilespmem:s3+$0x65B0]  }
0x122: {  	v53 =	vmul.f32 v53, v6;
	v32 =	vld [tilespmem:s3+$0x65C0];
	v12 =	vadd.f32 v28, v12;
	v28 =	vmul.f32 v42, v9  }
0x123: {  	v54 =	vmul.f32 v54, v2;
	v15 =	vadd.f32 v41, v15;
	v41 =	vadd.f32 v49, v48;
	v48 =	vld [tilespmem:s3+$0x6640]  }
0x124: {  	v55 =	vmul.f32 v55, v3;
	v28 =	vadd.f32 v62, v28;
	v62 =	vmul.f32 v50, v9;
	v50 =	vld [tilespmem:s3+$0x6650]  }
0x125: {  	v56 =	vmul.f32 v56, v4;
	v57 =	vmul.f32 v57, v5;
	v49 =	vld [tilespmem:s3+$0x6690]  }
0x126: {  	v13 =	vadd.f32 v12, v13;
	v12 =	vadd.f32 v14, v15;
	v14 =	vmul.f32 v46, v2;
	v46 =	vld [tilespmem:s3+$0x6630]  }
0x127: {  	v58 =	vmul.f32 v58, v9;
	v15 =	vmul.f32 v47, v3;
	v47 =	vld [tilespmem:s3+$0x66D0]  }
0x128: {  	v38 =	vadd.f32 v63, v62;
	v63 =	vmul.f32 v60, v7;
	v60 =	vmul.f32 v27, v3;
	v27 =	vld [tilespmem:s3+$0x66F0]  }
0x129: {  	v42 =	vadd.f32 v55, v54;
	v62 =	vmul.f32 v59, v8;
	v59 =	vmul.f32 v25, v2;
	v25 =	vld [tilespmem:s3+$0x6720]  }
0x12a: {  	v28 =	vadd.f32 v36, v28;
	v36 =	vadd.f32 v57, v56;
	v54 =	vmul.f32 v32, v2;
	v32 =	vld [tilespmem:s3+$0x6760]  }
0x12b: {  	v16 =	vmul.f32 v16, v7;
	v14 =	vadd.f32 v15, v14;
	v15 =	vadd.f32 v53, v52;
	v52 =	vld [tilespmem:s3+$0x66A0]  }
0x12c: {  	v31 =	vmul.f32 v31, v5;
	v30 =	vmul.f32 v30, v4;
	v36 =	vadd.f32 v36, v42;
	v42 =	vld [tilespmem:s3+$0x66C0]  }
0x12d: {  	v55 =	vmul.f32 v34, v4;
	v57 =	vadd.f32 v62, v58;
	v58 =	vmul.f32 v21, v6;
	v21 =	vld [tilespmem:s3+$0x66E0]  }
0x12e: {  	v23 =	vmul.f32 v23, v3;
	v19 =	vmul.f32 v19, v8;
	v62 =	vadd.f32 v31, v30;
	v31 =	vld [tilespmem:s3+$0x6740]  }
0x12f: {  	v22 =	vmul.f32 v22, v6;
	v29 =	vmul.f32 v29, v8;
	v30 =	vld [tilespmem:s3+$0x6770]  }
0x130: {  	v56 =	vmul.f32 v61, v6;
	v53 =	vmul.f32 v37, v7;
	v37 =	vld [tilespmem:s3+$0x67D0]  }
0x131: {  	v26 =	vmul.f32 v26, v6;
	v14 =	vadd.f32 v41, v14;
	v38 =	vadd.f32 v15, v38;
	v41 =	vld [tilespmem:s3+$0x6680]  }
0x132: {  	v61 =	vadd.f32 v60, v59;
	v16 =	vadd.f32 v58, v16;
	v58 =	vmul.f32 v44, v7;
	v44 =	vld [tilespmem:s3+$0x67A0]  }
0x133: {  	v60 =	vmul.f32 v48, v2;
	v15 =	vadd.f32 v14, v28;
	v14 =	vadd.f32 v36, v38;
	v36 =	vld [tilespmem:s3+$0x66B0]  }
0x134: {  	v49 =	vmul.f32 v49, v8;
	v20 =	vadd.f32 v62, v61;
	v25 =	vmul.f32 v25, v7;
	v38 =	vld [tilespmem:s3+$0x6700]  }
0x135: {  	v28 =	vadd.f32 v56, v63;
	v63 =	vmul.f32 v33, v9;
	v56 =	vmul.f32 v39, v5;
	v39 =	vld [tilespmem:s3+$0x6790]  }
0x136: {  	v61 =	vmul.f32 v50, v3;
	v62 =	vmul.f32 v43, v4;
	v22 =	vadd.f32 v22, v25;
	v25 =	vld [tilespmem:s3+$0x6870]  }
0x137: {  	v17 =	vadd.f32 v16, v17;
	v24 =	vadd.f32 v51, v63;
	v63 =	vmul.f32 v45, v5;
	v45 =	vld [tilespmem:s3+$0x67B0]  }
0x138: {  	v59 =	vmul.f32 v46, v6;
	v28 =	vadd.f32 v28, v57;
	v57 =	vmul.f32 v40, v9;
	v40 =	vld [tilespmem:s3+$0x67F0]  }
0x139: {  	v27 =	vmul.f32 v27, v5;
	v17 =	vadd.f32 v20, v17;
	v20 =	vadd.f32 v23, v54;
	v54 =	vld [tilespmem:s3+$0x6820]  }
0x13a: {  	v32 =	vmul.f32 v32, v4;
	v21 =	vmul.f32 v21, v4;
	v33 =	vadd.f32 v56, v55;
	v56 =	vld [tilespmem:s3+$0x6830]  }
0x13b: {  	v30 =	vmul.f32 v30, v5;
	v51 =	vmul.f32 v42, v2;
	v42 =	vld [tilespmem:s3+$0x6840]  }
0x13c: {  	v34 =	vadd.f32 v61, v60;
	v50 =	vmul.f32 v52, v7;
	v23 =	vadd.f32 v59, v58;
	v58 =	vld [tilespmem:s3+$0x6850]  }
0x13d: {  	v52 =	vmul.f32 v47, v3;
	v59 =	vld [tilespmem:s3+$0x6860];
	v21 =	vadd.f32 v27, v21;
	v60 =	vadd.f32 v30, v32  }
0x13e: {  	v48 =	vmul.f32 v41, v9;
	v41 =	vld [tilespmem:s3+$0x6800];
	v16 =	vadd.f32 v18, v28;
	v18 =	vadd.f32 v26, v53  }
0x13f: {  	v30 =	vld [tilespmem:s3+$0x6880];
	v44 =	vmul.f32 v44, v7;
	v26 =	vadd.f32 v29, v57;
	v20 =	vadd.f32 v33, v20  }
0x140: {  	v32 =	vld [tilespmem:s3+$0x68A0];
	v57 =	vmul.f32 v31, v2;
	v36 =	vmul.f32 v36, v6;
	v33 =	vadd.f32 v49, v48  }
0x141: {  	v28 =	vld [tilespmem:s3+$0x6750];
	v55 =	vmul.f32 v38, v9;
	v48 =	vmul.f32 v37, v3;
	v18 =	vadd.f32 v18, v24  }
0x142: {  	v29 =	vld [tilespmem:s3+$0x67C0];
	v24 =	vadd.f32 v63, v62;
	v62 =	vmul.f32 v35, v9;
	v63 =	vmul.f32 v39, v8  }
0x143: {  	v53 =	vld [tilespmem:s3+$0x6810];
	v23 =	vadd.f32 v23, v26;
	v25 =	vmul.f32 v25, v5;
	v46 =	vmul.f32 v45, v6  }
0x144: {  	v49 =	vld [tilespmem:s3+$0x68C0];
	v19 =	vadd.f32 v19, v55;
	v54 =	vmul.f32 v54, v7;
	v55 =	vmul.f32 v56, v6  }
0x145: {  	v26 =	vld [tilespmem:s3+$0x67E0];
	v31 =	vmul.f32 v58, v3;
	v59 =	vmul.f32 v59, v4;
	v24 =	vadd.f32 v24, v34  }
0x146: {  	v56 =	vld [tilespmem:s3+$0x68F0];
	v18 =	vadd.f32 v20, v18;
	v20 =	vadd.f32 v36, v50;
	v50 =	vmul.f32 v40, v5  }
0x147: {  	v58 =	vld [tilespmem:s3+$0x6900];
	v43 =	vmul.f32 v30, v9;
	v28 =	vmul.f32 v28, v3;
	v19 =	vadd.f32 v22, v19  }
0x148: {  	v36 =	vld [tilespmem:s3+$0x68B0];
	v47 =	vmul.f32 v29, v2;
	v29 =	vadd.f32 v55, v54;
	v25 =	vadd.f32 v25, v59  }
0x149: {  	v22 =	vld [tilespmem:s3+$0x6890];
	v23 =	vadd.f32 v24, v23;
	v24 =	vadd.f32 v52, v51;
	v51 =	vmul.f32 v41, v9  }
0x14a: {  	v20 =	vadd.f32 v20, v33;
	v52 =	vmul.f32 v53, v8;
	v53 =	vld [tilespmem:s3+$0x68E0];
	v49 =	vmul.f32 v49, v2  }
0x14b: {  	v27 =	vadd.f32 v28, v57;
	v26 =	vmul.f32 v26, v4;
	v28 =	vld [tilespmem:s3+$0x68D0];
	v21 =	vadd.f32 v21, v24  }
0x14c: {  	v57 =	vmul.f32 v42, v2;
	v24 =	vadd.f32 v48, v47;
	v35 =	vadd.f32 v52, v51;
	v47 =	vld [tilespmem:s3+$0x6950]  }
0x14d: {  	v54 =	vmul.f32 v56, v5;
	v61 =	vadd.f32 v60, v27;
	v27 =	vadd.f32 v63, v62;
	v60 =	vld [tilespmem:s3+$0x6910]  }
0x14e: {  	(xrf2) =	vadd.scan.msk.f32 $0xffff, v10;
	v55 =	vmul.f32 v58, v9;
	v26 =	vadd.f32 v50, v26;
	v62 =	vadd.f32 v31, v57;
	v63 =	vld [tilespmem:s3+$0x6930]  }
0x14f: {  	(xrf2) =	vadd.scan.msk.f32 $0xffff, v11;
	v48 =	vmul.f32 v36, v6;
	v50 =	vld [tilespmem:s3+$0x6960];
	v20 =	vadd.f32 v21, v20;
	v21 =	vadd.f32 v46, v44  }
0x150: {  	(xrf2) =	vadd.scan.msk.f32 $0xffff, v13;
	v40 =	vadd.f32 v29, v35;
	v44 =	vld [tilespmem:s3+$0x6940];
	v45 =	vmul.f32 v22, v8;
	v19 =	vadd.f32 v61, v19  }
0x151: {  	(xrf2) =	vadd.scan.msk.f32 $0xffff, v12;
	v46 =	vmul.f32 v32, v7;
	v61 =	vld [tilespmem:s3+$0x6920];
	v39 =	vadd.f32 v26, v24;
	v10 =	vadd.f32 v25, v62  }
0x152: {  	(xrf2) =	vadd.scan.msk.f32 $0xffff, v15;
	v52 =	vmul.f32 v53, v4;
	v53 =	vld [tilespmem:s3+$0x6970];
	v21 =	vadd.f32 v21, v27;
	v13 =	vadd.f32 v45, v43  }
0x153: {  	(xrf2) =	vadd.scan.msk.f32 $0xffff, v14;
	v51 =	vmul.f32 v28, v3;
	v12 =	vadd.f32 v48, v46;
	v10 =	vadd.f32 v10, v40  }
0x154: {  	(xrf2) =	vadd.scan.msk.f32 $0xffff, v16;
	v14 =	vadd.f32 v54, v52;
	v11 =	vadd.f32 v39, v21;
	v56 =	vmul.f32 v60, v8  }
0x155: {  	(xrf2) =	vadd.scan.msk.f32 $0xffff, v17;
	v15 =	vadd.f32 v51, v49;
	v58 =	vmul.f32 v63, v6;
	v60 =	vmul.f32 v47, v3  }
0x156: {  	(xrf2) =	vadd.scan.msk.f32 $0xffff, v18;
	v12 =	vadd.f32 v12, v13;
	v59 =	vmul.f32 v44, v2;
	v57 =	vmul.f32 v61, v7  }
0x157: {  	(xrf2) =	vadd.scan.msk.f32 $0xffff, v23;
	v14 =	vadd.f32 v14, v15;
	v61 =	vmul.f32 v50, v4;
	v62 =	vmul.f32 v53, v5  }
0x158: {  	v63, _, _ =	vpop (xrf2);
	(xrf2) =	vadd.scan.msk.f32 $0xffff, v20;
	v16 =	vadd.f32 v56, v55;
	v13 =	vadd.f32 v60, v59  }
0x159: {  	v27, _, _ =	vpop (xrf2);
	(xrf2) =	vadd.scan.msk.f32 $0xffff, v19;
	v17 =	vadd.f32 v58, v57;
	v15 =	vadd.f32 v62, v61  }
0x15a: {  	v28 =	vbroadcast v63, $0xF;
	v29 =	vbroadcast v27, $0xF;
	v30, _, _ =	vpop (xrf2);
	(xrf2) =	vadd.scan.msk.f32 $0xffff, v11;
	v31 =	vadd.f32 v14, v12  }
0x15b: {  	v32 =	vbroadcast v30, $0xF;
	v33, _, _ =	vpop (xrf2);
	(xrf2) =	vadd.scan.msk.f32 $0xffff, v10;
	v34 =	vadd.f32 v17, v16;
	v13 =	vadd.f32 v15, v13  }
0x15c: {  	v35 =	vsel vm0, v28, v29;
	v14 =	vbroadcast v33, $0xF;
	v36, _, _ =	vpop (xrf2);
	(xrf2) =	vadd.scan.msk.f32 $0xffff, v31  }
0x15d: {  	v37 =	vsel vm1, v35, v32;
	v38 =	vbroadcast v36, $0xF;
	v39, _, _ =	vpop (xrf2);
	v10 =	vadd.f32 v13, v34  }
0x15e: {  	v11 =	vsel vm2, v37, v14;
	v40 =	vbroadcast v39, $0xF;
	v41, _, _ =	vpop (xrf2)  }
0x15f: {  	v11 =	vsel vm3, v11, v38;
	v42 =	vbroadcast v41, $0xF;
	v43, _, _ =	vpop (xrf2);
	(xrf2) =	vadd.scan.msk.f32 $0xffff, v10  }
0x160: {  	v44 =	vsel vm4, v11, v40;
	v45 =	vbroadcast v43, $0xF;
	v46, _, _ =	vpop (xrf2)  }
0x161: {  	v47 =	vbroadcast v46, $0xF;
	v48, _, _ =	vpop (xrf2);
	v10 =	vsel vm5, v44, v42  }
0x162: {  	v49 =	vbroadcast v48, $0xF;
	v50, _, _ =	vpop (xrf2);
	v10 =	vsel vm6, v10, v45  }
0x163: {  	v51 =	vbroadcast v50, $0xF;
	v52, _, _ =	vpop (xrf2);
	v10 =	vsel vm7, v10, v47  }
0x164: {  	v53 =	vbroadcast v52, $0xF;
	v54, _, _ =	vpop (xrf2);
	v10 =	vsel vm8, v10, v49  }
0x165: {  	v55 =	vbroadcast v54, $0xF;
	v56, _, _ =	vpop (xrf2);
	v10 =	vsel vm9, v10, v51  }
0x166: {  	v57 =	vbroadcast v56, $0xF;
	v10 =	vsel vm10, v10, v53;
	v58, _, _ =	vpop (xrf2)  }
0x167: {  	v10 =	vsel vm11, v10, v55;
	v59 =	vbroadcast v58, $0xF  }
0x168: {  	v10 =	vsel vm12, v10, v57  }
0x169: {  	v10 =	vsel vm13, v10, v59;
	v60, _, _ =	vpop (xrf2)  }
0x16a: {  	v10 =	vsel vm14, v10, v60  }
0x16b: {  	[tilespmem:v1+s31+$0x10 ss:$0x1] =	vst.idx.msk $0xffff, v10  }
0x16c: {  	v10 =	vld [tilespmem:s3+$0x6980]  }
0x16d: {  	v11 =	vld [tilespmem:s3+$0x6990]  }
0x16e: {  	v12 =	vld [tilespmem:s3+$0x69A0]  }
0x16f: {  	v13 =	vld [tilespmem:s3+$0x69B0]  }
0x170: {  	v61 =	vld [tilespmem:s3+$0x69C0]  }
0x171: {  	v62 =	vld [tilespmem:s3+$0x69D0]  }
0x172: {  	v63 =	vld [tilespmem:s3+$0x69E0]  }
0x173: {  	v60 =	vld [tilespmem:s3+$0x69F0]  }
0x174: {  	v18 =	vld [tilespmem:s3+$0x6A00]  }
0x175: {  	v19 =	vld [tilespmem:s3+$0x6A10]  }
0x176: {  	v20 =	vld [tilespmem:s3+$0x6A20]  }
0x177: {  	v21 =	vld [tilespmem:s3+$0x6A30]  }
0x178: {  	v22 =	vld [tilespmem:s3+$0x6A40]  }
0x179: {  	v23 =	vld [tilespmem:s3+$0x6A50]  }
0x17a: {  	v24 =	vld [tilespmem:s3+$0x6A60]  }
0x17b: {  	v25 =	vld [tilespmem:s3+$0x6A70]  }
0x17c: {  	v26 =	vld [tilespmem:s3+$0x6A80]  }
0x17d: {  	v27 =	vld [tilespmem:s3+$0x6A90]  }
0x17e: {  	v28 =	vld [tilespmem:s3+$0x6AA0]  }
0x17f: {  	v29 =	vld [tilespmem:s3+$0x6AB0]  }
0x180: {  	v30 =	vld [tilespmem:s3+$0x6AC0]  }
0x181: {  	v31 =	vld [tilespmem:s3+$0x6AD0]  }
0x182: {  	v32 =	vld [tilespmem:s3+$0x6AE0]  }
0x183: {  	v33 =	vld [tilespmem:s3+$0x6AF0]  }
0x184: {  	v34 =	vld [tilespmem:s3+$0x6B00]  }
0x185: {  	v35 =	vld [tilespmem:s3+$0x6B10]  }
0x186: {  	v36 =	vld [tilespmem:s3+$0x6B20]  }
0x187: {  	v37 =	vld [tilespmem:s3+$0x6B30]  }
0x188: {  	v38 =	vld [tilespmem:s3+$0x6B40]  }
0x189: {  	v39 =	vld [tilespmem:s3+$0x6B50]  }
0x18a: {  	v40 =	vld [tilespmem:s3+$0x6B60]  }
0x18b: {  	v41 =	vld [tilespmem:s3+$0x6B70]  }
0x18c: {  	v42 =	vld [tilespmem:s3+$0x6B80]  }
0x18d: {  	v43 =	vld [tilespmem:s3+$0x6B90]  }
0x18e: {  	v44 =	vld [tilespmem:s3+$0x6BA0]  }
0x18f: {  	v45 =	vld [tilespmem:s3+$0x6BB0]  }
0x190: {  	v46 =	vld [tilespmem:s3+$0x6BC0]  }
0x191: {  	v47 =	vld [tilespmem:s3+$0x6BD0]  }
0x192: {  	v48 =	vld [tilespmem:s3+$0x6BE0]  }
0x193: {  	v49 =	vld [tilespmem:s3+$0x6BF0]  }
0x194: {  	v50 =	vld [tilespmem:s3+$0x6C00]  }
0x195: {  	v51 =	vld [tilespmem:s3+$0x6C10]  }
0x196: {  	v52 =	vld [tilespmem:s3+$0x6C20]  }
0x197: {  	v53 =	vld [tilespmem:s3+$0x6C30]  }
0x198: {  	v54 =	vld [tilespmem:s3+$0x6C40]  }
0x199: {  	v55 =	vld [tilespmem:s3+$0x6C50]  }
0x19a: {  	v56 =	vld [tilespmem:s3+$0x6C60]  }
0x19b: {  	v57 =	vld [tilespmem:s3+$0x6C70];
	v10 =	vmul.f32 v10, v9  }
0x19c: {  	v58 =	vld [tilespmem:s3+$0x6C80];
	v11 =	vmul.f32 v11, v8;
	v12 =	vmul.f32 v12, v7  }
0x19d: {  	v59 =	vld [tilespmem:s3+$0x6C90];
	v13 =	vmul.f32 v13, v6;
	v14 =	vmul.f32 v61, v2  }
0x19e: {  	v15 =	vmul.f32 v62, v3;
	v17 =	vmul.f32 v60, v5;
	v60 =	vld [tilespmem:s3+$0x6CA0]  }
0x19f: {  	v16 =	vmul.f32 v63, v4;
	v61 =	vmul.f32 v23, v3;
	v23 =	vld [tilespmem:s3+$0x6CD0]  }
0x1a0: {  	v62 =	vmul.f32 v24, v4;
	v63 =	vmul.f32 v25, v5;
	v25 =	vld [tilespmem:s3+$0x6CE0]  }
0x1a1: {  	v10 =	vadd.f32 v11, v10;
	v11 =	vmul.f32 v18, v9;
	v18 =	vmul.f32 v19, v8;
	v19 =	vld [tilespmem:s3+$0x6CB0]  }
0x1a2: {  	v12 =	vadd.f32 v13, v12;
	v13 =	vmul.f32 v20, v7;
	v20 =	vmul.f32 v21, v6;
	v21 =	vld [tilespmem:s3+$0x6CC0]  }
0x1a3: {  	v16 =	vadd.f32 v17, v16;
	v17 =	vadd.f32 v63, v62;
	v63 =	vmul.f32 v31, v3;
	v31 =	vld [tilespmem:s3+$0x6D70]  }
0x1a4: {  	v62 =	vmul.f32 v27, v8;
	v27 =	vmul.f32 v35, v8;
	v35 =	vld [tilespmem:s3+$0x6D90]  }
0x1a5: {  	v14 =	vadd.f32 v15, v14;
	v15 =	vmul.f32 v22, v2;
	v11 =	vadd.f32 v18, v11;
	v18 =	vld [tilespmem:s3+$0x6CF0]  }
0x1a6: {  	v13 =	vadd.f32 v20, v13;
	v20 =	vld [tilespmem:s3+$0x6D00]  }
0x1a7: {  	v15 =	vadd.f32 v61, v15;
	v22 =	vadd.f32 v16, v14;
	v16 =	vld [tilespmem:s3+$0x6D10]  }
0x1a8: {  	v10 =	vadd.f32 v12, v10;
	v61 =	vmul.f32 v26, v9;
	v26 =	vmul.f32 v30, v2;
	v30 =	vld [tilespmem:s3+$0x6D60]  }
0x1a9: {  	v24 =	vadd.f32 v17, v15;
	v17 =	vld [tilespmem:s3+$0x6D20]  }
0x1aa: {  	v10 =	vadd.f32 v22, v10;
	v22 =	vld [tilespmem:s3+$0x6D30]  }
0x1ab: {  	v23 =	vmul.f32 v23, v3;
	v11 =	vadd.f32 v13, v11;
	v13 =	vmul.f32 v28, v7;
	v28 =	vld [tilespmem:s3+$0x6D50]  }
0x1ac: {  	v25 =	vmul.f32 v25, v4;
	v12 =	vadd.f32 v62, v61;
	v62 =	vmul.f32 v33, v5;
	v33 =	vld [tilespmem:s3+$0x6D80]  }
0x1ad: {  	v61 =	vmul.f32 v32, v4;
	v32 =	vmul.f32 v37, v6;
	v37 =	vld [tilespmem:s3+$0x6DA0]  }
0x1ae: {  	v15 =	vmul.f32 v29, v6;
	v29 =	vmul.f32 v36, v7;
	v36 =	vld [tilespmem:s3+$0x6DD0]  }
0x1af: {  	v63 =	vadd.f32 v63, v26;
	v26 =	vmul.f32 v34, v9;
	v34 =	vmul.f32 v43, v8;
	v43 =	vld [tilespmem:s3+$0x6E00]  }
0x1b0: {  	v21 =	vmul.f32 v21, v2;
	v11 =	vadd.f32 v24, v11;
	v24 =	vld [tilespmem:s3+$0x6D40];
	v14 =	vadd.f32 v62, v61  }
0x1b1: {  	v61 =	vmul.f32 v38, v2;
	v26 =	vadd.f32 v27, v26;
	v27 =	vmul.f32 v42, v9;
	v42 =	vld [tilespmem:s3+$0x6DF0]  }
0x1b2: {  	v62 =	vmul.f32 v39, v3;
	v39 =	vmul.f32 v45, v6;
	v45 =	vld [tilespmem:s3+$0x6E10]  }
0x1b3: {  	v13 =	vadd.f32 v15, v13;
	v38 =	vmul.f32 v44, v7;
	v44 =	vmul.f32 v51, v8;
	v51 =	vld [tilespmem:s3+$0x6E40]  }
0x1b4: {  	v18 =	vmul.f32 v18, v5;
	v21 =	vadd.f32 v23, v21;
	v23 =	vld [tilespmem:s3+$0x6ED0];
	v14 =	vadd.f32 v14, v63  }
0x1b5: {  	v63 =	vmul.f32 v40, v4;
	v40 =	vmul.f32 v41, v5;
	v41 =	vadd.f32 v32, v29;
	v29 =	vld [tilespmem:s3+$0x6DB0]  }
0x1b6: {  	v20 =	vmul.f32 v20, v9;
	v16 =	vmul.f32 v16, v8;
	v32 =	vld [tilespmem:s3+$0x6DC0]  }
0x1b7: {  	v12 =	vadd.f32 v13, v12;
	v13 =	vadd.f32 v62, v61;
	v62 =	vmul.f32 v47, v3;
	v47 =	vld [tilespmem:s3+$0x6E20]  }
0x1b8: {  	v18 =	vadd.f32 v18, v25;
	v25 =	vld [tilespmem:s3+$0x6EE0]  }
0x1b9: {  	v61 =	vmul.f32 v46, v2;
	v27 =	vadd.f32 v34, v27;
	v16 =	vadd.f32 v16, v20;
	v20 =	vld [tilespmem:s3+$0x6F10]  }
0x1ba: {  	v34 =	vmul.f32 v50, v9;
	v38 =	vadd.f32 v39, v38;
	v50 =	vmul.f32 v37, v7;
	v37 =	vld [tilespmem:s3+$0x6F60]  }
0x1bb: {  	v39 =	vmul.f32 v52, v7;
	v46 =	vmul.f32 v53, v6;
	v15 =	vadd.f32 v40, v63;
	v40 =	vld [tilespmem:s3+$0x6DE0]  }
0x1bc: {  	v63 =	vmul.f32 v49, v5;
	v49 =	vld [tilespmem:s3+$0x6E30]  }
0x1bd: {  	v34 =	vadd.f32 v44, v34;
	v39 =	vadd.f32 v46, v39;
	v44 =	vld [tilespmem:s3+$0x6E50]  }
0x1be: {  	v17 =	vmul.f32 v17, v7;
	v46 =	vld [tilespmem:s3+$0x6E60];
	v27 =	vadd.f32 v38, v27;
	v15 =	vadd.f32 v15, v13  }
0x1bf: {  	v38 =	vld [tilespmem:s3+$0x6E70];
	v13 =	vadd.f32 v14, v12;
	v14 =	vadd.f32 v62, v61;
	v61 =	vmul.f32 v54, v2  }
0x1c0: {  	v62 =	vmul.f32 v55, v3;
	v54 =	vmul.f32 v57, v5;
	v34 =	vadd.f32 v39, v34;
	v39 =	vld [tilespmem:s3+$0x6E80]  }
0x1c1: {  	v55 =	vmul.f32 v58, v9;
	v58 =	vmul.f32 v28, v3;
	v28 =	vld [tilespmem:s3+$0x6EF0]  }
0x1c2: {  	v26 =	vadd.f32 v41, v26;
	v57 =	vmul.f32 v60, v7;
	v60 =	vmul.f32 v31, v5;
	v31 =	vld [tilespmem:s3+$0x6F00]  }
0x1c3: {  	v24 =	vmul.f32 v24, v2;
	v52 =	vmul.f32 v32, v2;
	v32 =	vld [tilespmem:s3+$0x6F50]  }
0x1c4: {  	v22 =	vmul.f32 v22, v6;
	v12 =	vadd.f32 v15, v26;
	v15 =	vmul.f32 v48, v4;
	v48 =	vld [tilespmem:s3+$0x6E90]  }
0x1c5: {  	v19 =	vmul.f32 v19, v6;
	v41 =	vadd.f32 v62, v61;
	v61 =	vadd.f32 v58, v24;
	v24 =	vld [tilespmem:s3+$0x6F20]  }
0x1c6: {  	v53 =	vmul.f32 v36, v3;
	v17 =	vadd.f32 v22, v17;
	v62 =	vmul.f32 v33, v9;
	v33 =	vld [tilespmem:s3+$0x6F30]  }
0x1c7: {  	v29 =	vmul.f32 v29, v6;
	v19 =	vadd.f32 v19, v57;
	v57 =	vmul.f32 v45, v8;
	v45 =	vld [tilespmem:s3+$0x6F80]  }
0x1c8: {  	v58 =	vmul.f32 v47, v7;
	v47 =	vld [tilespmem:s3+$0x6F90];
	v15 =	vadd.f32 v63, v15;
	v63 =	vmul.f32 v56, v4  }
0x1c9: {  	v25 =	vmul.f32 v25, v4;
	v22 =	vadd.f32 v29, v50;
	v50 =	vld [tilespmem:s3+$0x7010];
	v56 =	vmul.f32 v59, v8  }
0x1ca: {  	v59 =	vmul.f32 v30, v4;
	v26 =	vadd.f32 v54, v63;
	v63 =	vmul.f32 v35, v8;
	v35 =	vld [tilespmem:s3+$0x6F40]  }
0x1cb: {  	v18 =	vadd.f32 v18, v21;
	v28 =	vmul.f32 v28, v5;
	v54 =	vmul.f32 v40, v4;
	v40 =	vld [tilespmem:s3+$0x6FB0]  }
0x1cc: {  	v17 =	vadd.f32 v17, v16;
	v21 =	vadd.f32 v60, v59;
	v59 =	vmul.f32 v49, v6;
	v49 =	vld [tilespmem:s3+$0x7000]  }
0x1cd: {  	v23 =	vmul.f32 v23, v3;
	v14 =	vadd.f32 v15, v14;
	v25 =	vadd.f32 v28, v25;
	v28 =	vld [tilespmem:s3+$0x7080]  }
0x1ce: {  	v20 =	vmul.f32 v20, v8;
	v60 =	vmul.f32 v51, v2;
	v26 =	vadd.f32 v26, v41;
	v41 =	vld [tilespmem:s3+$0x6EB0]  }
0x1cf: {  	v15 =	vadd.f32 v14, v27;
	v27 =	vadd.f32 v56, v55;
	v55 =	vmul.f32 v42, v5;
	v42 =	vld [tilespmem:s3+$0x6F70]  }
0x1d0: {  	v51 =	vmul.f32 v31, v9;
	v21 =	vadd.f32 v21, v61;
	v61 =	vmul.f32 v46, v4;
	v46 =	vld [tilespmem:s3+$0x6FA0]  }
0x1d1: {  	v44 =	vmul.f32 v44, v3;
	v38 =	vmul.f32 v38, v5;
	v29 =	vadd.f32 v59, v58;
	v59 =	vld [tilespmem:s3+$0x7060]  }
0x1d2: {  	v32 =	vmul.f32 v32, v3;
	v24 =	vmul.f32 v24, v7;
	v20 =	vadd.f32 v20, v51;
	v51 =	vld [tilespmem:s3+$0x70E0]  }
0x1d3: {  	v56 =	vmul.f32 v43, v9;
	v14 =	vadd.f32 v26, v34;
	v34 =	vld [tilespmem:s3+$0x6EA0];
	v19 =	vadd.f32 v19, v27  }
0x1d4: {  	v43 =	vmul.f32 v48, v8;
	v26 =	vld [tilespmem:s3+$0x6EC0];
	v17 =	vadd.f32 v21, v17;
	v27 =	vadd.f32 v63, v62  }
0x1d5: {  	v21 =	vadd.f32 v55, v54;
	v36 =	vadd.f32 v38, v61;
	v38 =	vld [tilespmem:s3+$0x6FC0];
	v63 =	vmul.f32 v39, v9  }
0x1d6: {  	v30 =	vadd.f32 v57, v56;
	v54 =	vld [tilespmem:s3+$0x7040];
	v57 =	vmul.f32 v37, v4;
	v61 =	vmul.f32 v45, v9  }
0x1d7: {  	v56 =	vld [tilespmem:s3+$0x7050];
	v55 =	vmul.f32 v35, v2;
	v40 =	vmul.f32 v40, v6;
	v16 =	vadd.f32 v18, v19  }
0x1d8: {  	v37 =	vld [tilespmem:s3+$0x7090];
	v49 =	vmul.f32 v49, v9;
	v18 =	vadd.f32 v53, v52;
	v19 =	vadd.f32 v44, v60  }
0x1d9: {  	v45 =	vld [tilespmem:s3+$0x70B0];
	v22 =	vadd.f32 v22, v27;
	v62 =	vadd.f32 v29, v30;
	v53 =	vmul.f32 v33, v6  }
0x1da: {  	v29 =	vld [tilespmem:s3+$0x6FE0];
	v30 =	vmul.f32 v50, v8;
	v48 =	vmul.f32 v41, v6;
	v18 =	vadd.f32 v21, v18  }
0x1db: {  	v52 =	vld [tilespmem:s3+$0x7030];
	v58 =	vmul.f32 v42, v5;
	v19 =	vadd.f32 v36, v19;
	v24 =	vadd.f32 v53, v24  }
0x1dc: {  	v60 =	vld [tilespmem:s3+$0x7070];
	v30 =	vadd.f32 v30, v49;
	v44 =	vmul.f32 v34, v7;
	v26 =	vmul.f32 v26, v2  }
0x1dd: {  	v42 =	vld [tilespmem:s3+$0x70A0];
	v53 =	vmul.f32 v56, v3;
	v33 =	vmul.f32 v37, v8;
	v18 =	vadd.f32 v18, v22  }
0x1de: {  	v50 =	vld [tilespmem:s3+$0x70D0];
	v19 =	vadd.f32 v19, v62;
	v22 =	vadd.f32 v43, v63;
	v62 =	vmul.f32 v47, v8  }
0x1df: {  	v21 =	vld [tilespmem:s3+$0x6FD0];
	v63 =	vmul.f32 v46, v7;
	v27 =	vadd.f32 v48, v44;
	v44 =	vmul.f32 v38, v2  }
0x1e0: {  	v36 =	vld [tilespmem:s3+$0x6FF0];
	v20 =	vadd.f32 v24, v20;
	v46 =	vmul.f32 v29, v4;
	v31 =	vmul.f32 v52, v6  }
0x1e1: {  	v34 =	vld [tilespmem:s3+$0x7020];
	v23 =	vadd.f32 v23, v26;
	v52 =	vmul.f32 v54, v2;
	v26 =	vmul.f32 v60, v5  }
0x1e2: {  	(xrf2) =	vadd.scan.msk.f32 $0xffff, v10;
	v56 =	vld [tilespmem:s3+$0x7100];
	v24 =	vadd.f32 v62, v61;
	v37 =	vmul.f32 v42, v7;
	v42 =	vmul.f32 v45, v6  }
0x1e3: {  	(xrf2) =	vadd.scan.msk.f32 $0xffff, v11;
	v43 =	vld [tilespmem:s3+$0x7160];
	v45 =	vmul.f32 v50, v3;
	v22 =	vadd.f32 v27, v22;
	v23 =	vadd.f32 v25, v23  }
0x1e4: {  	(xrf2) =	vadd.scan.msk.f32 $0xffff, v13;
	v48 =	vld [tilespmem:s3+$0x70C0];
	v27 =	vadd.f32 v32, v55;
	v25 =	vadd.f32 v58, v57;
	v21 =	vmul.f32 v21, v3  }
0x1e5: {  	(xrf2) =	vadd.scan.msk.f32 $0xffff, v12;
	v54 =	vld [tilespmem:s3+$0x70F0];
	v47 =	vmul.f32 v36, v5;
	v55 =	vmul.f32 v59, v4;
	v12 =	vadd.f32 v42, v37  }
0x1e6: {  	v60 =	vld [tilespmem:s3+$0x7130];
	v34 =	vmul.f32 v34, v7;
	v25 =	vadd.f32 v25, v27;
	v22 =	vadd.f32 v23, v22  }
0x1e7: {  	v62 =	vld [tilespmem:s3+$0x7140];
	v49 =	vmul.f32 v56, v9;
	v27 =	vadd.f32 v40, v63;
	v21 =	vadd.f32 v21, v44  }
0x1e8: {  	v57 =	vld [tilespmem:s3+$0x7110];
	v23 =	vadd.f32 v53, v52;
	v26 =	vadd.f32 v26, v55;
	v63 =	vmul.f32 v28, v9  }
0x1e9: {  	v58 =	vld [tilespmem:s3+$0x7120];
	v55 =	vmul.f32 v43, v4;
	v31 =	vadd.f32 v31, v34;
	v44 =	vmul.f32 v48, v2  }
0x1ea: {  	v34 =	vld [tilespmem:s3+$0x7150];
	v48 =	vmul.f32 v54, v5;
	v20 =	vadd.f32 v25, v20;
	v25 =	vadd.f32 v47, v46  }
0x1eb: {  	(xrf2) =	vadd.scan.msk.f32 $0xffff, v15;
	v52 =	vmul.f32 v60, v6;
	v59 =	vadd.f32 v27, v24;
	v23 =	vadd.f32 v26, v23;
	v46 =	vld [tilespmem:s3+$0x7170]  }
0x1ec: {  	(xrf2) =	vadd.scan.msk.f32 $0xffff, v14;
	v13 =	vadd.f32 v33, v63;
	v47 =	vmul.f32 v51, v4;
	v61 =	vadd.f32 v31, v30  }
0x1ed: {  	(xrf2) =	vadd.scan.msk.f32 $0xffff, v16;
	v15 =	vadd.f32 v45, v44;
	v50 =	vmul.f32 v57, v8;
	v21 =	vadd.f32 v25, v21  }
0x1ee: {  	(xrf2) =	vadd.scan.msk.f32 $0xffff, v17;
	v51 =	vmul.f32 v58, v7;
	v14 =	vadd.f32 v48, v47;
	v12 =	vadd.f32 v12, v13  }
0x1ef: {  	(xrf2) =	vadd.scan.msk.f32 $0xffff, v18;
	v53 =	vmul.f32 v62, v2;
	v11 =	vadd.f32 v23, v61;
	v16 =	vadd.f32 v50, v49  }
0x1f0: {  	(xrf2) =	vadd.scan.msk.f32 $0xffff, v19;
	v17 =	vadd.f32 v52, v51;
	v54 =	vmul.f32 v34, v3;
	v56 =	vmul.f32 v46, v5  }
0x1f1: {  	v57, _, _ =	vpop (xrf2);
	(xrf2) =	vadd.scan.msk.f32 $0xffff, v22;
	v10 =	vadd.f32 v21, v59;
	v14 =	vadd.f32 v14, v15  }
0x1f2: {  	v58, _, _ =	vpop (xrf2);
	(xrf2) =	vadd.scan.msk.f32 $0xffff, v20;
	v13 =	vadd.f32 v54, v53;
	v15 =	vadd.f32 v56, v55  }
0x1f3: {  	v60 =	vbroadcast v58, $0xF;
	v59 =	vbroadcast v57, $0xF;
	v61, _, _ =	vpop (xrf2);
	(xrf2) =	vadd.scan.msk.f32 $0xffff, v10;
	v62 =	vadd.f32 v14, v12  }
0x1f4: {  	v21 =	vadd.f32 v17, v16;
	v63 =	vbroadcast v61, $0xF;
	v20, _, _ =	vpop (xrf2);
	(xrf2) =	vadd.scan.msk.f32 $0xffff, v11;
	v13 =	vadd.f32 v15, v13  }
0x1f5: {  	v22 =	vsel vm0, v59, v60;
	v14 =	vbroadcast v20, $0xF;
	v23, _, _ =	vpop (xrf2);
	(xrf2) =	vadd.scan.msk.f32 $0xffff, v62  }
0x1f6: {  	v24, _, _ =	vpop (xrf2);
	v12 =	vsel vm1, v22, v63;
	v25 =	vbroadcast v23, $0xF;
	v11 =	vadd.f32 v13, v21  }
0x1f7: {  	v26, _, _ =	vpop (xrf2);
	v12 =	vsel vm2, v12, v14;
	v10 =	vbroadcast v24, $0xF  }
0x1f8: {  	v12 =	vsel vm3, v12, v25;
	v27, _, _ =	vpop (xrf2);
	v13 =	vbroadcast v26, $0xF;
	(xrf2) =	vadd.scan.msk.f32 $0xffff, v11  }
0x1f9: {  	v28, _, _ =	vpop (xrf2);
	v10 =	vsel vm4, v12, v10;
	v29 =	vbroadcast v27, $0xF  }
0x1fa: {  	v30, _, _ =	vpop (xrf2);
	v10 =	vsel vm5, v10, v13;
	v11 =	vbroadcast v28, $0xF  }
0x1fb: {  	v31, _, _ =	vpop (xrf2);
	v32 =	vbroadcast v30, $0xF;
	v10 =	vsel vm6, v10, v29  }
0x1fc: {  	v33, _, _ =	vpop (xrf2);
	v34 =	vbroadcast v31, $0xF;
	v10 =	vsel vm7, v10, v11  }
0x1fd: {  	v36 =	vbroadcast v33, $0xF;
	v35, _, _ =	vpop (xrf2);
	v10 =	vsel vm8, v10, v32  }
0x1fe: {  	v37, _, _ =	vpop (xrf2);
	v10 =	vsel vm9, v10, v34;
	v38 =	vbroadcast v35, $0xF  }
0x1ff: {  	v10 =	vsel vm10, v10, v36;
	v39 =	vbroadcast v37, $0xF;
	v40, _, _ =	vpop (xrf2)  }
0x200: {  	v10 =	vsel vm11, v10, v38;
	v41 =	vbroadcast v40, $0xF  }
0x201: {  	v10 =	vsel vm12, v10, v39  }
0x202: {  	v10 =	vsel vm13, v10, v41;
	v42, _, _ =	vpop (xrf2)  }
0x203: {  	v10 =	vsel vm14, v10, v42  }
0x204: {  	[tilespmem:v1+s31+$0x20 ss:$0x1] =	vst.idx.msk $0xffff, v10  }
0x205: {  	v10 =	vld [tilespmem:s3+$0x7180]  }
0x206: {  	v43 =	vld [tilespmem:s3+$0x7190]  }
0x207: {  	v44 =	vld [tilespmem:s3+$0x71A0]  }
0x208: {  	v45 =	vld [tilespmem:s3+$0x71B0]  }
0x209: {  	v46 =	vld [tilespmem:s3+$0x71C0]  }
0x20a: {  	v47 =	vld [tilespmem:s3+$0x71D0]  }
0x20b: {  	v48 =	vld [tilespmem:s3+$0x71E0]  }
0x20c: {  	v50 =	vld [tilespmem:s3+$0x7200]  }
0x20d: {  	v51 =	vld [tilespmem:s3+$0x7210]  }
0x20e: {  	v52 =	vld [tilespmem:s3+$0x7220]  }
0x20f: {  	v53 =	vld [tilespmem:s3+$0x7230]  }
0x210: {  	v49 =	vld [tilespmem:s3+$0x71F0]  }
0x211: {  	v54 =	vld [tilespmem:s3+$0x7240];
	v10 =	vmul.f32 v10, v9;
	v9 =	vmul.f32 v50, v9  }
0x212: {  	v55 =	vld [tilespmem:s3+$0x7250];
	v11 =	vmul.f32 v43, v8;
	v8 =	vmul.f32 v51, v8  }
0x213: {  	v56 =	vld [tilespmem:s3+$0x7260];
	v12 =	vmul.f32 v44, v7;
	v7 =	vmul.f32 v52, v7  }
0x214: {  	v57 =	vld [tilespmem:s3+$0x7270];
	v13 =	vmul.f32 v45, v6;
	v6 =	vmul.f32 v53, v6  }
0x215: {  	v58 =	vmul.f32 v46, v2;
	v59 =	vmul.f32 v47, v3  }
0x216: {  	v60 =	vmul.f32 v48, v4;
	v61 =	vmul.f32 v49, v5  }
0x217: {  	v2 =	vmul.f32 v54, v2;
	v3 =	vmul.f32 v55, v3  }
0x218: {  	v4 =	vmul.f32 v56, v4;
	v10 =	vadd.f32 v11, v10;
	v12 =	vadd.f32 v13, v12  }
0x219: {  	v5 =	vmul.f32 v57, v5;
	v11 =	vadd.f32 v59, v58;
	v13 =	vadd.f32 v61, v60  }
0x21a: {  	v8 =	vadd.f32 v8, v9;
	v6 =	vadd.f32 v6, v7  }
0x21b: {  	v2 =	vadd.f32 v3, v2;
	v3 =	vadd.f32 v5, v4  }
0x21c: {  	v62 =	vadd.f32 v12, v10;
	v63 =	vadd.f32 v13, v11  }
0x21d: {  	v6 =	vadd.f32 v6, v8;
	v2 =	vadd.f32 v3, v2  }
0x21e: {  	v3 =	vadd.f32 v63, v62  }
0x21f: {  	v2 =	vadd.f32 v2, v6  }
0x220: {  	(xrf2) =	vadd.scan.msk.f32 $0xffff, v3  }
0x221: {  	(xrf2) =	vadd.scan.msk.f32 $0xffff, v2;
	_ =	sdelay $0x8  }
0x222: {  	p0 =	sne.s32 s30, $0x3;
	v2, _, _ =	vpop (xrf2)  }
.Ltmp0:
0x223: {  	v2 =	vbroadcast v2, $0xF;
	v3, _, _ =	vpop (xrf2);
	(pc) =	sbr.rel @p0 .LBB2_3-.Ltmp0, $4  }
0x224: {  	v3 =	vbroadcast v3, $0xF  }
0x225: {  	v2 =	vnsel vm0, $0x0, v2  }
0x226: {  	v2 =	vsel vm15, v2, v3  }
0x227: {  	s30 =	sadd.s32 $0x1, s30;
	[tilespmem:v1+s31+$0x30 ss:$0x1] =	vst.idx.msk $0xffff, v2  }
0x228: {  	s0 =	sshll.u32 s25, $0x2  }
0x229: {  	s25 =	sadd.s32 $0x1, s25;
	s0 =	sadd.s32 s6, s0  }
0x22a: {  	p0 =	sne.s32 s25, $0x20;
	s0 =	smul.u32 $0x32, s0  }
.Ltmp1:
0x22b: {  	_ = 	snop;
	(pc) =	sbr.rel @p0 .LBB2_2-.Ltmp1, $4  }
0x22c: {  	_ = 	snop  }
0x22d: {  	s0 =	sshrl.u32 s0, $0x3  }
0x22e: {  	s3 =	sadd.s32 $0x5, s26;
	s0 =	sadd.s32 s5, s0  }
0x22f: {  	[hbm4b:s0+s4] =	stream.linear.scatter [tilespmem:s28], [sflag:s3], $0xC8, $0x38;
	[tilespmem:$0x1ED00] =	vst v63  }
0x230: {  	_ =	swait.ge [sflag:s20], $0xC8  }
0x231: {  	[sflag:s20] =	ssyncset.done $0x0  }
0x232: {  	[sflag:s20] =	ssyncadd.s32 $0xFFFFFF38  }
0x233: {  	_ =	swait.ge [sflag:s21], $0xC8  }
0x234: {  	[sflag:s21] =	ssyncset.done $0x0  }
0x235: {  	s24 =	sadd.s32 $0x1, s24;
	[sflag:s21] =	ssyncadd.s32 $0xFFFFFF38  }
0x236: {  	p0 =	sne.s32 s24, s9;
	_ =	swait.ge [sflag:s22], $0xC8  }
.Ltmp2:
0x237: {  	[sflag:s22] =	ssyncset.done $0x0;
	(pc) =	sbr.rel @p0 .LBB2_1-.Ltmp2, $4  }
0x238: {  	[sflag:s22] =	ssyncadd.s32 $0xFFFFFF38  }
0x239: {  	_ =	swait.ge [sflag:s23], $0xC8  }
0x23a: {  	[sflag:s23] =	ssyncset.done $0x0  }
0x23b: {  	[sflag:s23] =	ssyncadd.s32 $0xFFFFFF38  }
0x23c: {  	_ =	sfence.sel $0x180000  }
0x23d: {  	[bflag:$0x0] =	sbarrier.arrive $0xFFFF  }
0x23e: {  	_ =	strace $0x90000047  }
0x23f: {  	s0 =	stileid.u32;
	[bflag:$0x2] =	sbarrier.arrive $0xFFFF  }
0x240: {  	p0 =	sne.s32 s0, $0x0;
	s0 =	rddreg [dreg:$0x5]  }
0x241: {  	s0 =	sadd.s32 @!p0 $0x100000, s0  }
0x242: {  	[sflag:s0] =	ssyncadd.tile.s32 @!p0 $0x1;
	_ =	shalt  }
.Lfunc_end2:
_tile_overlayer_lowered:
.L_overlay_start_2:
0x243: {  	(tag) =	ssettag $0x2  }
0x244: {  	s0 =	rddreg [dreg:$0x0];
	s2 =	stileid.u32  }
0x245: {  	s1 =	rddreg [dreg:$0x1];
	p0 =	sne.s32 s2, $0x0  }
0x246: {  	s3 =	rddreg [dreg:$0x2];
	[bflag:$0x3] =	sbarrier.arrive $0xFFFF;
	s2 =	simm.s32 @!p0 $0x1C09  }
0x247: {  	[timem:s3], [sflag:s2] =	dma.local @!p0 [hbm:s0], s1  }
0x248: {  	s0 =	simm.s32 @!p0 $0x9  }
0x249: {  	_ =	swait.ge @!p0 [sflag:s0], s1  }
0x24a: {  	s1 =	ssub.s32 @!p0 $0x0, s1;
	[sflag:s0] =	ssyncset.done @!p0 $0x0  }
0x24b: {  	[sflag:s0] =	ssyncadd.s32 @!p0 s1  }
0x24c: {  	[bflag:$0x3] =	sbarrier.arrive $0xFFFF  }
0x24d: {  	_ =	shalt  }

</sc_bundles>
